<compile_context>
chip_gen: v7x
topology: tpu7x:2x2x1
jax: 0.10.2.dev20260603
libtpu: 0.0.44.dev20260713+nightly
codegen_flags: <defaults>
</compile_context>

<pallas_src>
import functools

import jax
import jax.numpy as jnp
from jax import lax
from jax.experimental import pallas as pl
from jax.experimental.pallas import tpu as pltpu
from jax.experimental.pallas import tpu_sc as plsc

N, NOBJ, B, TOPK = 20000, 100, 8, 100
NPADROWS = 20096
RB = NPADROWS // 128
NEG = float("-inf")

def _topk_body(s_in, bidx_ref, cidx_ref, out_s, out_l, out_i, sc, rowmax, bm):
    def init_blk(i, _):
        blk = s_in[i]
        sc[i] = blk
        rowmax[i, :] = jnp.max(blk, axis=1)
        return 0
    lax.fori_loop(jnp.int32(0), jnp.int32(RB), init_blk, 0)

    flat2d = (lax.broadcasted_iota(jnp.int32, (RB, 128), 0) * 128
              + lax.broadcasted_iota(jnp.int32, (RB, 128), 1)
              ).astype(jnp.float32)
    lane = lax.broadcasted_iota(jnp.int32, (1, 128), 1)
    lanef = lane.astype(jnp.float32)

    for b in range(B):
        bm[...] = jnp.where(bidx_ref[...] == b, rowmax[...], NEG)

        def pop(k, _):
            cur = bm[...]
            m = jnp.max(cur)
            p = jnp.min(jnp.where(cur == m, flat2d, 1e9)).astype(jnp.int32)
            r1 = p // 128
            r2 = p - r1 * 128
            row = sc[r1, pl.ds(r2, 1), :]
            c = jnp.min(jnp.where(row == m, lanef, 1e9)).astype(jnp.int32)
            crow = cidx_ref[pl.ds(r1, 1), :].astype(jnp.float32)
            label = jnp.max(jnp.where(lane == r2, crow, -1.0)
                            ).astype(jnp.int32)
            flatidx = p * NOBJ + c
            out_s[b:b + 1, :] = jnp.where(lane == k, m, out_s[b:b + 1, :])
            out_l[b:b + 1, :] = jnp.where(lane == k, label, out_l[b:b + 1, :])
            out_i[b:b + 1, :] = jnp.where(lane == k, flatidx, out_i[b:b + 1, :])
            newrow = jnp.where(lane == c, NEG, row)
            sc[r1, pl.ds(r2, 1), :] = newrow
            nm = jnp.max(newrow)
            bm[pl.ds(r1, 1), :] = jnp.where(lane == r2, nm,
                                            bm[pl.ds(r1, 1), :])
            return 0
        lax.fori_loop(jnp.int32(0), jnp.int32(TOPK), pop, 0)


def _run_topk(scores3, bidx2, cidx2, interpret=False):
    return pl.pallas_call(
        _topk_body,
        out_shape=[
            jax.ShapeDtypeStruct((B, 128), jnp.float32),
            jax.ShapeDtypeStruct((B, 128), jnp.int32),
            jax.ShapeDtypeStruct((B, 128), jnp.int32),
        ],
        scratch_shapes=[
            pltpu.VMEM((RB, 128, 128), jnp.float32),
            pltpu.VMEM((RB, 128), jnp.float32),
            pltpu.VMEM((RB, 128), jnp.float32),
        ],
        interpret=interpret,
    )(scores3, bidx2, cidx2)


BPAD = 1024
NW = 32
BPW = BPAD // NW
L = 16


def _gather_body(table_hbm, idx_hbm, scale_hbm, bb_hbm, out_hbm,
                 idx_v, rid_v, rows_v, out_v, scale_v, bb_v, sem):
    wid = lax.axis_index("s") * 2 + lax.axis_index("c")
    base = wid * BPW
    pltpu.sync_copy(scale_hbm, scale_v)
    pltpu.sync_copy(idx_hbm.at[pl.ds(base, BPW)], idx_v)
    pltpu.sync_copy(bb_hbm.at[pl.ds(base, BPW)], bb_v)
    for g in range(BPW // L):
        iv = idx_v[pl.ds(g * L, L)]
        rid_v[pl.ds(g * L, L)] = lax.shift_right_logical(iv, jnp.int32(5))
    pltpu.async_copy(table_hbm.at[rid_v], rows_v, sem).wait()
    j16 = lax.iota(jnp.int32, L)
    zeros = jnp.zeros((L,), jnp.int32)
    for g in range(BPW // L):
        iv = idx_v[pl.ds(g * L, L)]
        col = (iv & jnp.int32(31)) * 4
        rows = g * L + j16
        bb = bb_v[pl.ds(g * L, L)]
        sw = plsc.load_gather(scale_v, [bb * 4])
        sh = plsc.load_gather(scale_v, [bb * 4 + 1])
        cx = plsc.load_gather(rows_v, [rows, col])
        cy = plsc.load_gather(rows_v, [rows, col + 1])
        w = plsc.load_gather(rows_v, [rows, col + 2])
        h = plsc.load_gather(rows_v, [rows, col + 3])
        plsc.store_scatter(out_v, [rows, zeros], (cx - 0.5 * w) * sw)
        plsc.store_scatter(out_v, [rows, zeros + 1], (cy - 0.5 * h) * sh)
        plsc.store_scatter(out_v, [rows, zeros + 2], (cx + 0.5 * w) * sw)
        plsc.store_scatter(out_v, [rows, zeros + 3], (cy + 0.5 * h) * sh)
    pltpu.sync_copy(out_v, out_hbm.at[pl.ds(base, BPW)])


def _run_gather(table, idx1024, scale32, bb1024):
    mesh = plsc.VectorSubcoreMesh(core_axis_name="c", subcore_axis_name="s")
    fn = functools.partial(
        pl.kernel, mesh=mesh,
        out_type=jax.ShapeDtypeStruct((BPAD, 4), jnp.float32),
        scratch_types=[
            pltpu.VMEM((BPW,), jnp.int32),
            pltpu.VMEM((BPW,), jnp.int32),
            pltpu.VMEM((BPW, 128), jnp.float32),
            pltpu.VMEM((BPW, 4), jnp.float32),
            pltpu.VMEM((4 * B,), jnp.float32),
            pltpu.VMEM((BPW,), jnp.int32),
            pltpu.SemaphoreType.DMA,
        ],
        compiler_params=pltpu.CompilerParams(needs_layout_passes=False),
    )(_gather_body)
    return fn(table, idx1024, scale32, bb1024)


def kernel(target_sizes, batch_index, class_index, pred_logits, pred_boxes):
    scores = jax.nn.sigmoid(pred_logits.astype(jnp.float32))
    sp = jnp.pad(scores, ((0, NPADROWS - N), (0, 128 - NOBJ)),
                 constant_values=-jnp.inf)
    scores3 = sp.reshape(RB, 128, 128)
    bidx2 = jnp.pad(batch_index.astype(jnp.int32), (0, NPADROWS - N),
                    constant_values=-1).reshape(RB, 128)
    cidx2 = jnp.pad(class_index.astype(jnp.int32),
                    (0, NPADROWS - N)).reshape(RB, 128)

    out_s, out_l, out_i = _run_topk(scores3, bidx2, cidx2)

    ts = target_sizes.astype(jnp.float32)
    img_h, img_w = ts[:, 0], ts[:, 1]
    scale32 = jnp.stack([img_w, img_h, img_w, img_h], axis=1).reshape(4 * B)
    table = pred_boxes.astype(jnp.float32).reshape(N * NOBJ // 32, 128)
    idx1024 = jnp.concatenate([
        out_i[:, :TOPK].reshape(B * TOPK),
        jnp.zeros((BPAD - B * TOPK,), jnp.int32),
    ])
    bb1024 = jnp.minimum(jnp.arange(BPAD, dtype=jnp.int32) // TOPK,
                         B - 1).astype(jnp.int32)
    boxes = _run_gather(table, idx1024, scale32, bb1024)[:B * TOPK]

    return (out_s[:, :TOPK],
            out_l[:, :TOPK].astype(jnp.int64),
            boxes.reshape(B, TOPK, 4))

# --- scband reference (transcript-rebuilt; emitter-appended) ---
"""Pipeline reference for scband-muti-class-post-process-62319975465065 (READ-ONLY COPY).

The authoritative reference and input builder live on the scoring server;
editing this copy changes nothing except your own understanding.
"""

import jax
jax.config.update('jax_enable_x64', True)
import jax.numpy as jnp
import numpy as np

N, NOBJ, B, NCLS, TOPK = 20000, 100, 8, 80, 100

def box_cxcywh_to_xyxy(x):
    cx, cy, w, h = x[..., 0], x[..., 1], x[..., 2], x[..., 3]
    return jnp.stack([cx - 0.5 * w, cy - 0.5 * h, cx + 0.5 * w, cy + 0.5 * h], axis=-1)

def setup_inputs(seed: int = 0):
    key = jax.random.key(seed)
    k1, k2, k3, k4, k5 = jax.random.split(key, 5)
    target_sizes = jax.random.randint(k1, (B, 2), 0, 1333, dtype=jnp.int64)
    batch_index = jnp.sort(jax.random.randint(k2, (N,), 0, B, dtype=jnp.int64))
    class_index = jax.random.randint(k3, (N,), 0, NCLS, dtype=jnp.int64)
    pred_logits = jax.random.normal(k4, (N, NOBJ), dtype=jnp.float32)
    pred_boxes = jax.random.uniform(k5, (N, NOBJ, 4), dtype=jnp.float32)
    return {'target_sizes': target_sizes, 'batch_index': batch_index,
            'class_index': class_index, 'pred_logits': pred_logits,
            'pred_boxes': pred_boxes}

def reference(target_sizes, batch_index, class_index, pred_logits, pred_boxes):
    img_h = target_sizes[:, 0].astype(jnp.float32)
    img_w = target_sizes[:, 1].astype(jnp.float32)
    scale_fct = jnp.stack([img_w, img_h, img_w, img_h], axis=1)  # [B,4]
    box_scale = scale_fct[batch_index]                            # [N,4]
    all_scores = jax.nn.sigmoid(pred_logits)                      # [N,NOBJ]
    all_boxes = box_cxcywh_to_xyxy(pred_boxes) * box_scale[:, None, :]  # [N,NOBJ,4]
    all_labels = jnp.broadcast_to(class_index[:, None], (N, NOBJ))      # [N,NOBJ]
    boxes_flat = all_boxes.reshape(-1, 4)
    labels_flat = all_labels.reshape(-1)
    scores_out, labels_out, boxes_out = [], [], []
    for id_b in range(B):
        mask = (batch_index == id_b)
        masked_scores = jnp.where(mask[:, None], all_scores, -jnp.inf).reshape(-1)
        s, indices = jax.lax.top_k(masked_scores, TOPK)  # descending sort, take top-100
        scores_out.append(s)
        labels_out.append(labels_flat[indices])
        boxes_out.append(boxes_flat[indices, :])
    return (jnp.stack(scores_out, axis=0),
            jnp.stack(labels_out, axis=0),
            jnp.stack(boxes_out, axis=0))

if __name__ == "__main__":
    import jax
    _d = setup_inputs()
    print(jax.jit(kernel)(*tuple(_d.values())))

</pallas_src>

<mosaic_0001>
#map = affine_map<(d0, d1) -> (0, 0)>
#map1 = affine_map<(d0, d1) -> (0)>
module attributes {stable_mosaic.version = 14 : i64} {
  func.func @_gather_body(%arg0: i32, %arg1: i32, %arg2: memref<62500x128xf32, #tpu.memory_space<hbm>>, %arg3: memref<1024xi32, #tpu.memory_space<hbm>>, %arg4: memref<32xf32, #tpu.memory_space<hbm>>, %arg5: memref<1024xi32, #tpu.memory_space<hbm>>, %arg6: memref<1024x4xf32, #tpu.memory_space<hbm>>, %arg7: memref<32xi32, #tpu.memory_space<vmem>>, %arg8: memref<32xi32, #tpu.memory_space<vmem>>, %arg9: memref<32x128xf32, #tpu.memory_space<vmem>>, %arg10: memref<32x4xf32, #tpu.memory_space<vmem>>, %arg11: memref<32xf32, #tpu.memory_space<vmem>>, %arg12: memref<32xi32, #tpu.memory_space<vmem>>, %arg13: memref<!tpu.dma_semaphore, #tpu.memory_space<semaphore_mem>>) attributes {dimension_semantics = [#tpu.dimension_semantics<core_parallel>, #tpu.dimension_semantics<subcore_parallel>], iteration_bounds = array<i64: 2, 16>, scalar_prefetch = 0 : i64, scratch_operands = 7 : i64, tpu.core_type = #tpu.core_type<sc_vector_subcore>, window_params = [{transform_indices = #map}, {transform_indices = #map1}, {transform_indices = #map1}, {transform_indices = #map1}, {transform_indices = #map}]} {
    %mul3A = arith.constant 2 : i32
    %mul3A_0 = arith.muli %arg1, %mul3A : i32
    %add3A = arith.addi %mul3A_0, %arg0 : i32
    %mul3A_1 = arith.constant 32 : i32
    %mul3A_2 = arith.muli %add3A, %mul3A_1 : i32
    "tpu.region"() ({
      %run_scoped3A = tpu.sem_alloc : memref<!tpu.dma_semaphore, #tpu.memory_space<semaphore_mem>>
      tpu.enqueue_dma source(%arg4 : memref<32xf32, #tpu.memory_space<hbm>>) target(%arg11 : memref<32xf32, #tpu.memory_space<vmem>>) target_semaphore(%run_scoped3A : memref<!tpu.dma_semaphore, #tpu.memory_space<semaphore_mem>>)
      tpu.wait_dma2 semaphore(%run_scoped3A : memref<!tpu.dma_semaphore, #tpu.memory_space<semaphore_mem>>) src(%arg4 : memref<32xf32, #tpu.memory_space<hbm>>) dst(%arg11 : memref<32xf32, #tpu.memory_space<vmem>>)
      tpu.yield
    }) : () -> ()
    "tpu.region"() ({
      %run_scoped3A = tpu.sem_alloc : memref<!tpu.dma_semaphore, #tpu.memory_space<semaphore_mem>>
      %dma_start3A_148 = tpu.memref_slice %arg3[%mul3A_2] : memref<1024xi32, #tpu.memory_space<hbm>> -> memref<32xi32, #tpu.memory_space<hbm>>
      %dma_start3A_149 = tpu.memref_slice %arg3[%mul3A_2] : memref<1024xi32, #tpu.memory_space<hbm>> -> memref<32xi32, #tpu.memory_space<hbm>>
      tpu.enqueue_dma source(%dma_start3A_149 : memref<32xi32, #tpu.memory_space<hbm>>) target(%arg7 : memref<32xi32, #tpu.memory_space<vmem>>) target_semaphore(%run_scoped3A : memref<!tpu.dma_semaphore, #tpu.memory_space<semaphore_mem>>)
      %dma_wait3A_150 = tpu.memref_slice %arg3[%mul3A_2] : memref<1024xi32, #tpu.memory_space<hbm>> -> memref<32xi32, #tpu.memory_space<hbm>>
      %dma_wait3A_151 = tpu.memref_slice %arg3[%mul3A_2] : memref<1024xi32, #tpu.memory_space<hbm>> -> memref<32xi32, #tpu.memory_space<hbm>>
      tpu.wait_dma2 semaphore(%run_scoped3A : memref<!tpu.dma_semaphore, #tpu.memory_space<semaphore_mem>>) src(%dma_wait3A_151 : memref<32xi32, #tpu.memory_space<hbm>>) dst(%arg7 : memref<32xi32, #tpu.memory_space<vmem>>)
      tpu.yield
    }) : () -> ()
    "tpu.region"() ({
      %run_scoped3A = tpu.sem_alloc : memref<!tpu.dma_semaphore, #tpu.memory_space<semaphore_mem>>
      %dma_start3A_148 = tpu.memref_slice %arg5[%mul3A_2] : memref<1024xi32, #tpu.memory_space<hbm>> -> memref<32xi32, #tpu.memory_space<hbm>>
      %dma_start3A_149 = tpu.memref_slice %arg5[%mul3A_2] : memref<1024xi32, #tpu.memory_space<hbm>> -> memref<32xi32, #tpu.memory_space<hbm>>
      tpu.enqueue_dma source(%dma_start3A_149 : memref<32xi32, #tpu.memory_space<hbm>>) target(%arg12 : memref<32xi32, #tpu.memory_space<vmem>>) target_semaphore(%run_scoped3A : memref<!tpu.dma_semaphore, #tpu.memory_space<semaphore_mem>>)
      %dma_wait3A_150 = tpu.memref_slice %arg5[%mul3A_2] : memref<1024xi32, #tpu.memory_space<hbm>> -> memref<32xi32, #tpu.memory_space<hbm>>
      %dma_wait3A_151 = tpu.memref_slice %arg5[%mul3A_2] : memref<1024xi32, #tpu.memory_space<hbm>> -> memref<32xi32, #tpu.memory_space<hbm>>
      tpu.wait_dma2 semaphore(%run_scoped3A : memref<!tpu.dma_semaphore, #tpu.memory_space<semaphore_mem>>) src(%dma_wait3A_151 : memref<32xi32, #tpu.memory_space<hbm>>) dst(%arg12 : memref<32xi32, #tpu.memory_space<vmem>>)
      tpu.yield
    }) : () -> ()
    %get3A = arith.constant 0 : index
    %get3A_3 = tpu.vector_load %arg7[%get3A] {strides = array<i32>} : memref<32xi32, #tpu.memory_space<vmem>>, vector<16xi32>,
    %shift_right_logical3A = arith.constant 5 : i32
    %shift_right_logical3A_4 = vector.broadcast %shift_right_logical3A : i32 to vector<16xi32>
    %shift_right_logical3A_5 = arith.shrui %get3A_3, %shift_right_logical3A_4 : vector<16xi32>
    %swap3A = arith.constant 0 : index
    %swap3A_6 = tpu.vector_load %arg8[%swap3A] {strides = array<i32>} : memref<32xi32, #tpu.memory_space<vmem>>, vector<16xi32>,
    tpu.vector_store %arg8[%swap3A], %shift_right_logical3A_5 {strides = array<i32>} : memref<32xi32, #tpu.memory_space<vmem>>, vector<16xi32>,
    %get3A_7 = arith.constant 16 : index
    %get3A_8 = tpu.vector_load %arg7[%get3A_7] {strides = array<i32>} : memref<32xi32, #tpu.memory_space<vmem>>, vector<16xi32>,
    %shift_right_logical3A_9 = arith.constant 5 : i32
    %shift_right_logical3A_10 = vector.broadcast %shift_right_logical3A_9 : i32 to vector<16xi32>
    %shift_right_logical3A_11 = arith.shrui %get3A_8, %shift_right_logical3A_10 : vector<16xi32>
    %swap3A_12 = arith.constant 16 : index
    %swap3A_13 = tpu.vector_load %arg8[%swap3A_12] {strides = array<i32>} : memref<32xi32, #tpu.memory_space<vmem>>, vector<16xi32>,
    tpu.vector_store %arg8[%swap3A_12], %shift_right_logical3A_11 {strides = array<i32>} : memref<32xi32, #tpu.memory_space<vmem>>, vector<16xi32>,
    %dma_start3A = arith.constant 0 : i32
    %dma_start3A_14 = arith.constant 0 : i32
    %dma_start3A_15 = tpu.memref_slice %arg2[%dma_start3A, %dma_start3A_14] : memref<62500x128xf32, #tpu.memory_space<hbm>> -> memref<62500x128xf32, #tpu.memory_space<hbm>>
    tpu.enqueue_indirect_dma source(%dma_start3A_15 : memref<62500x128xf32, #tpu.memory_space<hbm>>) target(%arg9 : memref<32x128xf32, #tpu.memory_space<vmem>>) offsets(%arg8 : memref<32xi32, #tpu.memory_space<vmem>>) semaphore(%arg13 : memref<!tpu.dma_semaphore, #tpu.memory_space<semaphore_mem>>)
    %dma_wait3A = arith.constant 0 : i32
    %dma_wait3A_16 = arith.constant 0 : i32
    %dma_wait3A_17 = tpu.memref_slice %arg2[%dma_wait3A, %dma_wait3A_16] : memref<62500x128xf32, #tpu.memory_space<hbm>> -> memref<62500x128xf32, #tpu.memory_space<hbm>>
    tpu.wait_indirect_dma semaphore(%arg13 : memref<!tpu.dma_semaphore, #tpu.memory_space<semaphore_mem>>) src(%dma_wait3A_17 : memref<62500x128xf32, #tpu.memory_space<hbm>>) dst(%arg9 : memref<32x128xf32, #tpu.memory_space<vmem>>)
    %iota3A = tpu.iota {dimensions = array<i32: 0>} : vector<16xi32>
    %broadcast_in_dim3A = arith.constant 0 : i32
    %broadcast_in_dim3A_18 = vector.broadcast %broadcast_in_dim3A : i32 to vector<16xi32>
    %get3A_19 = arith.constant 0 : index
    %get3A_20 = tpu.vector_load %arg7[%get3A_19] {strides = array<i32>} : memref<32xi32, #tpu.memory_space<vmem>>, vector<16xi32>,
    %and3A = arith.constant 31 : i32
    %and3A_21 = vector.broadcast %and3A : i32 to vector<16xi32>
    %and3A_22 = arith.andi %get3A_20, %and3A_21 : vector<16xi32>
    %mul3A_23 = arith.constant 4 : i32
    %mul3A_24 = vector.broadcast %mul3A_23 : i32 to vector<16xi32>
    %mul3A_25 = arith.muli %and3A_22, %mul3A_24 : vector<16xi32>
    %add3A_26 = arith.constant 0 : i32
    %add3A_27 = vector.broadcast %add3A_26 : i32 to vector<16xi32>
    %add3A_28 = arith.addi %add3A_27, %iota3A : vector<16xi32>
    %get3A_29 = arith.constant 0 : index
    %get3A_30 = tpu.vector_load %arg12[%get3A_29] {strides = array<i32>} : memref<32xi32, #tpu.memory_space<vmem>>, vector<16xi32>,
    %mul3A_31 = arith.constant 4 : i32
    %mul3A_32 = vector.broadcast %mul3A_31 : i32 to vector<16xi32>
    %mul3A_33 = arith.muli %get3A_30, %mul3A_32 : vector<16xi32>
    %gather3A = tpu.vector_load_idx %arg11[%mul3A_33] : memref<32xf32, #tpu.memory_space<vmem>>[vector<16xi32>], vector<16xf32>,
    %mul3A_34 = arith.constant 4 : i32
    %mul3A_35 = vector.broadcast %mul3A_34 : i32 to vector<16xi32>
    %mul3A_36 = arith.muli %get3A_30, %mul3A_35 : vector<16xi32>
    %add3A_37 = arith.constant 1 : i32
    %add3A_38 = vector.broadcast %add3A_37 : i32 to vector<16xi32>
    %add3A_39 = arith.addi %mul3A_36, %add3A_38 : vector<16xi32>
    %gather3A_40 = tpu.vector_load_idx %arg11[%add3A_39] : memref<32xf32, #tpu.memory_space<vmem>>[vector<16xi32>], vector<16xf32>,
    %gather3A_41 = tpu.vector_load_idx %arg9[%add3A_28, %mul3A_25] : memref<32x128xf32, #tpu.memory_space<vmem>>[vector<16xi32>, vector<16xi32>], vector<16xf32>,
    %add3A_42 = arith.constant 1 : i32
    %add3A_43 = vector.broadcast %add3A_42 : i32 to vector<16xi32>
    %add3A_44 = arith.addi %mul3A_25, %add3A_43 : vector<16xi32>
    %gather3A_45 = tpu.vector_load_idx %arg9[%add3A_28, %add3A_44] : memref<32x128xf32, #tpu.memory_space<vmem>>[vector<16xi32>, vector<16xi32>], vector<16xf32>,
    %add3A_46 = arith.constant 2 : i32
    %add3A_47 = vector.broadcast %add3A_46 : i32 to vector<16xi32>
    %add3A_48 = arith.addi %mul3A_25, %add3A_47 : vector<16xi32>
    %gather3A_49 = tpu.vector_load_idx %arg9[%add3A_28, %add3A_48] : memref<32x128xf32, #tpu.memory_space<vmem>>[vector<16xi32>, vector<16xi32>], vector<16xf32>,
    %add3A_50 = arith.constant 3 : i32
    %add3A_51 = vector.broadcast %add3A_50 : i32 to vector<16xi32>
    %add3A_52 = arith.addi %mul3A_25, %add3A_51 : vector<16xi32>
    %gather3A_53 = tpu.vector_load_idx %arg9[%add3A_28, %add3A_52] : memref<32x128xf32, #tpu.memory_space<vmem>>[vector<16xi32>, vector<16xi32>], vector<16xf32>,
    %mul3A_54 = arith.constant 5.000000e-01 : f32
    %mul3A_55 = vector.broadcast %mul3A_54 : f32 to vector<16xf32>
    %mul3A_56 = arith.mulf %mul3A_55, %gather3A_49 : vector<16xf32>
    %sub3A = arith.subf %gather3A_41, %mul3A_56 : vector<16xf32>
    %mul3A_57 = arith.mulf %sub3A, %gather3A : vector<16xf32>
    tpu.vector_store_idx %arg10[%add3A_28, %broadcast_in_dim3A_18], %mul3A_57 : memref<32x4xf32, #tpu.memory_space<vmem>>[vector<16xi32>, vector<16xi32>], vector<16xf32>,
    %add3A_58 = arith.constant 1 : i32
    %add3A_59 = vector.broadcast %add3A_58 : i32 to vector<16xi32>
    %add3A_60 = arith.addi %broadcast_in_dim3A_18, %add3A_59 : vector<16xi32>
    %mul3A_61 = arith.constant 5.000000e-01 : f32
    %mul3A_62 = vector.broadcast %mul3A_61 : f32 to vector<16xf32>
    %mul3A_63 = arith.mulf %mul3A_62, %gather3A_53 : vector<16xf32>
    %sub3A_64 = arith.subf %gather3A_45, %mul3A_63 : vector<16xf32>
    %mul3A_65 = arith.mulf %sub3A_64, %gather3A_40 : vector<16xf32>
    tpu.vector_store_idx %arg10[%add3A_28, %add3A_60], %mul3A_65 : memref<32x4xf32, #tpu.memory_space<vmem>>[vector<16xi32>, vector<16xi32>], vector<16xf32>,
    %add3A_66 = arith.constant 2 : i32
    %add3A_67 = vector.broadcast %add3A_66 : i32 to vector<16xi32>
    %add3A_68 = arith.addi %broadcast_in_dim3A_18, %add3A_67 : vector<16xi32>
    %mul3A_69 = arith.constant 5.000000e-01 : f32
    %mul3A_70 = vector.broadcast %mul3A_69 : f32 to vector<16xf32>
    %mul3A_71 = arith.mulf %mul3A_70, %gather3A_49 : vector<16xf32>
    %add3A_72 = arith.addf %gather3A_41, %mul3A_71 : vector<16xf32>
    %mul3A_73 = arith.mulf %add3A_72, %gather3A : vector<16xf32>
    tpu.vector_store_idx %arg10[%add3A_28, %add3A_68], %mul3A_73 : memref<32x4xf32, #tpu.memory_space<vmem>>[vector<16xi32>, vector<16xi32>], vector<16xf32>,
    %add3A_74 = arith.constant 3 : i32
    %add3A_75 = vector.broadcast %add3A_74 : i32 to vector<16xi32>
    %add3A_76 = arith.addi %broadcast_in_dim3A_18, %add3A_75 : vector<16xi32>
    %mul3A_77 = arith.constant 5.000000e-01 : f32
    %mul3A_78 = vector.broadcast %mul3A_77 : f32 to vector<16xf32>
    %mul3A_79 = arith.mulf %mul3A_78, %gather3A_53 : vector<16xf32>
    %add3A_80 = arith.addf %gather3A_45, %mul3A_79 : vector<16xf32>
    %mul3A_81 = arith.mulf %add3A_80, %gather3A_40 : vector<16xf32>
    tpu.vector_store_idx %arg10[%add3A_28, %add3A_76], %mul3A_81 : memref<32x4xf32, #tpu.memory_space<vmem>>[vector<16xi32>, vector<16xi32>], vector<16xf32>,
    %get3A_82 = arith.constant 16 : index
    %get3A_83 = tpu.vector_load %arg7[%get3A_82] {strides = array<i32>} : memref<32xi32, #tpu.memory_space<vmem>>, vector<16xi32>,
    %and3A_84 = arith.constant 31 : i32
    %and3A_85 = vector.broadcast %and3A_84 : i32 to vector<16xi32>
    %and3A_86 = arith.andi %get3A_83, %and3A_85 : vector<16xi32>
    %mul3A_87 = arith.constant 4 : i32
    %mul3A_88 = vector.broadcast %mul3A_87 : i32 to vector<16xi32>
    %mul3A_89 = arith.muli %and3A_86, %mul3A_88 : vector<16xi32>
    %add3A_90 = arith.constant 16 : i32
    %add3A_91 = vector.broadcast %add3A_90 : i32 to vector<16xi32>
    %add3A_92 = arith.addi %add3A_91, %iota3A : vector<16xi32>
    %get3A_93 = arith.constant 16 : index
    %get3A_94 = tpu.vector_load %arg12[%get3A_93] {strides = array<i32>} : memref<32xi32, #tpu.memory_space<vmem>>, vector<16xi32>,
    %mul3A_95 = arith.constant 4 : i32
    %mul3A_96 = vector.broadcast %mul3A_95 : i32 to vector<16xi32>
    %mul3A_97 = arith.muli %get3A_94, %mul3A_96 : vector<16xi32>
    %gather3A_98 = tpu.vector_load_idx %arg11[%mul3A_97] : memref<32xf32, #tpu.memory_space<vmem>>[vector<16xi32>], vector<16xf32>,
    %mul3A_99 = arith.constant 4 : i32
    %mul3A_100 = vector.broadcast %mul3A_99 : i32 to vector<16xi32>
    %mul3A_101 = arith.muli %get3A_94, %mul3A_100 : vector<16xi32>
    %add3A_102 = arith.constant 1 : i32
    %add3A_103 = vector.broadcast %add3A_102 : i32 to vector<16xi32>
    %add3A_104 = arith.addi %mul3A_101, %add3A_103 : vector<16xi32>
    %gather3A_105 = tpu.vector_load_idx %arg11[%add3A_104] : memref<32xf32, #tpu.memory_space<vmem>>[vector<16xi32>], vector<16xf32>,
    %gather3A_106 = tpu.vector_load_idx %arg9[%add3A_92, %mul3A_89] : memref<32x128xf32, #tpu.memory_space<vmem>>[vector<16xi32>, vector<16xi32>], vector<16xf32>,
    %add3A_107 = arith.constant 1 : i32
    %add3A_108 = vector.broadcast %add3A_107 : i32 to vector<16xi32>
    %add3A_109 = arith.addi %mul3A_89, %add3A_108 : vector<16xi32>
    %gather3A_110 = tpu.vector_load_idx %arg9[%add3A_92, %add3A_109] : memref<32x128xf32, #tpu.memory_space<vmem>>[vector<16xi32>, vector<16xi32>], vector<16xf32>,
    %add3A_111 = arith.constant 2 : i32
    %add3A_112 = vector.broadcast %add3A_111 : i32 to vector<16xi32>
    %add3A_113 = arith.addi %mul3A_89, %add3A_112 : vector<16xi32>
    %gather3A_114 = tpu.vector_load_idx %arg9[%add3A_92, %add3A_113] : memref<32x128xf32, #tpu.memory_space<vmem>>[vector<16xi32>, vector<16xi32>], vector<16xf32>,
    %add3A_115 = arith.constant 3 : i32
    %add3A_116 = vector.broadcast %add3A_115 : i32 to vector<16xi32>
    %add3A_117 = arith.addi %mul3A_89, %add3A_116 : vector<16xi32>
    %gather3A_118 = tpu.vector_load_idx %arg9[%add3A_92, %add3A_117] : memref<32x128xf32, #tpu.memory_space<vmem>>[vector<16xi32>, vector<16xi32>], vector<16xf32>,
    %mul3A_119 = arith.constant 5.000000e-01 : f32
    %mul3A_120 = vector.broadcast %mul3A_119 : f32 to vector<16xf32>
    %mul3A_121 = arith.mulf %mul3A_120, %gather3A_114 : vector<16xf32>
    %sub3A_122 = arith.subf %gather3A_106, %mul3A_121 : vector<16xf32>
    %mul3A_123 = arith.mulf %sub3A_122, %gather3A_98 : vector<16xf32>
    tpu.vector_store_idx %arg10[%add3A_92, %broadcast_in_dim3A_18], %mul3A_123 : memref<32x4xf32, #tpu.memory_space<vmem>>[vector<16xi32>, vector<16xi32>], vector<16xf32>,
    %add3A_124 = arith.constant 1 : i32
    %add3A_125 = vector.broadcast %add3A_124 : i32 to vector<16xi32>
    %add3A_126 = arith.addi %broadcast_in_dim3A_18, %add3A_125 : vector<16xi32>
    %mul3A_127 = arith.constant 5.000000e-01 : f32
    %mul3A_128 = vector.broadcast %mul3A_127 : f32 to vector<16xf32>
    %mul3A_129 = arith.mulf %mul3A_128, %gather3A_118 : vector<16xf32>
    %sub3A_130 = arith.subf %gather3A_110, %mul3A_129 : vector<16xf32>
    %mul3A_131 = arith.mulf %sub3A_130, %gather3A_105 : vector<16xf32>
    tpu.vector_store_idx %arg10[%add3A_92, %add3A_126], %mul3A_131 : memref<32x4xf32, #tpu.memory_space<vmem>>[vector<16xi32>, vector<16xi32>], vector<16xf32>,
    %add3A_132 = arith.constant 2 : i32
    %add3A_133 = vector.broadcast %add3A_132 : i32 to vector<16xi32>
    %add3A_134 = arith.addi %broadcast_in_dim3A_18, %add3A_133 : vector<16xi32>
    %mul3A_135 = arith.constant 5.000000e-01 : f32
    %mul3A_136 = vector.broadcast %mul3A_135 : f32 to vector<16xf32>
    %mul3A_137 = arith.mulf %mul3A_136, %gather3A_114 : vector<16xf32>
    %add3A_138 = arith.addf %gather3A_106, %mul3A_137 : vector<16xf32>
    %mul3A_139 = arith.mulf %add3A_138, %gather3A_98 : vector<16xf32>
    tpu.vector_store_idx %arg10[%add3A_92, %add3A_134], %mul3A_139 : memref<32x4xf32, #tpu.memory_space<vmem>>[vector<16xi32>, vector<16xi32>], vector<16xf32>,
    %add3A_140 = arith.constant 3 : i32
    %add3A_141 = vector.broadcast %add3A_140 : i32 to vector<16xi32>
    %add3A_142 = arith.addi %broadcast_in_dim3A_18, %add3A_141 : vector<16xi32>
    %mul3A_143 = arith.constant 5.000000e-01 : f32
    %mul3A_144 = vector.broadcast %mul3A_143 : f32 to vector<16xf32>
    %mul3A_145 = arith.mulf %mul3A_144, %gather3A_118 : vector<16xf32>
    %add3A_146 = arith.addf %gather3A_110, %mul3A_145 : vector<16xf32>
    %mul3A_147 = arith.mulf %add3A_146, %gather3A_105 : vector<16xf32>
    tpu.vector_store_idx %arg10[%add3A_92, %add3A_142], %mul3A_147 : memref<32x4xf32, #tpu.memory_space<vmem>>[vector<16xi32>, vector<16xi32>], vector<16xf32>,
    "tpu.region"() ({
      %run_scoped3A = tpu.sem_alloc : memref<!tpu.dma_semaphore, #tpu.memory_space<semaphore_mem>>
      %dma_start3A_148 = arith.constant 0 : i32
      %dma_start3A_149 = tpu.memref_slice %arg6[%mul3A_2, %dma_start3A_148] : memref<1024x4xf32, #tpu.memory_space<hbm>> -> memref<32x4xf32, #tpu.memory_space<hbm>>
      %dma_start3A_150 = arith.constant 0 : i32
      %dma_start3A_151 = tpu.memref_slice %arg6[%mul3A_2, %dma_start3A_150] : memref<1024x4xf32, #tpu.memory_space<hbm>> -> memref<32x4xf32, #tpu.memory_space<hbm>>
      tpu.enqueue_dma source(%arg10 : memref<32x4xf32, #tpu.memory_space<vmem>>) target(%dma_start3A_151 : memref<32x4xf32, #tpu.memory_space<hbm>>) target_semaphore(%run_scoped3A : memref<!tpu.dma_semaphore, #tpu.memory_space<semaphore_mem>>)
      %dma_wait3A_152 = arith.constant 0 : i32
      %dma_wait3A_153 = tpu.memref_slice %arg6[%mul3A_2, %dma_wait3A_152] : memref<1024x4xf32, #tpu.memory_space<hbm>> -> memref<32x4xf32, #tpu.memory_space<hbm>>
      %dma_wait3A_154 = arith.constant 0 : i32
      %dma_wait3A_155 = tpu.memref_slice %arg6[%mul3A_2, %dma_wait3A_154] : memref<1024x4xf32, #tpu.memory_space<hbm>> -> memref<32x4xf32, #tpu.memory_space<hbm>>
      tpu.wait_dma2 semaphore(%run_scoped3A : memref<!tpu.dma_semaphore, #tpu.memory_space<semaphore_mem>>) src(%arg10 : memref<32x4xf32, #tpu.memory_space<vmem>>) dst(%dma_wait3A_155 : memref<32x4xf32, #tpu.memory_space<hbm>>)
      tpu.yield
    }) : () -> ()
    return
  }
}

module attributes {stable_mosaic.version = 14 : i64} {
  func.func @_topk_body(%arg0: memref<157x128x128xf32, #tpu.memory_space<vmem>>, %arg1: memref<157x128xi32, #tpu.memory_space<vmem>>, %arg2: memref<157x128xi32, #tpu.memory_space<vmem>>, %arg3: memref<8x128xf32, #tpu.memory_space<vmem>>, %arg4: memref<8x128xi32, #tpu.memory_space<vmem>>, %arg5: memref<8x128xi32, #tpu.memory_space<vmem>>, %arg6: memref<157x128x128xf32, #tpu.memory_space<vmem>>, %arg7: memref<157x128xf32, #tpu.memory_space<vmem>>, %arg8: memref<157x128xf32, #tpu.memory_space<vmem>>) attributes {dimension_semantics = [], scalar_prefetch = 0 : i64, scratch_operands = 3 : i64, tpu.core_type = #tpu.core_type<tc>} {
    %while3A = arith.constant 0 : i32
    %while3A_0 = arith.constant 157 : i32
    %while3A_1 = arith.constant 0 : i64
    %while3A_2 = arith.subi %while3A_0, %while3A : i32
    %while3A_3 = arith.addi %while3A, %while3A_2 : i32
    %while3A_4 = arith.constant 1 : i32
    %while3A_5 = arith.divsi %while3A_2, %while3A_4 : i32
    %while3A_6 = arith.muli %while3A_5, %while3A_4 : i32
    %while3A_7 = arith.addi %while3A, %while3A_6 : i32
    %while3A_8 = arith.constant 1 : i32
    %while3A_9 = scf.for %while3A_243 = %while3A to %while3A_7 step %while3A_8 iter_args(%while3A_244 = %while3A_1) -> (i64)  : i32 {
      %get3A_245 = arith.index_cast %while3A_243 : i32 to index
      %get3A_246 = arith.constant 0 : index
      %get3A_247 = arith.constant 0 : index
      %get3A_248 = vector.load %arg0[%get3A_245, %get3A_246, %get3A_247] : memref<157x128x128xf32, #tpu.memory_space<vmem>>, vector<1x128x128xf32>
      %get3A_249 = vector.shape_cast %get3A_248 : vector<1x128x128xf32> to vector<128x128xf32>
      %swap3A_250 = arith.index_cast %while3A_243 : i32 to index
      %swap3A_251 = arith.constant 0 : index
      %swap3A_252 = arith.constant 0 : index
      %swap3A_253 = vector.load %arg6[%swap3A_250, %swap3A_251, %swap3A_252] : memref<157x128x128xf32, #tpu.memory_space<vmem>>, vector<1x128x128xf32>
      %swap3A_254 = vector.shape_cast %swap3A_253 : vector<1x128x128xf32> to vector<128x128xf32>
      %swap3A_255 = vector.shape_cast %get3A_249 : vector<128x128xf32> to vector<1x128x128xf32>
      tpu.vector_store %arg6[%swap3A_250, %swap3A_251, %swap3A_252], %swap3A_255 {strides = array<i32>} : memref<157x128x128xf32, #tpu.memory_space<vmem>>, vector<1x128x128xf32>,
      %reduce_max3A = arith.constant dense<0xFF800000> : vector<128xf32>
      %reduce_max3A_256 = vector.multi_reduction <maximumf>, %get3A_249, %reduce_max3A [1] : vector<128x128xf32> to vector<128xf32>
      %swap3A_257 = arith.index_cast %while3A_243 : i32 to index
      %swap3A_258 = arith.constant 0 : index
      %swap3A_259 = vector.load %arg7[%swap3A_257, %swap3A_258] : memref<157x128xf32, #tpu.memory_space<vmem>>, vector<1x128xf32>
      %swap3A_260 = vector.shape_cast %swap3A_259 : vector<1x128xf32> to vector<128xf32>
      %swap3A_261 = vector.shape_cast %reduce_max3A_256 : vector<128xf32> to vector<1x128xf32>
      tpu.vector_store %arg7[%swap3A_257, %swap3A_258], %swap3A_261 {strides = array<i32>} : memref<157x128xf32, #tpu.memory_space<vmem>>, vector<1x128xf32>,
      %while3A_262 = arith.constant 0 : i64
      scf.yield %while3A_262 : i64
    }
    %while3A_10 = arith.constant 1 : i32
    %while3A_11 = scf.for %while3A_243 = %while3A_7 to %while3A_3 step %while3A_10 iter_args(%while3A_244 = %while3A_9) -> (i64)  : i32 {
      %get3A_245 = arith.index_cast %while3A_243 : i32 to index
      %get3A_246 = arith.constant 0 : index
      %get3A_247 = arith.constant 0 : index
      %get3A_248 = vector.load %arg0[%get3A_245, %get3A_246, %get3A_247] : memref<157x128x128xf32, #tpu.memory_space<vmem>>, vector<1x128x128xf32>
      %get3A_249 = vector.shape_cast %get3A_248 : vector<1x128x128xf32> to vector<128x128xf32>
      %swap3A_250 = arith.index_cast %while3A_243 : i32 to index
      %swap3A_251 = arith.constant 0 : index
      %swap3A_252 = arith.constant 0 : index
      %swap3A_253 = vector.load %arg6[%swap3A_250, %swap3A_251, %swap3A_252] : memref<157x128x128xf32, #tpu.memory_space<vmem>>, vector<1x128x128xf32>
      %swap3A_254 = vector.shape_cast %swap3A_253 : vector<1x128x128xf32> to vector<128x128xf32>
      %swap3A_255 = vector.shape_cast %get3A_249 : vector<128x128xf32> to vector<1x128x128xf32>
      tpu.vector_store %arg6[%swap3A_250, %swap3A_251, %swap3A_252], %swap3A_255 {strides = array<i32>} : memref<157x128x128xf32, #tpu.memory_space<vmem>>, vector<1x128x128xf32>,
      %reduce_max3A = arith.constant dense<0xFF800000> : vector<128xf32>
      %reduce_max3A_256 = vector.multi_reduction <maximumf>, %get3A_249, %reduce_max3A [1] : vector<128x128xf32> to vector<128xf32>
      %swap3A_257 = arith.index_cast %while3A_243 : i32 to index
      %swap3A_258 = arith.constant 0 : index
      %swap3A_259 = vector.load %arg7[%swap3A_257, %swap3A_258] : memref<157x128xf32, #tpu.memory_space<vmem>>, vector<1x128xf32>
      %swap3A_260 = vector.shape_cast %swap3A_259 : vector<1x128xf32> to vector<128xf32>
      %swap3A_261 = vector.shape_cast %reduce_max3A_256 : vector<128xf32> to vector<1x128xf32>
      tpu.vector_store %arg7[%swap3A_257, %swap3A_258], %swap3A_261 {strides = array<i32>} : memref<157x128xf32, #tpu.memory_space<vmem>>, vector<1x128xf32>,
      %while3A_262 = arith.constant 0 : i64
      scf.yield %while3A_262 : i64
    }
    %iota3A = tpu.iota {dimensions = array<i32: 0>} : vector<157x128xi32>
    %mul3A = arith.constant 128 : i32
    %mul3A_12 = vector.broadcast %mul3A : i32 to vector<157x128xi32>
    %mul3A_13 = arith.muli %iota3A, %mul3A_12 : vector<157x128xi32>
    %iota3A_14 = tpu.iota {dimensions = array<i32: 1>} : vector<157x128xi32>
    %add3A = arith.addi %mul3A_13, %iota3A_14 : vector<157x128xi32>
    %convert_element_type3A = arith.sitofp %add3A : vector<157x128xi32> to vector<157x128xf32>
    %iota3A_15 = tpu.iota {dimensions = array<i32: 1>} : vector<1x128xi32>
    %convert_element_type3A_16 = arith.sitofp %iota3A_15 : vector<1x128xi32> to vector<1x128xf32>
    %get3A = arith.constant 0 : index
    %get3A_17 = arith.constant 0 : index
    %get3A_18 = vector.load %arg1[%get3A, %get3A_17] : memref<157x128xi32, #tpu.memory_space<vmem>>, vector<157x128xi32>
    %eq3A = arith.constant 0 : i32
    %eq3A_19 = vector.broadcast %eq3A : i32 to vector<157x128xi32>
    %eq3A_20 = arith.cmpi eq, %get3A_18, %eq3A_19 : vector<157x128xi32>
    %get3A_21 = arith.constant 0 : index
    %get3A_22 = arith.constant 0 : index
    %get3A_23 = vector.load %arg7[%get3A_21, %get3A_22] : memref<157x128xf32, #tpu.memory_space<vmem>>, vector<157x128xf32>
    %jit3A = arith.constant 0xFFF0000000000000 : f64
    %convert_element_type3A_24 = arith.truncf %jit3A : f64 to f32
    %broadcast_in_dim3A = vector.broadcast %convert_element_type3A_24 : f32 to vector<157x128xf32>
    %select_n3A = arith.select %eq3A_20, %get3A_23, %broadcast_in_dim3A : vector<157x128xi1>, vector<157x128xf32>
    %swap3A = arith.constant 0 : index
    %swap3A_25 = arith.constant 0 : index
    %swap3A_26 = vector.load %arg8[%swap3A, %swap3A_25] : memref<157x128xf32, #tpu.memory_space<vmem>>, vector<157x128xf32>
    tpu.vector_store %arg8[%swap3A, %swap3A_25], %select_n3A {strides = array<i32>} : memref<157x128xf32, #tpu.memory_space<vmem>>, vector<157x128xf32>,
    %while3A_27 = arith.constant 0 : i32
    %while3A_28 = arith.constant 100 : i32
    %while3A_29 = arith.constant 0 : i64
    %while3A_30 = arith.subi %while3A_28, %while3A_27 : i32
    %while3A_31 = arith.addi %while3A_27, %while3A_30 : i32
    %while3A_32 = arith.constant 1 : i32
    %while3A_33 = arith.divsi %while3A_30, %while3A_32 : i32
    %while3A_34 = arith.muli %while3A_33, %while3A_32 : i32
    %while3A_35 = arith.addi %while3A_27, %while3A_34 : i32
    %while3A_36 = arith.constant 1 : i32
    %while3A_37 = scf.for %while3A_243 = %while3A_27 to %while3A_35 step %while3A_36 iter_args(%while3A_244 = %while3A_29) -> (i64)  : i32 {
      %get3A_245 = arith.constant 0 : index
      %get3A_246 = arith.constant 0 : index
      %get3A_247 = vector.load %arg8[%get3A_245, %get3A_246] : memref<157x128xf32, #tpu.memory_space<vmem>>, vector<157x128xf32>
      %reduce_max3A = vector.shape_cast %get3A_247 : vector<157x128xf32> to vector<1x157x128xf32>
      %reduce_max3A_248 = arith.constant dense<0xFF800000> : vector<1xf32>
      %reduce_max3A_249 = vector.multi_reduction <maximumf>, %reduce_max3A, %reduce_max3A_248 [1, 2] : vector<1x157x128xf32> to vector<1xf32>
      %reduce_max3A_250 = vector.shape_cast %reduce_max3A_249 : vector<1xf32> to vector<1x1x1xf32>
      %reduce_max3A_251 = vector.extract %reduce_max3A_250[0, 0, 0] : f32 from vector<1x1x1xf32>
      %eq3A_252 = vector.broadcast %reduce_max3A_251 : f32 to vector<157x128xf32>
      %eq3A_253 = arith.cmpf oeq, %get3A_247, %eq3A_252 : vector<157x128xf32>
      %jit3A_254 = arith.constant 1.000000e+09 : f64
      %convert_element_type3A_255 = arith.truncf %jit3A_254 : f64 to f32
      %broadcast_in_dim3A_256 = vector.broadcast %convert_element_type3A_255 : f32 to vector<157x128xf32>
      %select_n3A_257 = arith.select %eq3A_253, %convert_element_type3A, %broadcast_in_dim3A_256 : vector<157x128xi1>, vector<157x128xf32>
      %reduce_min3A = vector.shape_cast %select_n3A_257 : vector<157x128xf32> to vector<1x157x128xf32>
      %reduce_min3A_258 = arith.constant dense<0x7F800000> : vector<1xf32>
      %reduce_min3A_259 = vector.multi_reduction <minimumf>, %reduce_min3A, %reduce_min3A_258 [1, 2] : vector<1x157x128xf32> to vector<1xf32>
      %reduce_min3A_260 = vector.shape_cast %reduce_min3A_259 : vector<1xf32> to vector<1x1x1xf32>
      %reduce_min3A_261 = vector.extract %reduce_min3A_260[0, 0, 0] : f32 from vector<1x1x1xf32>
      %convert_element_type3A_262 = arith.fptosi %reduce_min3A_261 : f32 to i32
      %jit3A_263 = arith.constant 128 : i64
      %convert_element_type3A_264 = arith.trunci %jit3A_263 : i64 to i32
      %div3A = arith.divsi %convert_element_type3A_262, %convert_element_type3A_264 : i32
      %sign3A = arith.constant 0 : i32
      %sign3A_265 = arith.cmpi sgt, %convert_element_type3A_262, %sign3A : i32
      %sign3A_266 = arith.extui %sign3A_265 : i1 to i32
      %sign3A_267 = arith.constant 0 : i32
      %sign3A_268 = arith.cmpi slt, %convert_element_type3A_262, %sign3A_267 : i32
      %sign3A_269 = arith.extui %sign3A_268 : i1 to i32
      %sign3A_270 = arith.subi %sign3A_266, %sign3A_269 : i32
      %sign3A_271 = arith.constant 0 : i32
      %sign3A_272 = arith.cmpi sgt, %convert_element_type3A_264, %sign3A_271 : i32
      %sign3A_273 = arith.extui %sign3A_272 : i1 to i32
      %sign3A_274 = arith.constant 0 : i32
      %sign3A_275 = arith.cmpi slt, %convert_element_type3A_264, %sign3A_274 : i32
      %sign3A_276 = arith.extui %sign3A_275 : i1 to i32
      %sign3A_277 = arith.subi %sign3A_273, %sign3A_276 : i32
      %ne3A = arith.cmpi ne, %sign3A_270, %sign3A_277 : i32
      %rem3A = arith.remsi %convert_element_type3A_262, %convert_element_type3A_264 : i32
      %ne3A_278 = arith.constant 0 : i32
      %ne3A_279 = arith.cmpi ne, %rem3A, %ne3A_278 : i32
      %and3A = arith.andi %ne3A, %ne3A_279 : i1
      %sub3A = arith.constant 1 : i32
      %sub3A_280 = arith.subi %div3A, %sub3A : i32
      %select_n3A_281 = arith.select %and3A, %sub3A_280, %div3A : i32
      %mul3A_282 = arith.constant 128 : i32
      %mul3A_283 = arith.muli %select_n3A_281, %mul3A_282 : i32
      %sub3A_284 = arith.subi %convert_element_type3A_262, %mul3A_283 : i32
      %get3A_285 = arith.index_cast %select_n3A_281 : i32 to index
      %get3A_286 = arith.index_cast %sub3A_284 : i32 to index
      %get3A_287 = arith.constant 0 : index
      %get3A_288 = vector.load %arg6[%get3A_285, %get3A_286, %get3A_287] : memref<157x128x128xf32, #tpu.memory_space<vmem>>, vector<1x1x128xf32>
      %get3A_289 = vector.shape_cast %get3A_288 : vector<1x1x128xf32> to vector<1x128xf32>
      %eq3A_290 = vector.broadcast %reduce_max3A_251 : f32 to vector<1x128xf32>
      %eq3A_291 = arith.cmpf oeq, %get3A_289, %eq3A_290 : vector<1x128xf32>
      %jit3A_292 = arith.constant 1.000000e+09 : f64
      %convert_element_type3A_293 = arith.truncf %jit3A_292 : f64 to f32
      %broadcast_in_dim3A_294 = vector.broadcast %convert_element_type3A_293 : f32 to vector<1x128xf32>
      %select_n3A_295 = arith.select %eq3A_291, %convert_element_type3A_16, %broadcast_in_dim3A_294 : vector<1x128xi1>, vector<1x128xf32>
      %reduce_min3A_296 = vector.shape_cast %select_n3A_295 : vector<1x128xf32> to vector<1x1x128xf32>
      %reduce_min3A_297 = arith.constant dense<0x7F800000> : vector<1xf32>
      %reduce_min3A_298 = vector.multi_reduction <minimumf>, %reduce_min3A_296, %reduce_min3A_297 [1, 2] : vector<1x1x128xf32> to vector<1xf32>
      %reduce_min3A_299 = vector.shape_cast %reduce_min3A_298 : vector<1xf32> to vector<1x1x1xf32>
      %reduce_min3A_300 = vector.extract %reduce_min3A_299[0, 0, 0] : f32 from vector<1x1x1xf32>
      %convert_element_type3A_301 = arith.fptosi %reduce_min3A_300 : f32 to i32
      %get3A_302 = arith.index_cast %select_n3A_281 : i32 to index
      %get3A_303 = arith.constant 0 : index
      %get3A_304 = vector.load %arg2[%get3A_302, %get3A_303] : memref<157x128xi32, #tpu.memory_space<vmem>>, vector<1x128xi32>
      %convert_element_type3A_305 = arith.sitofp %get3A_304 : vector<1x128xi32> to vector<1x128xf32>
      %eq3A_306 = vector.broadcast %sub3A_284 : i32 to vector<1x128xi32>
      %eq3A_307 = arith.cmpi eq, %iota3A_15, %eq3A_306 : vector<1x128xi32>
      %jit3A_308 = arith.constant -1.000000e+00 : f64
      %convert_element_type3A_309 = arith.truncf %jit3A_308 : f64 to f32
      %broadcast_in_dim3A_310 = vector.broadcast %convert_element_type3A_309 : f32 to vector<1x128xf32>
      %select_n3A_311 = arith.select %eq3A_307, %convert_element_type3A_305, %broadcast_in_dim3A_310 : vector<1x128xi1>, vector<1x128xf32>
      %reduce_max3A_312 = vector.shape_cast %select_n3A_311 : vector<1x128xf32> to vector<1x1x128xf32>
      %reduce_max3A_313 = arith.constant dense<0xFF800000> : vector<1xf32>
      %reduce_max3A_314 = vector.multi_reduction <maximumf>, %reduce_max3A_312, %reduce_max3A_313 [1, 2] : vector<1x1x128xf32> to vector<1xf32>
      %reduce_max3A_315 = vector.shape_cast %reduce_max3A_314 : vector<1xf32> to vector<1x1x1xf32>
      %reduce_max3A_316 = vector.extract %reduce_max3A_315[0, 0, 0] : f32 from vector<1x1x1xf32>
      %convert_element_type3A_317 = arith.fptosi %reduce_max3A_316 : f32 to i32
      %mul3A_318 = arith.constant 100 : i32
      %mul3A_319 = arith.muli %convert_element_type3A_262, %mul3A_318 : i32
      %add3A_320 = arith.addi %mul3A_319, %convert_element_type3A_301 : i32
      %eq3A_321 = vector.broadcast %while3A_243 : i32 to vector<1x128xi32>
      %eq3A_322 = arith.cmpi eq, %iota3A_15, %eq3A_321 : vector<1x128xi32>
      %get3A_323 = arith.constant 0 : index
      %get3A_324 = arith.constant 0 : index
      %get3A_325 = vector.load %arg3[%get3A_323, %get3A_324] : memref<8x128xf32, #tpu.memory_space<vmem>>, vector<1x128xf32>
      %broadcast_in_dim3A_326 = vector.broadcast %reduce_max3A_251 : f32 to vector<1x128xf32>
      %select_n3A_327 = arith.select %eq3A_322, %broadcast_in_dim3A_326, %get3A_325 : vector<1x128xi1>, vector<1x128xf32>
      %swap3A_328 = arith.constant 0 : index
      %swap3A_329 = arith.constant 0 : index
      %swap3A_330 = vector.load %arg3[%swap3A_328, %swap3A_329] : memref<8x128xf32, #tpu.memory_space<vmem>>, vector<1x128xf32>
      tpu.vector_store %arg3[%swap3A_328, %swap3A_329], %select_n3A_327 {strides = array<i32>} : memref<8x128xf32, #tpu.memory_space<vmem>>, vector<1x128xf32>,
      %eq3A_331 = vector.broadcast %while3A_243 : i32 to vector<1x128xi32>
      %eq3A_332 = arith.cmpi eq, %iota3A_15, %eq3A_331 : vector<1x128xi32>
      %get3A_333 = arith.constant 0 : index
      %get3A_334 = arith.constant 0 : index
      %get3A_335 = vector.load %arg4[%get3A_333, %get3A_334] : memref<8x128xi32, #tpu.memory_space<vmem>>, vector<1x128xi32>
      %broadcast_in_dim3A_336 = vector.broadcast %convert_element_type3A_317 : i32 to vector<1x128xi32>
      %select_n3A_337 = arith.select %eq3A_332, %broadcast_in_dim3A_336, %get3A_335 : vector<1x128xi1>, vector<1x128xi32>
      %swap3A_338 = arith.constant 0 : index
      %swap3A_339 = arith.constant 0 : index
      %swap3A_340 = vector.load %arg4[%swap3A_338, %swap3A_339] : memref<8x128xi32, #tpu.memory_space<vmem>>, vector<1x128xi32>
      tpu.vector_store %arg4[%swap3A_338, %swap3A_339], %select_n3A_337 {strides = array<i32>} : memref<8x128xi32, #tpu.memory_space<vmem>>, vector<1x128xi32>,
      %eq3A_341 = vector.broadcast %while3A_243 : i32 to vector<1x128xi32>
      %eq3A_342 = arith.cmpi eq, %iota3A_15, %eq3A_341 : vector<1x128xi32>
      %get3A_343 = arith.constant 0 : index
      %get3A_344 = arith.constant 0 : index
      %get3A_345 = vector.load %arg5[%get3A_343, %get3A_344] : memref<8x128xi32, #tpu.memory_space<vmem>>, vector<1x128xi32>
      %broadcast_in_dim3A_346 = vector.broadcast %add3A_320 : i32 to vector<1x128xi32>
      %select_n3A_347 = arith.select %eq3A_342, %broadcast_in_dim3A_346, %get3A_345 : vector<1x128xi1>, vector<1x128xi32>
      %swap3A_348 = arith.constant 0 : index
      %swap3A_349 = arith.constant 0 : index
      %swap3A_350 = vector.load %arg5[%swap3A_348, %swap3A_349] : memref<8x128xi32, #tpu.memory_space<vmem>>, vector<1x128xi32>
      tpu.vector_store %arg5[%swap3A_348, %swap3A_349], %select_n3A_347 {strides = array<i32>} : memref<8x128xi32, #tpu.memory_space<vmem>>, vector<1x128xi32>,
      %eq3A_351 = vector.broadcast %convert_element_type3A_301 : i32 to vector<1x128xi32>
      %eq3A_352 = arith.cmpi eq, %iota3A_15, %eq3A_351 : vector<1x128xi32>
      %jit3A_353 = arith.constant 0xFFF0000000000000 : f64
      %convert_element_type3A_354 = arith.truncf %jit3A_353 : f64 to f32
      %broadcast_in_dim3A_355 = vector.broadcast %convert_element_type3A_354 : f32 to vector<1x128xf32>
      %select_n3A_356 = arith.select %eq3A_352, %broadcast_in_dim3A_355, %get3A_289 : vector<1x128xi1>, vector<1x128xf32>
      %swap3A_357 = arith.index_cast %select_n3A_281 : i32 to index
      %swap3A_358 = arith.index_cast %sub3A_284 : i32 to index
      %swap3A_359 = arith.constant 0 : index
      %swap3A_360 = vector.load %arg6[%swap3A_357, %swap3A_358, %swap3A_359] : memref<157x128x128xf32, #tpu.memory_space<vmem>>, vector<1x1x128xf32>
      %swap3A_361 = vector.shape_cast %swap3A_360 : vector<1x1x128xf32> to vector<1x128xf32>
      %swap3A_362 = vector.shape_cast %select_n3A_356 : vector<1x128xf32> to vector<1x1x128xf32>
      tpu.vector_store %arg6[%swap3A_357, %swap3A_358, %swap3A_359], %swap3A_362 {strides = array<i32>} : memref<157x128x128xf32, #tpu.memory_space<vmem>>, vector<1x1x128xf32>,
      %reduce_max3A_363 = vector.shape_cast %select_n3A_356 : vector<1x128xf32> to vector<1x1x128xf32>
      %reduce_max3A_364 = arith.constant dense<0xFF800000> : vector<1xf32>
      %reduce_max3A_365 = vector.multi_reduction <maximumf>, %reduce_max3A_363, %reduce_max3A_364 [1, 2] : vector<1x1x128xf32> to vector<1xf32>
      %reduce_max3A_366 = vector.shape_cast %reduce_max3A_365 : vector<1xf32> to vector<1x1x1xf32>
      %reduce_max3A_367 = vector.extract %reduce_max3A_366[0, 0, 0] : f32 from vector<1x1x1xf32>
      %eq3A_368 = vector.broadcast %sub3A_284 : i32 to vector<1x128xi32>
      %eq3A_369 = arith.cmpi eq, %iota3A_15, %eq3A_368 : vector<1x128xi32>
      %get3A_370 = arith.index_cast %select_n3A_281 : i32 to index
      %get3A_371 = arith.constant 0 : index
      %get3A_372 = vector.load %arg8[%get3A_370, %get3A_371] : memref<157x128xf32, #tpu.memory_space<vmem>>, vector<1x128xf32>
      %broadcast_in_dim3A_373 = vector.broadcast %reduce_max3A_367 : f32 to vector<1x128xf32>
      %select_n3A_374 = arith.select %eq3A_369, %broadcast_in_dim3A_373, %get3A_372 : vector<1x128xi1>, vector<1x128xf32>
      %swap3A_375 = arith.index_cast %select_n3A_281 : i32 to index
      %swap3A_376 = arith.constant 0 : index
      %swap3A_377 = vector.load %arg8[%swap3A_375, %swap3A_376] : memref<157x128xf32, #tpu.memory_space<vmem>>, vector<1x128xf32>
      tpu.vector_store %arg8[%swap3A_375, %swap3A_376], %select_n3A_374 {strides = array<i32>} : memref<157x128xf32, #tpu.memory_space<vmem>>, vector<1x128xf32>,
      %while3A_378 = arith.constant 0 : i64
      scf.yield %while3A_378 : i64
    }
    %while3A_38 = arith.constant 1 : i32
    %while3A_39 = scf.for %while3A_243 = %while3A_35 to %while3A_31 step %while3A_38 iter_args(%while3A_244 = %while3A_37) -> (i64)  : i32 {
      %get3A_245 = arith.constant 0 : index
      %get3A_246 = arith.constant 0 : index
      %get3A_247 = vector.load %arg8[%get3A_245, %get3A_246] : memref<157x128xf32, #tpu.memory_space<vmem>>, vector<157x128xf32>
      %reduce_max3A = vector.shape_cast %get3A_247 : vector<157x128xf32> to vector<1x157x128xf32>
      %reduce_max3A_248 = arith.constant dense<0xFF800000> : vector<1xf32>
      %reduce_max3A_249 = vector.multi_reduction <maximumf>, %reduce_max3A, %reduce_max3A_248 [1, 2] : vector<1x157x128xf32> to vector<1xf32>
      %reduce_max3A_250 = vector.shape_cast %reduce_max3A_249 : vector<1xf32> to vector<1x1x1xf32>
      %reduce_max3A_251 = vector.extract %reduce_max3A_250[0, 0, 0] : f32 from vector<1x1x1xf32>
      %eq3A_252 = vector.broadcast %reduce_max3A_251 : f32 to vector<157x128xf32>
      %eq3A_253 = arith.cmpf oeq, %get3A_247, %eq3A_252 : vector<157x128xf32>
      %jit3A_254 = arith.constant 1.000000e+09 : f64
      %convert_element_type3A_255 = arith.truncf %jit3A_254 : f64 to f32
      %broadcast_in_dim3A_256 = vector.broadcast %convert_element_type3A_255 : f32 to vector<157x128xf32>
      %select_n3A_257 = arith.select %eq3A_253, %convert_element_type3A, %broadcast_in_dim3A_256 : vector<157x128xi1>, vector<157x128xf32>
      %reduce_min3A = vector.shape_cast %select_n3A_257 : vector<157x128xf32> to vector<1x157x128xf32>
      %reduce_min3A_258 = arith.constant dense<0x7F800000> : vector<1xf32>
      %reduce_min3A_259 = vector.multi_reduction <minimumf>, %reduce_min3A, %reduce_min3A_258 [1, 2] : vector<1x157x128xf32> to vector<1xf32>
      %reduce_min3A_260 = vector.shape_cast %reduce_min3A_259 : vector<1xf32> to vector<1x1x1xf32>
      %reduce_min3A_261 = vector.extract %reduce_min3A_260[0, 0, 0] : f32 from vector<1x1x1xf32>
      %convert_element_type3A_262 = arith.fptosi %reduce_min3A_261 : f32 to i32
      %jit3A_263 = arith.constant 128 : i64
      %convert_element_type3A_264 = arith.trunci %jit3A_263 : i64 to i32
      %div3A = arith.divsi %convert_element_type3A_262, %convert_element_type3A_264 : i32
      %sign3A = arith.constant 0 : i32
      %sign3A_265 = arith.cmpi sgt, %convert_element_type3A_262, %sign3A : i32
      %sign3A_266 = arith.extui %sign3A_265 : i1 to i32
      %sign3A_267 = arith.constant 0 : i32
      %sign3A_268 = arith.cmpi slt, %convert_element_type3A_262, %sign3A_267 : i32
      %sign3A_269 = arith.extui %sign3A_268 : i1 to i32
      %sign3A_270 = arith.subi %sign3A_266, %sign3A_269 : i32
      %sign3A_271 = arith.constant 0 : i32
      %sign3A_272 = arith.cmpi sgt, %convert_element_type3A_264, %sign3A_271 : i32
      %sign3A_273 = arith.extui %sign3A_272 : i1 to i32
      %sign3A_274 = arith.constant 0 : i32
      %sign3A_275 = arith.cmpi slt, %convert_element_type3A_264, %sign3A_274 : i32
      %sign3A_276 = arith.extui %sign3A_275 : i1 to i32
      %sign3A_277 = arith.subi %sign3A_273, %sign3A_276 : i32
      %ne3A = arith.cmpi ne, %sign3A_270, %sign3A_277 : i32
      %rem3A = arith.remsi %convert_element_type3A_262, %convert_element_type3A_264 : i32
      %ne3A_278 = arith.constant 0 : i32
      %ne3A_279 = arith.cmpi ne, %rem3A, %ne3A_278 : i32
      %and3A = arith.andi %ne3A, %ne3A_279 : i1
      %sub3A = arith.constant 1 : i32
      %sub3A_280 = arith.subi %div3A, %sub3A : i32
      %select_n3A_281 = arith.select %and3A, %sub3A_280, %div3A : i32
      %mul3A_282 = arith.constant 128 : i32
      %mul3A_283 = arith.muli %select_n3A_281, %mul3A_282 : i32
      %sub3A_284 = arith.subi %convert_element_type3A_262, %mul3A_283 : i32
      %get3A_285 = arith.index_cast %select_n3A_281 : i32 to index
      %get3A_286 = arith.index_cast %sub3A_284 : i32 to index
      %get3A_287 = arith.constant 0 : index
      %get3A_288 = vector.load %arg6[%get3A_285, %get3A_286, %get3A_287] : memref<157x128x128xf32, #tpu.memory_space<vmem>>, vector<1x1x128xf32>
      %get3A_289 = vector.shape_cast %get3A_288 : vector<1x1x128xf32> to vector<1x128xf32>
      %eq3A_290 = vector.broadcast %reduce_max3A_251 : f32 to vector<1x128xf32>
      %eq3A_291 = arith.cmpf oeq, %get3A_289, %eq3A_290 : vector<1x128xf32>
      %jit3A_292 = arith.constant 1.000000e+09 : f64
      %convert_element_type3A_293 = arith.truncf %jit3A_292 : f64 to f32
      %broadcast_in_dim3A_294 = vector.broadcast %convert_element_type3A_293 : f32 to vector<1x128xf32>
      %select_n3A_295 = arith.select %eq3A_291, %convert_element_type3A_16, %broadcast_in_dim3A_294 : vector<1x128xi1>, vector<1x128xf32>
      %reduce_min3A_296 = vector.shape_cast %select_n3A_295 : vector<1x128xf32> to vector<1x1x128xf32>
      %reduce_min3A_297 = arith.constant dense<0x7F800000> : vector<1xf32>
      %reduce_min3A_298 = vector.multi_reduction <minimumf>, %reduce_min3A_296, %reduce_min3A_297 [1, 2] : vector<1x1x128xf32> to vector<1xf32>
      %reduce_min3A_299 = vector.shape_cast %reduce_min3A_298 : vector<1xf32> to vector<1x1x1xf32>
      %reduce_min3A_300 = vector.extract %reduce_min3A_299[0, 0, 0] : f32 from vector<1x1x1xf32>
      %convert_element_type3A_301 = arith.fptosi %reduce_min3A_300 : f32 to i32
      %get3A_302 = arith.index_cast %select_n3A_281 : i32 to index
      %get3A_303 = arith.constant 0 : index
      %get3A_304 = vector.load %arg2[%get3A_302, %get3A_303] : memref<157x128xi32, #tpu.memory_space<vmem>>, vector<1x128xi32>
      %convert_element_type3A_305 = arith.sitofp %get3A_304 : vector<1x128xi32> to vector<1x128xf32>
      %eq3A_306 = vector.broadcast %sub3A_284 : i32 to vector<1x128xi32>
      %eq3A_307 = arith.cmpi eq, %iota3A_15, %eq3A_306 : vector<1x128xi32>
      %jit3A_308 = arith.constant -1.000000e+00 : f64
      %convert_element_type3A_309 = arith.truncf %jit3A_308 : f64 to f32
      %broadcast_in_dim3A_310 = vector.broadcast %convert_element_type3A_309 : f32 to vector<1x128xf32>
      %select_n3A_311 = arith.select %eq3A_307, %convert_element_type3A_305, %broadcast_in_dim3A_310 : vector<1x128xi1>, vector<1x128xf32>
      %reduce_max3A_312 = vector.shape_cast %select_n3A_311 : vector<1x128xf32> to vector<1x1x128xf32>
      %reduce_max3A_313 = arith.constant dense<0xFF800000> : vector<1xf32>
      %reduce_max3A_314 = vector.multi_reduction <maximumf>, %reduce_max3A_312, %reduce_max3A_313 [1, 2] : vector<1x1x128xf32> to vector<1xf32>
      %reduce_max3A_315 = vector.shape_cast %reduce_max3A_314 : vector<1xf32> to vector<1x1x1xf32>
      %reduce_max3A_316 = vector.extract %reduce_max3A_315[0, 0, 0] : f32 from vector<1x1x1xf32>
      %convert_element_type3A_317 = arith.fptosi %reduce_max3A_316 : f32 to i32
      %mul3A_318 = arith.constant 100 : i32
      %mul3A_319 = arith.muli %convert_element_type3A_262, %mul3A_318 : i32
      %add3A_320 = arith.addi %mul3A_319, %convert_element_type3A_301 : i32
      %eq3A_321 = vector.broadcast %while3A_243 : i32 to vector<1x128xi32>
      %eq3A_322 = arith.cmpi eq, %iota3A_15, %eq3A_321 : vector<1x128xi32>
      %get3A_323 = arith.constant 0 : index
      %get3A_324 = arith.constant 0 : index
      %get3A_325 = vector.load %arg3[%get3A_323, %get3A_324] : memref<8x128xf32, #tpu.memory_space<vmem>>, vector<1x128xf32>
      %broadcast_in_dim3A_326 = vector.broadcast %reduce_max3A_251 : f32 to vector<1x128xf32>
      %select_n3A_327 = arith.select %eq3A_322, %broadcast_in_dim3A_326, %get3A_325 : vector<1x128xi1>, vector<1x128xf32>
      %swap3A_328 = arith.constant 0 : index
      %swap3A_329 = arith.constant 0 : index
      %swap3A_330 = vector.load %arg3[%swap3A_328, %swap3A_329] : memref<8x128xf32, #tpu.memory_space<vmem>>, vector<1x128xf32>
      tpu.vector_store %arg3[%swap3A_328, %swap3A_329], %select_n3A_327 {strides = array<i32>} : memref<8x128xf32, #tpu.memory_space<vmem>>, vector<1x128xf32>,
      %eq3A_331 = vector.broadcast %while3A_243 : i32 to vector<1x128xi32>
      %eq3A_332 = arith.cmpi eq, %iota3A_15, %eq3A_331 : vector<1x128xi32>
      %get3A_333 = arith.constant 0 : index
      %get3A_334 = arith.constant 0 : index
      %get3A_335 = vector.load %arg4[%get3A_333, %get3A_334] : memref<8x128xi32, #tpu.memory_space<vmem>>, vector<1x128xi32>
      %broadcast_in_dim3A_336 = vector.broadcast %convert_element_type3A_317 : i32 to vector<1x128xi32>
      %select_n3A_337 = arith.select %eq3A_332, %broadcast_in_dim3A_336, %get3A_335 : vector<1x128xi1>, vector<1x128xi32>
      %swap3A_338 = arith.constant 0 : index
      %swap3A_339 = arith.constant 0 : index
      %swap3A_340 = vector.load %arg4[%swap3A_338, %swap3A_339] : memref<8x128xi32, #tpu.memory_space<vmem>>, vector<1x128xi32>
      tpu.vector_store %arg4[%swap3A_338, %swap3A_339], %select_n3A_337 {strides = array<i32>} : memref<8x128xi32, #tpu.memory_space<vmem>>, vector<1x128xi32>,
      %eq3A_341 = vector.broadcast %while3A_243 : i32 to vector<1x128xi32>
      %eq3A_342 = arith.cmpi eq, %iota3A_15, %eq3A_341 : vector<1x128xi32>
      %get3A_343 = arith.constant 0 : index
      %get3A_344 = arith.constant 0 : index
      %get3A_345 = vector.load %arg5[%get3A_343, %get3A_344] : memref<8x128xi32, #tpu.memory_space<vmem>>, vector<1x128xi32>
      %broadcast_in_dim3A_346 = vector.broadcast %add3A_320 : i32 to vector<1x128xi32>
      %select_n3A_347 = arith.select %eq3A_342, %broadcast_in_dim3A_346, %get3A_345 : vector<1x128xi1>, vector<1x128xi32>
      %swap3A_348 = arith.constant 0 : index
      %swap3A_349 = arith.constant 0 : index
      %swap3A_350 = vector.load %arg5[%swap3A_348, %swap3A_349] : memref<8x128xi32, #tpu.memory_space<vmem>>, vector<1x128xi32>
      tpu.vector_store %arg5[%swap3A_348, %swap3A_349], %select_n3A_347 {strides = array<i32>} : memref<8x128xi32, #tpu.memory_space<vmem>>, vector<1x128xi32>,
      %eq3A_351 = vector.broadcast %convert_element_type3A_301 : i32 to vector<1x128xi32>
      %eq3A_352 = arith.cmpi eq, %iota3A_15, %eq3A_351 : vector<1x128xi32>
      %jit3A_353 = arith.constant 0xFFF0000000000000 : f64
      %convert_element_type3A_354 = arith.truncf %jit3A_353 : f64 to f32
      %broadcast_in_dim3A_355 = vector.broadcast %convert_element_type3A_354 : f32 to vector<1x128xf32>
      %select_n3A_356 = arith.select %eq3A_352, %broadcast_in_dim3A_355, %get3A_289 : vector<1x128xi1>, vector<1x128xf32>
      %swap3A_357 = arith.index_cast %select_n3A_281 : i32 to index
      %swap3A_358 = arith.index_cast %sub3A_284 : i32 to index
      %swap3A_359 = arith.constant 0 : index
      %swap3A_360 = vector.load %arg6[%swap3A_357, %swap3A_358, %swap3A_359] : memref<157x128x128xf32, #tpu.memory_space<vmem>>, vector<1x1x128xf32>
      %swap3A_361 = vector.shape_cast %swap3A_360 : vector<1x1x128xf32> to vector<1x128xf32>
      %swap3A_362 = vector.shape_cast %select_n3A_356 : vector<1x128xf32> to vector<1x1x128xf32>
      tpu.vector_store %arg6[%swap3A_357, %swap3A_358, %swap3A_359], %swap3A_362 {strides = array<i32>} : memref<157x128x128xf32, #tpu.memory_space<vmem>>, vector<1x1x128xf32>,
      %reduce_max3A_363 = vector.shape_cast %select_n3A_356 : vector<1x128xf32> to vector<1x1x128xf32>
      %reduce_max3A_364 = arith.constant dense<0xFF800000> : vector<1xf32>
      %reduce_max3A_365 = vector.multi_reduction <maximumf>, %reduce_max3A_363, %reduce_max3A_364 [1, 2] : vector<1x1x128xf32> to vector<1xf32>
      %reduce_max3A_366 = vector.shape_cast %reduce_max3A_365 : vector<1xf32> to vector<1x1x1xf32>
      %reduce_max3A_367 = vector.extract %reduce_max3A_366[0, 0, 0] : f32 from vector<1x1x1xf32>
      %eq3A_368 = vector.broadcast %sub3A_284 : i32 to vector<1x128xi32>
      %eq3A_369 = arith.cmpi eq, %iota3A_15, %eq3A_368 : vector<1x128xi32>
      %get3A_370 = arith.index_cast %select_n3A_281 : i32 to index
      %get3A_371 = arith.constant 0 : index
      %get3A_372 = vector.load %arg8[%get3A_370, %get3A_371] : memref<157x128xf32, #tpu.memory_space<vmem>>, vector<1x128xf32>
      %broadcast_in_dim3A_373 = vector.broadcast %reduce_max3A_367 : f32 to vector<1x128xf32>
      %select_n3A_374 = arith.select %eq3A_369, %broadcast_in_dim3A_373, %get3A_372 : vector<1x128xi1>, vector<1x128xf32>
      %swap3A_375 = arith.index_cast %select_n3A_281 : i32 to index
      %swap3A_376 = arith.constant 0 : index
      %swap3A_377 = vector.load %arg8[%swap3A_375, %swap3A_376] : memref<157x128xf32, #tpu.memory_space<vmem>>, vector<1x128xf32>
      tpu.vector_store %arg8[%swap3A_375, %swap3A_376], %select_n3A_374 {strides = array<i32>} : memref<157x128xf32, #tpu.memory_space<vmem>>, vector<1x128xf32>,
      %while3A_378 = arith.constant 0 : i64
      scf.yield %while3A_378 : i64
    }
    %get3A_40 = arith.constant 0 : index
    %get3A_41 = arith.constant 0 : index
    %get3A_42 = vector.load %arg1[%get3A_40, %get3A_41] : memref<157x128xi32, #tpu.memory_space<vmem>>, vector<157x128xi32>
    %eq3A_43 = arith.constant 1 : i32
    %eq3A_44 = vector.broadcast %eq3A_43 : i32 to vector<157x128xi32>
    %eq3A_45 = arith.cmpi eq, %get3A_42, %eq3A_44 : vector<157x128xi32>
    %get3A_46 = arith.constant 0 : index
    %get3A_47 = arith.constant 0 : index
    %get3A_48 = vector.load %arg7[%get3A_46, %get3A_47] : memref<157x128xf32, #tpu.memory_space<vmem>>, vector<157x128xf32>
    %jit3A_49 = arith.constant 0xFFF0000000000000 : f64
    %convert_element_type3A_50 = arith.truncf %jit3A_49 : f64 to f32
    %broadcast_in_dim3A_51 = vector.broadcast %convert_element_type3A_50 : f32 to vector<157x128xf32>
    %select_n3A_52 = arith.select %eq3A_45, %get3A_48, %broadcast_in_dim3A_51 : vector<157x128xi1>, vector<157x128xf32>
    %swap3A_53 = arith.constant 0 : index
    %swap3A_54 = arith.constant 0 : index
    %swap3A_55 = vector.load %arg8[%swap3A_53, %swap3A_54] : memref<157x128xf32, #tpu.memory_space<vmem>>, vector<157x128xf32>
    tpu.vector_store %arg8[%swap3A_53, %swap3A_54], %select_n3A_52 {strides = array<i32>} : memref<157x128xf32, #tpu.memory_space<vmem>>, vector<157x128xf32>,
    %while3A_56 = arith.constant 0 : i32
    %while3A_57 = arith.constant 100 : i32
    %while3A_58 = arith.constant 0 : i64
    %while3A_59 = arith.subi %while3A_57, %while3A_56 : i32
    %while3A_60 = arith.addi %while3A_56, %while3A_59 : i32
    %while3A_61 = arith.constant 1 : i32
    %while3A_62 = arith.divsi %while3A_59, %while3A_61 : i32
    %while3A_63 = arith.muli %while3A_62, %while3A_61 : i32
    %while3A_64 = arith.addi %while3A_56, %while3A_63 : i32
    %while3A_65 = arith.constant 1 : i32
    %while3A_66 = scf.for %while3A_243 = %while3A_56 to %while3A_64 step %while3A_65 iter_args(%while3A_244 = %while3A_58) -> (i64)  : i32 {
      %get3A_245 = arith.constant 0 : index
      %get3A_246 = arith.constant 0 : index
      %get3A_247 = vector.load %arg8[%get3A_245, %get3A_246] : memref<157x128xf32, #tpu.memory_space<vmem>>, vector<157x128xf32>
      %reduce_max3A = vector.shape_cast %get3A_247 : vector<157x128xf32> to vector<1x157x128xf32>
      %reduce_max3A_248 = arith.constant dense<0xFF800000> : vector<1xf32>
      %reduce_max3A_249 = vector.multi_reduction <maximumf>, %reduce_max3A, %reduce_max3A_248 [1, 2] : vector<1x157x128xf32> to vector<1xf32>
      %reduce_max3A_250 = vector.shape_cast %reduce_max3A_249 : vector<1xf32> to vector<1x1x1xf32>
      %reduce_max3A_251 = vector.extract %reduce_max3A_250[0, 0, 0] : f32 from vector<1x1x1xf32>
      %eq3A_252 = vector.broadcast %reduce_max3A_251 : f32 to vector<157x128xf32>
      %eq3A_253 = arith.cmpf oeq, %get3A_247, %eq3A_252 : vector<157x128xf32>
      %jit3A_254 = arith.constant 1.000000e+09 : f64
      %convert_element_type3A_255 = arith.truncf %jit3A_254 : f64 to f32
      %broadcast_in_dim3A_256 = vector.broadcast %convert_element_type3A_255 : f32 to vector<157x128xf32>
      %select_n3A_257 = arith.select %eq3A_253, %convert_element_type3A, %broadcast_in_dim3A_256 : vector<157x128xi1>, vector<157x128xf32>
      %reduce_min3A = vector.shape_cast %select_n3A_257 : vector<157x128xf32> to vector<1x157x128xf32>
      %reduce_min3A_258 = arith.constant dense<0x7F800000> : vector<1xf32>
      %reduce_min3A_259 = vector.multi_reduction <minimumf>, %reduce_min3A, %reduce_min3A_258 [1, 2] : vector<1x157x128xf32> to vector<1xf32>
      %reduce_min3A_260 = vector.shape_cast %reduce_min3A_259 : vector<1xf32> to vector<1x1x1xf32>
      %reduce_min3A_261 = vector.extract %reduce_min3A_260[0, 0, 0] : f32 from vector<1x1x1xf32>
      %convert_element_type3A_262 = arith.fptosi %reduce_min3A_261 : f32 to i32
      %jit3A_263 = arith.constant 128 : i64
      %convert_element_type3A_264 = arith.trunci %jit3A_263 : i64 to i32
      %div3A = arith.divsi %convert_element_type3A_262, %convert_element_type3A_264 : i32
      %sign3A = arith.constant 0 : i32
      %sign3A_265 = arith.cmpi sgt, %convert_element_type3A_262, %sign3A : i32
      %sign3A_266 = arith.extui %sign3A_265 : i1 to i32
      %sign3A_267 = arith.constant 0 : i32
      %sign3A_268 = arith.cmpi slt, %convert_element_type3A_262, %sign3A_267 : i32
      %sign3A_269 = arith.extui %sign3A_268 : i1 to i32
      %sign3A_270 = arith.subi %sign3A_266, %sign3A_269 : i32
      %sign3A_271 = arith.constant 0 : i32
      %sign3A_272 = arith.cmpi sgt, %convert_element_type3A_264, %sign3A_271 : i32
      %sign3A_273 = arith.extui %sign3A_272 : i1 to i32
      %sign3A_274 = arith.constant 0 : i32
      %sign3A_275 = arith.cmpi slt, %convert_element_type3A_264, %sign3A_274 : i32
      %sign3A_276 = arith.extui %sign3A_275 : i1 to i32
      %sign3A_277 = arith.subi %sign3A_273, %sign3A_276 : i32
      %ne3A = arith.cmpi ne, %sign3A_270, %sign3A_277 : i32
      %rem3A = arith.remsi %convert_element_type3A_262, %convert_element_type3A_264 : i32
      %ne3A_278 = arith.constant 0 : i32
      %ne3A_279 = arith.cmpi ne, %rem3A, %ne3A_278 : i32
      %and3A = arith.andi %ne3A, %ne3A_279 : i1
      %sub3A = arith.constant 1 : i32
      %sub3A_280 = arith.subi %div3A, %sub3A : i32
      %select_n3A_281 = arith.select %and3A, %sub3A_280, %div3A : i32
      %mul3A_282 = arith.constant 128 : i32
      %mul3A_283 = arith.muli %select_n3A_281, %mul3A_282 : i32
      %sub3A_284 = arith.subi %convert_element_type3A_262, %mul3A_283 : i32
      %get3A_285 = arith.index_cast %select_n3A_281 : i32 to index
      %get3A_286 = arith.index_cast %sub3A_284 : i32 to index
      %get3A_287 = arith.constant 0 : index
      %get3A_288 = vector.load %arg6[%get3A_285, %get3A_286, %get3A_287] : memref<157x128x128xf32, #tpu.memory_space<vmem>>, vector<1x1x128xf32>
      %get3A_289 = vector.shape_cast %get3A_288 : vector<1x1x128xf32> to vector<1x128xf32>
      %eq3A_290 = vector.broadcast %reduce_max3A_251 : f32 to vector<1x128xf32>
      %eq3A_291 = arith.cmpf oeq, %get3A_289, %eq3A_290 : vector<1x128xf32>
      %jit3A_292 = arith.constant 1.000000e+09 : f64
      %convert_element_type3A_293 = arith.truncf %jit3A_292 : f64 to f32
      %broadcast_in_dim3A_294 = vector.broadcast %convert_element_type3A_293 : f32 to vector<1x128xf32>
      %select_n3A_295 = arith.select %eq3A_291, %convert_element_type3A_16, %broadcast_in_dim3A_294 : vector<1x128xi1>, vector<1x128xf32>
      %reduce_min3A_296 = vector.shape_cast %select_n3A_295 : vector<1x128xf32> to vector<1x1x128xf32>
      %reduce_min3A_297 = arith.constant dense<0x7F800000> : vector<1xf32>
      %reduce_min3A_298 = vector.multi_reduction <minimumf>, %reduce_min3A_296, %reduce_min3A_297 [1, 2] : vector<1x1x128xf32> to vector<1xf32>
      %reduce_min3A_299 = vector.shape_cast %reduce_min3A_298 : vector<1xf32> to vector<1x1x1xf32>
      %reduce_min3A_300 = vector.extract %reduce_min3A_299[0, 0, 0] : f32 from vector<1x1x1xf32>
      %convert_element_type3A_301 = arith.fptosi %reduce_min3A_300 : f32 to i32
      %get3A_302 = arith.index_cast %select_n3A_281 : i32 to index
      %get3A_303 = arith.constant 0 : index
      %get3A_304 = vector.load %arg2[%get3A_302, %get3A_303] : memref<157x128xi32, #tpu.memory_space<vmem>>, vector<1x128xi32>
      %convert_element_type3A_305 = arith.sitofp %get3A_304 : vector<1x128xi32> to vector<1x128xf32>
      %eq3A_306 = vector.broadcast %sub3A_284 : i32 to vector<1x128xi32>
      %eq3A_307 = arith.cmpi eq, %iota3A_15, %eq3A_306 : vector<1x128xi32>
      %jit3A_308 = arith.constant -1.000000e+00 : f64
      %convert_element_type3A_309 = arith.truncf %jit3A_308 : f64 to f32
      %broadcast_in_dim3A_310 = vector.broadcast %convert_element_type3A_309 : f32 to vector<1x128xf32>
      %select_n3A_311 = arith.select %eq3A_307, %convert_element_type3A_305, %broadcast_in_dim3A_310 : vector<1x128xi1>, vector<1x128xf32>
      %reduce_max3A_312 = vector.shape_cast %select_n3A_311 : vector<1x128xf32> to vector<1x1x128xf32>
      %reduce_max3A_313 = arith.constant dense<0xFF800000> : vector<1xf32>
      %reduce_max3A_314 = vector.multi_reduction <maximumf>, %reduce_max3A_312, %reduce_max3A_313 [1, 2] : vector<1x1x128xf32> to vector<1xf32>
      %reduce_max3A_315 = vector.shape_cast %reduce_max3A_314 : vector<1xf32> to vector<1x1x1xf32>
      %reduce_max3A_316 = vector.extract %reduce_max3A_315[0, 0, 0] : f32 from vector<1x1x1xf32>
      %convert_element_type3A_317 = arith.fptosi %reduce_max3A_316 : f32 to i32
      %mul3A_318 = arith.constant 100 : i32
      %mul3A_319 = arith.muli %convert_element_type3A_262, %mul3A_318 : i32
      %add3A_320 = arith.addi %mul3A_319, %convert_element_type3A_301 : i32
      %eq3A_321 = vector.broadcast %while3A_243 : i32 to vector<1x128xi32>
      %eq3A_322 = arith.cmpi eq, %iota3A_15, %eq3A_321 : vector<1x128xi32>
      %get3A_323 = arith.constant 1 : index
      %get3A_324 = arith.constant 0 : index
      %get3A_325 = vector.load %arg3[%get3A_323, %get3A_324] : memref<8x128xf32, #tpu.memory_space<vmem>>, vector<1x128xf32>
      %broadcast_in_dim3A_326 = vector.broadcast %reduce_max3A_251 : f32 to vector<1x128xf32>
      %select_n3A_327 = arith.select %eq3A_322, %broadcast_in_dim3A_326, %get3A_325 : vector<1x128xi1>, vector<1x128xf32>
      %swap3A_328 = arith.constant 1 : index
      %swap3A_329 = arith.constant 0 : index
      %swap3A_330 = vector.load %arg3[%swap3A_328, %swap3A_329] : memref<8x128xf32, #tpu.memory_space<vmem>>, vector<1x128xf32>
      tpu.vector_store %arg3[%swap3A_328, %swap3A_329], %select_n3A_327 {strides = array<i32>} : memref<8x128xf32, #tpu.memory_space<vmem>>, vector<1x128xf32>,
      %eq3A_331 = vector.broadcast %while3A_243 : i32 to vector<1x128xi32>
      %eq3A_332 = arith.cmpi eq, %iota3A_15, %eq3A_331 : vector<1x128xi32>
      %get3A_333 = arith.constant 1 : index
      %get3A_334 = arith.constant 0 : index
      %get3A_335 = vector.load %arg4[%get3A_333, %get3A_334] : memref<8x128xi32, #tpu.memory_space<vmem>>, vector<1x128xi32>
      %broadcast_in_dim3A_336 = vector.broadcast %convert_element_type3A_317 : i32 to vector<1x128xi32>
      %select_n3A_337 = arith.select %eq3A_332, %broadcast_in_dim3A_336, %get3A_335 : vector<1x128xi1>, vector<1x128xi32>
      %swap3A_338 = arith.constant 1 : index
      %swap3A_339 = arith.constant 0 : index
      %swap3A_340 = vector.load %arg4[%swap3A_338, %swap3A_339] : memref<8x128xi32, #tpu.memory_space<vmem>>, vector<1x128xi32>
      tpu.vector_store %arg4[%swap3A_338, %swap3A_339], %select_n3A_337 {strides = array<i32>} : memref<8x128xi32, #tpu.memory_space<vmem>>, vector<1x128xi32>,
      %eq3A_341 = vector.broadcast %while3A_243 : i32 to vector<1x128xi32>
      %eq3A_342 = arith.cmpi eq, %iota3A_15, %eq3A_341 : vector<1x128xi32>
      %get3A_343 = arith.constant 1 : index
      %get3A_344 = arith.constant 0 : index
      %get3A_345 = vector.load %arg5[%get3A_343, %get3A_344] : memref<8x128xi32, #tpu.memory_space<vmem>>, vector<1x128xi32>
      %broadcast_in_dim3A_346 = vector.broadcast %add3A_320 : i32 to vector<1x128xi32>
      %select_n3A_347 = arith.select %eq3A_342, %broadcast_in_dim3A_346, %get3A_345 : vector<1x128xi1>, vector<1x128xi32>
      %swap3A_348 = arith.constant 1 : index
      %swap3A_349 = arith.constant 0 : index
      %swap3A_350 = vector.load %arg5[%swap3A_348, %swap3A_349] : memref<8x128xi32, #tpu.memory_space<vmem>>, vector<1x128xi32>
      tpu.vector_store %arg5[%swap3A_348, %swap3A_349], %select_n3A_347 {strides = array<i32>} : memref<8x128xi32, #tpu.memory_space<vmem>>, vector<1x128xi32>,
      %eq3A_351 = vector.broadcast %convert_element_type3A_301 : i32 to vector<1x128xi32>
      %eq3A_352 = arith.cmpi eq, %iota3A_15, %eq3A_351 : vector<1x128xi32>
      %jit3A_353 = arith.constant 0xFFF0000000000000 : f64
      %convert_element_type3A_354 = arith.truncf %jit3A_353 : f64 to f32
      %broadcast_in_dim3A_355 = vector.broadcast %convert_element_type3A_354 : f32 to vector<1x128xf32>
      %select_n3A_356 = arith.select %eq3A_352, %broadcast_in_dim3A_355, %get3A_289 : vector<1x128xi1>, vector<1x128xf32>
      %swap3A_357 = arith.index_cast %select_n3A_281 : i32 to index
      %swap3A_358 = arith.index_cast %sub3A_284 : i32 to index
      %swap3A_359 = arith.constant 0 : index
      %swap3A_360 = vector.load %arg6[%swap3A_357, %swap3A_358, %swap3A_359] : memref<157x128x128xf32, #tpu.memory_space<vmem>>, vector<1x1x128xf32>
      %swap3A_361 = vector.shape_cast %swap3A_360 : vector<1x1x128xf32> to vector<1x128xf32>
      %swap3A_362 = vector.shape_cast %select_n3A_356 : vector<1x128xf32> to vector<1x1x128xf32>
      tpu.vector_store %arg6[%swap3A_357, %swap3A_358, %swap3A_359], %swap3A_362 {strides = array<i32>} : memref<157x128x128xf32, #tpu.memory_space<vmem>>, vector<1x1x128xf32>,
      %reduce_max3A_363 = vector.shape_cast %select_n3A_356 : vector<1x128xf32> to vector<1x1x128xf32>
      %reduce_max3A_364 = arith.constant dense<0xFF800000> : vector<1xf32>
      %reduce_max3A_365 = vector.multi_reduction <maximumf>, %reduce_max3A_363, %reduce_max3A_364 [1, 2] : vector<1x1x128xf32> to vector<1xf32>
      %reduce_max3A_366 = vector.shape_cast %reduce_max3A_365 : vector<1xf32> to vector<1x1x1xf32>
      %reduce_max3A_367 = vector.extract %reduce_max3A_366[0, 0, 0] : f32 from vector<1x1x1xf32>
      %eq3A_368 = vector.broadcast %sub3A_284 : i32 to vector<1x128xi32>
      %eq3A_369 = arith.cmpi eq, %iota3A_15, %eq3A_368 : vector<1x128xi32>
      %get3A_370 = arith.index_cast %select_n3A_281 : i32 to index
      %get3A_371 = arith.constant 0 : index
      %get3A_372 = vector.load %arg8[%get3A_370, %get3A_371] : memref<157x128xf32, #tpu.memory_space<vmem>>, vector<1x128xf32>
      %broadcast_in_dim3A_373 = vector.broadcast %reduce_max3A_367 : f32 to vector<1x128xf32>
      %select_n3A_374 = arith.select %eq3A_369, %broadcast_in_dim3A_373, %get3A_372 : vector<1x128xi1>, vector<1x128xf32>
      %swap3A_375 = arith.index_cast %select_n3A_281 : i32 to index
      %swap3A_376 = arith.constant 0 : index
      %swap3A_377 = vector.load %arg8[%swap3A_375, %swap3A_376] : memref<157x128xf32, #tpu.memory_space<vmem>>, vector<1x128xf32>
      tpu.vector_store %arg8[%swap3A_375, %swap3A_376], %select_n3A_374 {strides = array<i32>} : memref<157x128xf32, #tpu.memory_space<vmem>>, vector<1x128xf32>,
      %while3A_378 = arith.constant 0 : i64
      scf.yield %while3A_378 : i64
    }
    %while3A_67 = arith.constant 1 : i32
    %while3A_68 = scf.for %while3A_243 = %while3A_64 to %while3A_60 step %while3A_67 iter_args(%while3A_244 = %while3A_66) -> (i64)  : i32 {
      %get3A_245 = arith.constant 0 : index
      %get3A_246 = arith.constant 0 : index
      %get3A_247 = vector.load %arg8[%get3A_245, %get3A_246] : memref<157x128xf32, #tpu.memory_space<vmem>>, vector<157x128xf32>
      %reduce_max3A = vector.shape_cast %get3A_247 : vector<157x128xf32> to vector<1x157x128xf32>
      %reduce_max3A_248 = arith.constant dense<0xFF800000> : vector<1xf32>
      %reduce_max3A_249 = vector.multi_reduction <maximumf>, %reduce_max3A, %reduce_max3A_248 [1, 2] : vector<1x157x128xf32> to vector<1xf32>
      %reduce_max3A_250 = vector.shape_cast %reduce_max3A_249 : vector<1xf32> to vector<1x1x1xf32>
      %reduce_max3A_251 = vector.extract %reduce_max3A_250[0, 0, 0] : f32 from vector<1x1x1xf32>
      %eq3A_252 = vector.broadcast %reduce_max3A_251 : f32 to vector<157x128xf32>
      %eq3A_253 = arith.cmpf oeq, %get3A_247, %eq3A_252 : vector<157x128xf32>
      %jit3A_254 = arith.constant 1.000000e+09 : f64
      %convert_element_type3A_255 = arith.truncf %jit3A_254 : f64 to f32
      %broadcast_in_dim3A_256 = vector.broadcast %convert_element_type3A_255 : f32 to vector<157x128xf32>
      %select_n3A_257 = arith.select %eq3A_253, %convert_element_type3A, %broadcast_in_dim3A_256 : vector<157x128xi1>, vector<157x128xf32>
      %reduce_min3A = vector.shape_cast %select_n3A_257 : vector<157x128xf32> to vector<1x157x128xf32>
      %reduce_min3A_258 = arith.constant dense<0x7F800000> : vector<1xf32>
      %reduce_min3A_259 = vector.multi_reduction <minimumf>, %reduce_min3A, %reduce_min3A_258 [1, 2] : vector<1x157x128xf32> to vector<1xf32>
      %reduce_min3A_260 = vector.shape_cast %reduce_min3A_259 : vector<1xf32> to vector<1x1x1xf32>
      %reduce_min3A_261 = vector.extract %reduce_min3A_260[0, 0, 0] : f32 from vector<1x1x1xf32>
      %convert_element_type3A_262 = arith.fptosi %reduce_min3A_261 : f32 to i32
      %jit3A_263 = arith.constant 128 : i64
      %convert_element_type3A_264 = arith.trunci %jit3A_263 : i64 to i32
      %div3A = arith.divsi %convert_element_type3A_262, %convert_element_type3A_264 : i32
      %sign3A = arith.constant 0 : i32
      %sign3A_265 = arith.cmpi sgt, %convert_element_type3A_262, %sign3A : i32
      %sign3A_266 = arith.extui %sign3A_265 : i1 to i32
      %sign3A_267 = arith.constant 0 : i32
      %sign3A_268 = arith.cmpi slt, %convert_element_type3A_262, %sign3A_267 : i32
      %sign3A_269 = arith.extui %sign3A_268 : i1 to i32
      %sign3A_270 = arith.subi %sign3A_266, %sign3A_269 : i32
      %sign3A_271 = arith.constant 0 : i32
      %sign3A_272 = arith.cmpi sgt, %convert_element_type3A_264, %sign3A_271 : i32
      %sign3A_273 = arith.extui %sign3A_272 : i1 to i32
      %sign3A_274 = arith.constant 0 : i32
      %sign3A_275 = arith.cmpi slt, %convert_element_type3A_264, %sign3A_274 : i32
      %sign3A_276 = arith.extui %sign3A_275 : i1 to i32
      %sign3A_277 = arith.subi %sign3A_273, %sign3A_276 : i32
      %ne3A = arith.cmpi ne, %sign3A_270, %sign3A_277 : i32
      %rem3A = arith.remsi %convert_element_type3A_262, %convert_element_type3A_264 : i32
      %ne3A_278 = arith.constant 0 : i32
      %ne3A_279 = arith.cmpi ne, %rem3A, %ne3A_278 : i32
      %and3A = arith.andi %ne3A, %ne3A_279 : i1
      %sub3A = arith.constant 1 : i32
      %sub3A_280 = arith.subi %div3A, %sub3A : i32
      %select_n3A_281 = arith.select %and3A, %sub3A_280, %div3A : i32
      %mul3A_282 = arith.constant 128 : i32
      %mul3A_283 = arith.muli %select_n3A_281, %mul3A_282 : i32
      %sub3A_284 = arith.subi %convert_element_type3A_262, %mul3A_283 : i32
      %get3A_285 = arith.index_cast %select_n3A_281 : i32 to index
      %get3A_286 = arith.index_cast %sub3A_284 : i32 to index
      %get3A_287 = arith.constant 0 : index
      %get3A_288 = vector.load %arg6[%get3A_285, %get3A_286, %get3A_287] : memref<157x128x128xf32, #tpu.memory_space<vmem>>, vector<1x1x128xf32>
      %get3A_289 = vector.shape_cast %get3A_288 : vector<1x1x128xf32> to vector<1x128xf32>
      %eq3A_290 = vector.broadcast %reduce_max3A_251 : f32 to vector<1x128xf32>
      %eq3A_291 = arith.cmpf oeq, %get3A_289, %eq3A_290 : vector<1x128xf32>
      %jit3A_292 = arith.constant 1.000000e+09 : f64
      %convert_element_type3A_293 = arith.truncf %jit3A_292 : f64 to f32
      %broadcast_in_dim3A_294 = vector.broadcast %convert_element_type3A_293 : f32 to vector<1x128xf32>
      %select_n3A_295 = arith.select %eq3A_291, %convert_element_type3A_16, %broadcast_in_dim3A_294 : vector<1x128xi1>, vector<1x128xf32>
      %reduce_min3A_296 = vector.shape_cast %select_n3A_295 : vector<1x128xf32> to vector<1x1x128xf32>
      %reduce_min3A_297 = arith.constant dense<0x7F800000> : vector<1xf32>
      %reduce_min3A_298 = vector.multi_reduction <minimumf>, %reduce_min3A_296, %reduce_min3A_297 [1, 2] : vector<1x1x128xf32> to vector<1xf32>
      %reduce_min3A_299 = vector.shape_cast %reduce_min3A_298 : vector<1xf32> to vector<1x1x1xf32>
      %reduce_min3A_300 = vector.extract %reduce_min3A_299[0, 0, 0] : f32 from vector<1x1x1xf32>
      %convert_element_type3A_301 = arith.fptosi %reduce_min3A_300 : f32 to i32
      %get3A_302 = arith.index_cast %select_n3A_281 : i32 to index
      %get3A_303 = arith.constant 0 : index
      %get3A_304 = vector.load %arg2[%get3A_302, %get3A_303] : memref<157x128xi32, #tpu.memory_space<vmem>>, vector<1x128xi32>
      %convert_element_type3A_305 = arith.sitofp %get3A_304 : vector<1x128xi32> to vector<1x128xf32>
      %eq3A_306 = vector.broadcast %sub3A_284 : i32 to vector<1x128xi32>
      %eq3A_307 = arith.cmpi eq, %iota3A_15, %eq3A_306 : vector<1x128xi32>
      %jit3A_308 = arith.constant -1.000000e+00 : f64
      %convert_element_type3A_309 = arith.truncf %jit3A_308 : f64 to f32
      %broadcast_in_dim3A_310 = vector.broadcast %convert_element_type3A_309 : f32 to vector<1x128xf32>
      %select_n3A_311 = arith.select %eq3A_307, %convert_element_type3A_305, %broadcast_in_dim3A_310 : vector<1x128xi1>, vector<1x128xf32>
      %reduce_max3A_312 = vector.shape_cast %select_n3A_311 : vector<1x128xf32> to vector<1x1x128xf32>
      %reduce_max3A_313 = arith.constant dense<0xFF800000> : vector<1xf32>
      %reduce_max3A_314 = vector.multi_reduction <maximumf>, %reduce_max3A_312, %reduce_max3A_313 [1, 2] : vector<1x1x128xf32> to vector<1xf32>
      %reduce_max3A_315 = vector.shape_cast %reduce_max3A_314 : vector<1xf32> to vector<1x1x1xf32>
      %reduce_max3A_316 = vector.extract %reduce_max3A_315[0, 0, 0] : f32 from vector<1x1x1xf32>
      %convert_element_type3A_317 = arith.fptosi %reduce_max3A_316 : f32 to i32
      %mul3A_318 = arith.constant 100 : i32
      %mul3A_319 = arith.muli %convert_element_type3A_262, %mul3A_318 : i32
      %add3A_320 = arith.addi %mul3A_319, %convert_element_type3A_301 : i32
      %eq3A_321 = vector.broadcast %while3A_243 : i32 to vector<1x128xi32>
      %eq3A_322 = arith.cmpi eq, %iota3A_15, %eq3A_321 : vector<1x128xi32>
      %get3A_323 = arith.constant 1 : index
      %get3A_324 = arith.constant 0 : index
      %get3A_325 = vector.load %arg3[%get3A_323, %get3A_324] : memref<8x128xf32, #tpu.memory_space<vmem>>, vector<1x128xf32>
      %broadcast_in_dim3A_326 = vector.broadcast %reduce_max3A_251 : f32 to vector<1x128xf32>
      %select_n3A_327 = arith.select %eq3A_322, %broadcast_in_dim3A_326, %get3A_325 : vector<1x128xi1>, vector<1x128xf32>
      %swap3A_328 = arith.constant 1 : index
      %swap3A_329 = arith.constant 0 : index
      %swap3A_330 = vector.load %arg3[%swap3A_328, %swap3A_329] : memref<8x128xf32, #tpu.memory_space<vmem>>, vector<1x128xf32>
      tpu.vector_store %arg3[%swap3A_328, %swap3A_329], %select_n3A_327 {strides = array<i32>} : memref<8x128xf32, #tpu.memory_space<vmem>>, vector<1x128xf32>,
      %eq3A_331 = vector.broadcast %while3A_243 : i32 to vector<1x128xi32>
      %eq3A_332 = arith.cmpi eq, %iota3A_15, %eq3A_331 : vector<1x128xi32>
      %get3A_333 = arith.constant 1 : index
      %get3A_334 = arith.constant 0 : index
      %get3A_335 = vector.load %arg4[%get3A_333, %get3A_334] : memref<8x128xi32, #tpu.memory_space<vmem>>, vector<1x128xi32>
      %broadcast_in_dim3A_336 = vector.broadcast %convert_element_type3A_317 : i32 to vector<1x128xi32>
      %select_n3A_337 = arith.select %eq3A_332, %broadcast_in_dim3A_336, %get3A_335 : vector<1x128xi1>, vector<1x128xi32>
      %swap3A_338 = arith.constant 1 : index
      %swap3A_339 = arith.constant 0 : index
      %swap3A_340 = vector.load %arg4[%swap3A_338, %swap3A_339] : memref<8x128xi32, #tpu.memory_space<vmem>>, vector<1x128xi32>
      tpu.vector_store %arg4[%swap3A_338, %swap3A_339], %select_n3A_337 {strides = array<i32>} : memref<8x128xi32, #tpu.memory_space<vmem>>, vector<1x128xi32>,
      %eq3A_341 = vector.broadcast %while3A_243 : i32 to vector<1x128xi32>
      %eq3A_342 = arith.cmpi eq, %iota3A_15, %eq3A_341 : vector<1x128xi32>
      %get3A_343 = arith.constant 1 : index
      %get3A_344 = arith.constant 0 : index
      %get3A_345 = vector.load %arg5[%get3A_343, %get3A_344] : memref<8x128xi32, #tpu.memory_space<vmem>>, vector<1x128xi32>
      %broadcast_in_dim3A_346 = vector.broadcast %add3A_320 : i32 to vector<1x128xi32>
      %select_n3A_347 = arith.select %eq3A_342, %broadcast_in_dim3A_346, %get3A_345 : vector<1x128xi1>, vector<1x128xi32>
      %swap3A_348 = arith.constant 1 : index
      %swap3A_349 = arith.constant 0 : index
      %swap3A_350 = vector.load %arg5[%swap3A_348, %swap3A_349] : memref<8x128xi32, #tpu.memory_space<vmem>>, vector<1x128xi32>
      tpu.vector_store %arg5[%swap3A_348, %swap3A_349], %select_n3A_347 {strides = array<i32>} : memref<8x128xi32, #tpu.memory_space<vmem>>, vector<1x128xi32>,
      %eq3A_351 = vector.broadcast %convert_element_type3A_301 : i32 to vector<1x128xi32>
      %eq3A_352 = arith.cmpi eq, %iota3A_15, %eq3A_351 : vector<1x128xi32>
      %jit3A_353 = arith.constant 0xFFF0000000000000 : f64
      %convert_element_type3A_354 = arith.truncf %jit3A_353 : f64 to f32
      %broadcast_in_dim3A_355 = vector.broadcast %convert_element_type3A_354 : f32 to vector<1x128xf32>
      %select_n3A_356 = arith.select %eq3A_352, %broadcast_in_dim3A_355, %get3A_289 : vector<1x128xi1>, vector<1x128xf32>
      %swap3A_357 = arith.index_cast %select_n3A_281 : i32 to index
      %swap3A_358 = arith.index_cast %sub3A_284 : i32 to index
      %swap3A_359 = arith.constant 0 : index
      %swap3A_360 = vector.load %arg6[%swap3A_357, %swap3A_358, %swap3A_359] : memref<157x128x128xf32, #tpu.memory_space<vmem>>, vector<1x1x128xf32>
      %swap3A_361 = vector.shape_cast %swap3A_360 : vector<1x1x128xf32> to vector<1x128xf32>
      %swap3A_362 = vector.shape_cast %select_n3A_356 : vector<1x128xf32> to vector<1x1x128xf32>
      tpu.vector_store %arg6[%swap3A_357, %swap3A_358, %swap3A_359], %swap3A_362 {strides = array<i32>} : memref<157x128x128xf32, #tpu.memory_space<vmem>>, vector<1x1x128xf32>,
      %reduce_max3A_363 = vector.shape_cast %select_n3A_356 : vector<1x128xf32> to vector<1x1x128xf32>
      %reduce_max3A_364 = arith.constant dense<0xFF800000> : vector<1xf32>
      %reduce_max3A_365 = vector.multi_reduction <maximumf>, %reduce_max3A_363, %reduce_max3A_364 [1, 2] : vector<1x1x128xf32> to vector<1xf32>
      %reduce_max3A_366 = vector.shape_cast %reduce_max3A_365 : vector<1xf32> to vector<1x1x1xf32>
      %reduce_max3A_367 = vector.extract %reduce_max3A_366[0, 0, 0] : f32 from vector<1x1x1xf32>
      %eq3A_368 = vector.broadcast %sub3A_284 : i32 to vector<1x128xi32>
      %eq3A_369 = arith.cmpi eq, %iota3A_15, %eq3A_368 : vector<1x128xi32>
      %get3A_370 = arith.index_cast %select_n3A_281 : i32 to index
      %get3A_371 = arith.constant 0 : index
      %get3A_372 = vector.load %arg8[%get3A_370, %get3A_371] : memref<157x128xf32, #tpu.memory_space<vmem>>, vector<1x128xf32>
      %broadcast_in_dim3A_373 = vector.broadcast %reduce_max3A_367 : f32 to vector<1x128xf32>
      %select_n3A_374 = arith.select %eq3A_369, %broadcast_in_dim3A_373, %get3A_372 : vector<1x128xi1>, vector<1x128xf32>
      %swap3A_375 = arith.index_cast %select_n3A_281 : i32 to index
      %swap3A_376 = arith.constant 0 : index
      %swap3A_377 = vector.load %arg8[%swap3A_375, %swap3A_376] : memref<157x128xf32, #tpu.memory_space<vmem>>, vector<1x128xf32>
      tpu.vector_store %arg8[%swap3A_375, %swap3A_376], %select_n3A_374 {strides = array<i32>} : memref<157x128xf32, #tpu.memory_space<vmem>>, vector<1x128xf32>,
      %while3A_378 = arith.constant 0 : i64
      scf.yield %while3A_378 : i64
    }
    %get3A_69 = arith.constant 0 : index
    %get3A_70 = arith.constant 0 : index
    %get3A_71 = vector.load %arg1[%get3A_69, %get3A_70] : memref<157x128xi32, #tpu.memory_space<vmem>>, vector<157x128xi32>
    %eq3A_72 = arith.constant 2 : i32
    %eq3A_73 = vector.broadcast %eq3A_72 : i32 to vector<157x128xi32>
    %eq3A_74 = arith.cmpi eq, %get3A_71, %eq3A_73 : vector<157x128xi32>
    %get3A_75 = arith.constant 0 : index
    %get3A_76 = arith.constant 0 : index
    %get3A_77 = vector.load %arg7[%get3A_75, %get3A_76] : memref<157x128xf32, #tpu.memory_space<vmem>>, vector<157x128xf32>
    %jit3A_78 = arith.constant 0xFFF0000000000000 : f64
    %convert_element_type3A_79 = arith.truncf %jit3A_78 : f64 to f32
    %broadcast_in_dim3A_80 = vector.broadcast %convert_element_type3A_79 : f32 to vector<157x128xf32>
    %select_n3A_81 = arith.select %eq3A_74, %get3A_77, %broadcast_in_dim3A_80 : vector<157x128xi1>, vector<157x128xf32>
    %swap3A_82 = arith.constant 0 : index
    %swap3A_83 = arith.constant 0 : index
    %swap3A_84 = vector.load %arg8[%swap3A_82, %swap3A_83] : memref<157x128xf32, #tpu.memory_space<vmem>>, vector<157x128xf32>
    tpu.vector_store %arg8[%swap3A_82, %swap3A_83], %select_n3A_81 {strides = array<i32>} : memref<157x128xf32, #tpu.memory_space<vmem>>, vector<157x128xf32>,
    %while3A_85 = arith.constant 0 : i32
    %while3A_86 = arith.constant 100 : i32
    %while3A_87 = arith.constant 0 : i64
    %while3A_88 = arith.subi %while3A_86, %while3A_85 : i32
    %while3A_89 = arith.addi %while3A_85, %while3A_88 : i32
    %while3A_90 = arith.constant 1 : i32
    %while3A_91 = arith.divsi %while3A_88, %while3A_90 : i32
    %while3A_92 = arith.muli %while3A_91, %while3A_90 : i32
    %while3A_93 = arith.addi %while3A_85, %while3A_92 : i32
    %while3A_94 = arith.constant 1 : i32
    %while3A_95 = scf.for %while3A_243 = %while3A_85 to %while3A_93 step %while3A_94 iter_args(%while3A_244 = %while3A_87) -> (i64)  : i32 {
      %get3A_245 = arith.constant 0 : index
      %get3A_246 = arith.constant 0 : index
      %get3A_247 = vector.load %arg8[%get3A_245, %get3A_246] : memref<157x128xf32, #tpu.memory_space<vmem>>, vector<157x128xf32>
      %reduce_max3A = vector.shape_cast %get3A_247 : vector<157x128xf32> to vector<1x157x128xf32>
      %reduce_max3A_248 = arith.constant dense<0xFF800000> : vector<1xf32>
      %reduce_max3A_249 = vector.multi_reduction <maximumf>, %reduce_max3A, %reduce_max3A_248 [1, 2] : vector<1x157x128xf32> to vector<1xf32>
      %reduce_max3A_250 = vector.shape_cast %reduce_max3A_249 : vector<1xf32> to vector<1x1x1xf32>
      %reduce_max3A_251 = vector.extract %reduce_max3A_250[0, 0, 0] : f32 from vector<1x1x1xf32>
      %eq3A_252 = vector.broadcast %reduce_max3A_251 : f32 to vector<157x128xf32>
      %eq3A_253 = arith.cmpf oeq, %get3A_247, %eq3A_252 : vector<157x128xf32>
      %jit3A_254 = arith.constant 1.000000e+09 : f64
      %convert_element_type3A_255 = arith.truncf %jit3A_254 : f64 to f32
      %broadcast_in_dim3A_256 = vector.broadcast %convert_element_type3A_255 : f32 to vector<157x128xf32>
      %select_n3A_257 = arith.select %eq3A_253, %convert_element_type3A, %broadcast_in_dim3A_256 : vector<157x128xi1>, vector<157x128xf32>
      %reduce_min3A = vector.shape_cast %select_n3A_257 : vector<157x128xf32> to vector<1x157x128xf32>
      %reduce_min3A_258 = arith.constant dense<0x7F800000> : vector<1xf32>
      %reduce_min3A_259 = vector.multi_reduction <minimumf>, %reduce_min3A, %reduce_min3A_258 [1, 2] : vector<1x157x128xf32> to vector<1xf32>
      %reduce_min3A_260 = vector.shape_cast %reduce_min3A_259 : vector<1xf32> to vector<1x1x1xf32>
      %reduce_min3A_261 = vector.extract %reduce_min3A_260[0, 0, 0] : f32 from vector<1x1x1xf32>
      %convert_element_type3A_262 = arith.fptosi %reduce_min3A_261 : f32 to i32
      %jit3A_263 = arith.constant 128 : i64
      %convert_element_type3A_264 = arith.trunci %jit3A_263 : i64 to i32
      %div3A = arith.divsi %convert_element_type3A_262, %convert_element_type3A_264 : i32
      %sign3A = arith.constant 0 : i32
      %sign3A_265 = arith.cmpi sgt, %convert_element_type3A_262, %sign3A : i32
      %sign3A_266 = arith.extui %sign3A_265 : i1 to i32
      %sign3A_267 = arith.constant 0 : i32
      %sign3A_268 = arith.cmpi slt, %convert_element_type3A_262, %sign3A_267 : i32
      %sign3A_269 = arith.extui %sign3A_268 : i1 to i32
      %sign3A_270 = arith.subi %sign3A_266, %sign3A_269 : i32
      %sign3A_271 = arith.constant 0 : i32
      %sign3A_272 = arith.cmpi sgt, %convert_element_type3A_264, %sign3A_271 : i32
      %sign3A_273 = arith.extui %sign3A_272 : i1 to i32
      %sign3A_274 = arith.constant 0 : i32
      %sign3A_275 = arith.cmpi slt, %convert_element_type3A_264, %sign3A_274 : i32
      %sign3A_276 = arith.extui %sign3A_275 : i1 to i32
      %sign3A_277 = arith.subi %sign3A_273, %sign3A_276 : i32
      %ne3A = arith.cmpi ne, %sign3A_270, %sign3A_277 : i32
      %rem3A = arith.remsi %convert_element_type3A_262, %convert_element_type3A_264 : i32
      %ne3A_278 = arith.constant 0 : i32
      %ne3A_279 = arith.cmpi ne, %rem3A, %ne3A_278 : i32
      %and3A = arith.andi %ne3A, %ne3A_279 : i1
      %sub3A = arith.constant 1 : i32
      %sub3A_280 = arith.subi %div3A, %sub3A : i32
      %select_n3A_281 = arith.select %and3A, %sub3A_280, %div3A : i32
      %mul3A_282 = arith.constant 128 : i32
      %mul3A_283 = arith.muli %select_n3A_281, %mul3A_282 : i32
      %sub3A_284 = arith.subi %convert_element_type3A_262, %mul3A_283 : i32
      %get3A_285 = arith.index_cast %select_n3A_281 : i32 to index
      %get3A_286 = arith.index_cast %sub3A_284 : i32 to index
      %get3A_287 = arith.constant 0 : index
      %get3A_288 = vector.load %arg6[%get3A_285, %get3A_286, %get3A_287] : memref<157x128x128xf32, #tpu.memory_space<vmem>>, vector<1x1x128xf32>
      %get3A_289 = vector.shape_cast %get3A_288 : vector<1x1x128xf32> to vector<1x128xf32>
      %eq3A_290 = vector.broadcast %reduce_max3A_251 : f32 to vector<1x128xf32>
      %eq3A_291 = arith.cmpf oeq, %get3A_289, %eq3A_290 : vector<1x128xf32>
      %jit3A_292 = arith.constant 1.000000e+09 : f64
      %convert_element_type3A_293 = arith.truncf %jit3A_292 : f64 to f32
      %broadcast_in_dim3A_294 = vector.broadcast %convert_element_type3A_293 : f32 to vector<1x128xf32>
      %select_n3A_295 = arith.select %eq3A_291, %convert_element_type3A_16, %broadcast_in_dim3A_294 : vector<1x128xi1>, vector<1x128xf32>
      %reduce_min3A_296 = vector.shape_cast %select_n3A_295 : vector<1x128xf32> to vector<1x1x128xf32>
      %reduce_min3A_297 = arith.constant dense<0x7F800000> : vector<1xf32>
      %reduce_min3A_298 = vector.multi_reduction <minimumf>, %reduce_min3A_296, %reduce_min3A_297 [1, 2] : vector<1x1x128xf32> to vector<1xf32>
      %reduce_min3A_299 = vector.shape_cast %reduce_min3A_298 : vector<1xf32> to vector<1x1x1xf32>
      %reduce_min3A_300 = vector.extract %reduce_min3A_299[0, 0, 0] : f32 from vector<1x1x1xf32>
      %convert_element_type3A_301 = arith.fptosi %reduce_min3A_300 : f32 to i32
      %get3A_302 = arith.index_cast %select_n3A_281 : i32 to index
      %get3A_303 = arith.constant 0 : index
      %get3A_304 = vector.load %arg2[%get3A_302, %get3A_303] : memref<157x128xi32, #tpu.memory_space<vmem>>, vector<1x128xi32>
      %convert_element_type3A_305 = arith.sitofp %get3A_304 : vector<1x128xi32> to vector<1x128xf32>
      %eq3A_306 = vector.broadcast %sub3A_284 : i32 to vector<1x128xi32>
      %eq3A_307 = arith.cmpi eq, %iota3A_15, %eq3A_306 : vector<1x128xi32>
      %jit3A_308 = arith.constant -1.000000e+00 : f64
      %convert_element_type3A_309 = arith.truncf %jit3A_308 : f64 to f32
      %broadcast_in_dim3A_310 = vector.broadcast %convert_element_type3A_309 : f32 to vector<1x128xf32>
      %select_n3A_311 = arith.select %eq3A_307, %convert_element_type3A_305, %broadcast_in_dim3A_310 : vector<1x128xi1>, vector<1x128xf32>
      %reduce_max3A_312 = vector.shape_cast %select_n3A_311 : vector<1x128xf32> to vector<1x1x128xf32>
      %reduce_max3A_313 = arith.constant dense<0xFF800000> : vector<1xf32>
      %reduce_max3A_314 = vector.multi_reduction <maximumf>, %reduce_max3A_312, %reduce_max3A_313 [1, 2] : vector<1x1x128xf32> to vector<1xf32>
      %reduce_max3A_315 = vector.shape_cast %reduce_max3A_314 : vector<1xf32> to vector<1x1x1xf32>
      %reduce_max3A_316 = vector.extract %reduce_max3A_315[0, 0, 0] : f32 from vector<1x1x1xf32>
      %convert_element_type3A_317 = arith.fptosi %reduce_max3A_316 : f32 to i32
      %mul3A_318 = arith.constant 100 : i32
      %mul3A_319 = arith.muli %convert_element_type3A_262, %mul3A_318 : i32
      %add3A_320 = arith.addi %mul3A_319, %convert_element_type3A_301 : i32
      %eq3A_321 = vector.broadcast %while3A_243 : i32 to vector<1x128xi32>
      %eq3A_322 = arith.cmpi eq, %iota3A_15, %eq3A_321 : vector<1x128xi32>
      %get3A_323 = arith.constant 2 : index
      %get3A_324 = arith.constant 0 : index
      %get3A_325 = vector.load %arg3[%get3A_323, %get3A_324] : memref<8x128xf32, #tpu.memory_space<vmem>>, vector<1x128xf32>
      %broadcast_in_dim3A_326 = vector.broadcast %reduce_max3A_251 : f32 to vector<1x128xf32>
      %select_n3A_327 = arith.select %eq3A_322, %broadcast_in_dim3A_326, %get3A_325 : vector<1x128xi1>, vector<1x128xf32>
      %swap3A_328 = arith.constant 2 : index
      %swap3A_329 = arith.constant 0 : index
      %swap3A_330 = vector.load %arg3[%swap3A_328, %swap3A_329] : memref<8x128xf32, #tpu.memory_space<vmem>>, vector<1x128xf32>
      tpu.vector_store %arg3[%swap3A_328, %swap3A_329], %select_n3A_327 {strides = array<i32>} : memref<8x128xf32, #tpu.memory_space<vmem>>, vector<1x128xf32>,
      %eq3A_331 = vector.broadcast %while3A_243 : i32 to vector<1x128xi32>
      %eq3A_332 = arith.cmpi eq, %iota3A_15, %eq3A_331 : vector<1x128xi32>
      %get3A_333 = arith.constant 2 : index
      %get3A_334 = arith.constant 0 : index
      %get3A_335 = vector.load %arg4[%get3A_333, %get3A_334] : memref<8x128xi32, #tpu.memory_space<vmem>>, vector<1x128xi32>
      %broadcast_in_dim3A_336 = vector.broadcast %convert_element_type3A_317 : i32 to vector<1x128xi32>
      %select_n3A_337 = arith.select %eq3A_332, %broadcast_in_dim3A_336, %get3A_335 : vector<1x128xi1>, vector<1x128xi32>
      %swap3A_338 = arith.constant 2 : index
      %swap3A_339 = arith.constant 0 : index
      %swap3A_340 = vector.load %arg4[%swap3A_338, %swap3A_339] : memref<8x128xi32, #tpu.memory_space<vmem>>, vector<1x128xi32>
      tpu.vector_store %arg4[%swap3A_338, %swap3A_339], %select_n3A_337 {strides = array<i32>} : memref<8x128xi32, #tpu.memory_space<vmem>>, vector<1x128xi32>,
      %eq3A_341 = vector.broadcast %while3A_243 : i32 to vector<1x128xi32>
      %eq3A_342 = arith.cmpi eq, %iota3A_15, %eq3A_341 : vector<1x128xi32>
      %get3A_343 = arith.constant 2 : index
      %get3A_344 = arith.constant 0 : index
      %get3A_345 = vector.load %arg5[%get3A_343, %get3A_344] : memref<8x128xi32, #tpu.memory_space<vmem>>, vector<1x128xi32>
      %broadcast_in_dim3A_346 = vector.broadcast %add3A_320 : i32 to vector<1x128xi32>
      %select_n3A_347 = arith.select %eq3A_342, %broadcast_in_dim3A_346, %get3A_345 : vector<1x128xi1>, vector<1x128xi32>
      %swap3A_348 = arith.constant 2 : index
      %swap3A_349 = arith.constant 0 : index
      %swap3A_350 = vector.load %arg5[%swap3A_348, %swap3A_349] : memref<8x128xi32, #tpu.memory_space<vmem>>, vector<1x128xi32>
      tpu.vector_store %arg5[%swap3A_348, %swap3A_349], %select_n3A_347 {strides = array<i32>} : memref<8x128xi32, #tpu.memory_space<vmem>>, vector<1x128xi32>,
      %eq3A_351 = vector.broadcast %convert_element_type3A_301 : i32 to vector<1x128xi32>
      %eq3A_352 = arith.cmpi eq, %iota3A_15, %eq3A_351 : vector<1x128xi32>
      %jit3A_353 = arith.constant 0xFFF0000000000000 : f64
      %convert_element_type3A_354 = arith.truncf %jit3A_353 : f64 to f32
      %broadcast_in_dim3A_355 = vector.broadcast %convert_element_type3A_354 : f32 to vector<1x128xf32>
      %select_n3A_356 = arith.select %eq3A_352, %broadcast_in_dim3A_355, %get3A_289 : vector<1x128xi1>, vector<1x128xf32>
      %swap3A_357 = arith.index_cast %select_n3A_281 : i32 to index
      %swap3A_358 = arith.index_cast %sub3A_284 : i32 to index
      %swap3A_359 = arith.constant 0 : index
      %swap3A_360 = vector.load %arg6[%swap3A_357, %swap3A_358, %swap3A_359] : memref<157x128x128xf32, #tpu.memory_space<vmem>>, vector<1x1x128xf32>
      %swap3A_361 = vector.shape_cast %swap3A_360 : vector<1x1x128xf32> to vector<1x128xf32>
      %swap3A_362 = vector.shape_cast %select_n3A_356 : vector<1x128xf32> to vector<1x1x128xf32>
      tpu.vector_store %arg6[%swap3A_357, %swap3A_358, %swap3A_359], %swap3A_362 {strides = array<i32>} : memref<157x128x128xf32, #tpu.memory_space<vmem>>, vector<1x1x128xf32>,
      %reduce_max3A_363 = vector.shape_cast %select_n3A_356 : vector<1x128xf32> to vector<1x1x128xf32>
      %reduce_max3A_364 = arith.constant dense<0xFF800000> : vector<1xf32>
      %reduce_max3A_365 = vector.multi_reduction <maximumf>, %reduce_max3A_363, %reduce_max3A_364 [1, 2] : vector<1x1x128xf32> to vector<1xf32>
      %reduce_max3A_366 = vector.shape_cast %reduce_max3A_365 : vector<1xf32> to vector<1x1x1xf32>
      %reduce_max3A_367 = vector.extract %reduce_max3A_366[0, 0, 0] : f32 from vector<1x1x1xf32>
      %eq3A_368 = vector.broadcast %sub3A_284 : i32 to vector<1x128xi32>
      %eq3A_369 = arith.cmpi eq, %iota3A_15, %eq3A_368 : vector<1x128xi32>
      %get3A_370 = arith.index_cast %select_n3A_281 : i32 to index
      %get3A_371 = arith.constant 0 : index
      %get3A_372 = vector.load %arg8[%get3A_370, %get3A_371] : memref<157x128xf32, #tpu.memory_space<vmem>>, vector<1x128xf32>
      %broadcast_in_dim3A_373 = vector.broadcast %reduce_max3A_367 : f32 to vector<1x128xf32>
      %select_n3A_374 = arith.select %eq3A_369, %broadcast_in_dim3A_373, %get3A_372 : vector<1x128xi1>, vector<1x128xf32>
      %swap3A_375 = arith.index_cast %select_n3A_281 : i32 to index
      %swap3A_376 = arith.constant 0 : index
      %swap3A_377 = vector.load %arg8[%swap3A_375, %swap3A_376] : memref<157x128xf32, #tpu.memory_space<vmem>>, vector<1x128xf32>
      tpu.vector_store %arg8[%swap3A_375, %swap3A_376], %select_n3A_374 {strides = array<i32>} : memref<157x128xf32, #tpu.memory_space<vmem>>, vector<1x128xf32>,
      %while3A_378 = arith.constant 0 : i64
      scf.yield %while3A_378 : i64
    }
    %while3A_96 = arith.constant 1 : i32
    %while3A_97 = scf.for %while3A_243 = %while3A_93 to %while3A_89 step %while3A_96 iter_args(%while3A_244 = %while3A_95) -> (i64)  : i32 {
      %get3A_245 = arith.constant 0 : index
      %get3A_246 = arith.constant 0 : index
      %get3A_247 = vector.load %arg8[%get3A_245, %get3A_246] : memref<157x128xf32, #tpu.memory_space<vmem>>, vector<157x128xf32>
      %reduce_max3A = vector.shape_cast %get3A_247 : vector<157x128xf32> to vector<1x157x128xf32>
      %reduce_max3A_248 = arith.constant dense<0xFF800000> : vector<1xf32>
      %reduce_max3A_249 = vector.multi_reduction <maximumf>, %reduce_max3A, %reduce_max3A_248 [1, 2] : vector<1x157x128xf32> to vector<1xf32>
      %reduce_max3A_250 = vector.shape_cast %reduce_max3A_249 : vector<1xf32> to vector<1x1x1xf32>
      %reduce_max3A_251 = vector.extract %reduce_max3A_250[0, 0, 0] : f32 from vector<1x1x1xf32>
      %eq3A_252 = vector.broadcast %reduce_max3A_251 : f32 to vector<157x128xf32>
      %eq3A_253 = arith.cmpf oeq, %get3A_247, %eq3A_252 : vector<157x128xf32>
      %jit3A_254 = arith.constant 1.000000e+09 : f64
      %convert_element_type3A_255 = arith.truncf %jit3A_254 : f64 to f32
      %broadcast_in_dim3A_256 = vector.broadcast %convert_element_type3A_255 : f32 to vector<157x128xf32>
      %select_n3A_257 = arith.select %eq3A_253, %convert_element_type3A, %broadcast_in_dim3A_256 : vector<157x128xi1>, vector<157x128xf32>
      %reduce_min3A = vector.shape_cast %select_n3A_257 : vector<157x128xf32> to vector<1x157x128xf32>
      %reduce_min3A_258 = arith.constant dense<0x7F800000> : vector<1xf32>
      %reduce_min3A_259 = vector.multi_reduction <minimumf>, %reduce_min3A, %reduce_min3A_258 [1, 2] : vector<1x157x128xf32> to vector<1xf32>
      %reduce_min3A_260 = vector.shape_cast %reduce_min3A_259 : vector<1xf32> to vector<1x1x1xf32>
      %reduce_min3A_261 = vector.extract %reduce_min3A_260[0, 0, 0] : f32 from vector<1x1x1xf32>
      %convert_element_type3A_262 = arith.fptosi %reduce_min3A_261 : f32 to i32
      %jit3A_263 = arith.constant 128 : i64
      %convert_element_type3A_264 = arith.trunci %jit3A_263 : i64 to i32
      %div3A = arith.divsi %convert_element_type3A_262, %convert_element_type3A_264 : i32
      %sign3A = arith.constant 0 : i32
      %sign3A_265 = arith.cmpi sgt, %convert_element_type3A_262, %sign3A : i32
      %sign3A_266 = arith.extui %sign3A_265 : i1 to i32
      %sign3A_267 = arith.constant 0 : i32
      %sign3A_268 = arith.cmpi slt, %convert_element_type3A_262, %sign3A_267 : i32
      %sign3A_269 = arith.extui %sign3A_268 : i1 to i32
      %sign3A_270 = arith.subi %sign3A_266, %sign3A_269 : i32
      %sign3A_271 = arith.constant 0 : i32
      %sign3A_272 = arith.cmpi sgt, %convert_element_type3A_264, %sign3A_271 : i32
      %sign3A_273 = arith.extui %sign3A_272 : i1 to i32
      %sign3A_274 = arith.constant 0 : i32
      %sign3A_275 = arith.cmpi slt, %convert_element_type3A_264, %sign3A_274 : i32
      %sign3A_276 = arith.extui %sign3A_275 : i1 to i32
      %sign3A_277 = arith.subi %sign3A_273, %sign3A_276 : i32
      %ne3A = arith.cmpi ne, %sign3A_270, %sign3A_277 : i32
      %rem3A = arith.remsi %convert_element_type3A_262, %convert_element_type3A_264 : i32
      %ne3A_278 = arith.constant 0 : i32
      %ne3A_279 = arith.cmpi ne, %rem3A, %ne3A_278 : i32
      %and3A = arith.andi %ne3A, %ne3A_279 : i1
      %sub3A = arith.constant 1 : i32
      %sub3A_280 = arith.subi %div3A, %sub3A : i32
      %select_n3A_281 = arith.select %and3A, %sub3A_280, %div3A : i32
      %mul3A_282 = arith.constant 128 : i32
      %mul3A_283 = arith.muli %select_n3A_281, %mul3A_282 : i32
      %sub3A_284 = arith.subi %convert_element_type3A_262, %mul3A_283 : i32
      %get3A_285 = arith.index_cast %select_n3A_281 : i32 to index
      %get3A_286 = arith.index_cast %sub3A_284 : i32 to index
      %get3A_287 = arith.constant 0 : index
      %get3A_288 = vector.load %arg6[%get3A_285, %get3A_286, %get3A_287] : memref<157x128x128xf32, #tpu.memory_space<vmem>>, vector<1x1x128xf32>
      %get3A_289 = vector.shape_cast %get3A_288 : vector<1x1x128xf32> to vector<1x128xf32>
      %eq3A_290 = vector.broadcast %reduce_max3A_251 : f32 to vector<1x128xf32>
      %eq3A_291 = arith.cmpf oeq, %get3A_289, %eq3A_290 : vector<1x128xf32>
      %jit3A_292 = arith.constant 1.000000e+09 : f64
      %convert_element_type3A_293 = arith.truncf %jit3A_292 : f64 to f32
      %broadcast_in_dim3A_294 = vector.broadcast %convert_element_type3A_293 : f32 to vector<1x128xf32>
      %select_n3A_295 = arith.select %eq3A_291, %convert_element_type3A_16, %broadcast_in_dim3A_294 : vector<1x128xi1>, vector<1x128xf32>
      %reduce_min3A_296 = vector.shape_cast %select_n3A_295 : vector<1x128xf32> to vector<1x1x128xf32>
      %reduce_min3A_297 = arith.constant dense<0x7F800000> : vector<1xf32>
      %reduce_min3A_298 = vector.multi_reduction <minimumf>, %reduce_min3A_296, %reduce_min3A_297 [1, 2] : vector<1x1x128xf32> to vector<1xf32>
      %reduce_min3A_299 = vector.shape_cast %reduce_min3A_298 : vector<1xf32> to vector<1x1x1xf32>
      %reduce_min3A_300 = vector.extract %reduce_min3A_299[0, 0, 0] : f32 from vector<1x1x1xf32>
      %convert_element_type3A_301 = arith.fptosi %reduce_min3A_300 : f32 to i32
      %get3A_302 = arith.index_cast %select_n3A_281 : i32 to index
      %get3A_303 = arith.constant 0 : index
      %get3A_304 = vector.load %arg2[%get3A_302, %get3A_303] : memref<157x128xi32, #tpu.memory_space<vmem>>, vector<1x128xi32>
      %convert_element_type3A_305 = arith.sitofp %get3A_304 : vector<1x128xi32> to vector<1x128xf32>
      %eq3A_306 = vector.broadcast %sub3A_284 : i32 to vector<1x128xi32>
      %eq3A_307 = arith.cmpi eq, %iota3A_15, %eq3A_306 : vector<1x128xi32>
      %jit3A_308 = arith.constant -1.000000e+00 : f64
      %convert_element_type3A_309 = arith.truncf %jit3A_308 : f64 to f32
      %broadcast_in_dim3A_310 = vector.broadcast %convert_element_type3A_309 : f32 to vector<1x128xf32>
      %select_n3A_311 = arith.select %eq3A_307, %convert_element_type3A_305, %broadcast_in_dim3A_310 : vector<1x128xi1>, vector<1x128xf32>
      %reduce_max3A_312 = vector.shape_cast %select_n3A_311 : vector<1x128xf32> to vector<1x1x128xf32>
      %reduce_max3A_313 = arith.constant dense<0xFF800000> : vector<1xf32>
      %reduce_max3A_314 = vector.multi_reduction <maximumf>, %reduce_max3A_312, %reduce_max3A_313 [1, 2] : vector<1x1x128xf32> to vector<1xf32>
      %reduce_max3A_315 = vector.shape_cast %reduce_max3A_314 : vector<1xf32> to vector<1x1x1xf32>
      %reduce_max3A_316 = vector.extract %reduce_max3A_315[0, 0, 0] : f32 from vector<1x1x1xf32>
      %convert_element_type3A_317 = arith.fptosi %reduce_max3A_316 : f32 to i32
      %mul3A_318 = arith.constant 100 : i32
      %mul3A_319 = arith.muli %convert_element_type3A_262, %mul3A_318 : i32
      %add3A_320 = arith.addi %mul3A_319, %convert_element_type3A_301 : i32
      %eq3A_321 = vector.broadcast %while3A_243 : i32 to vector<1x128xi32>
      %eq3A_322 = arith.cmpi eq, %iota3A_15, %eq3A_321 : vector<1x128xi32>
      %get3A_323 = arith.constant 2 : index
      %get3A_324 = arith.constant 0 : index
      %get3A_325 = vector.load %arg3[%get3A_323, %get3A_324] : memref<8x128xf32, #tpu.memory_space<vmem>>, vector<1x128xf32>
      %broadcast_in_dim3A_326 = vector.broadcast %reduce_max3A_251 : f32 to vector<1x128xf32>
      %select_n3A_327 = arith.select %eq3A_322, %broadcast_in_dim3A_326, %get3A_325 : vector<1x128xi1>, vector<1x128xf32>
      %swap3A_328 = arith.constant 2 : index
      %swap3A_329 = arith.constant 0 : index
      %swap3A_330 = vector.load %arg3[%swap3A_328, %swap3A_329] : memref<8x128xf32, #tpu.memory_space<vmem>>, vector<1x128xf32>
      tpu.vector_store %arg3[%swap3A_328, %swap3A_329], %select_n3A_327 {strides = array<i32>} : memref<8x128xf32, #tpu.memory_space<vmem>>, vector<1x128xf32>,
      %eq3A_331 = vector.broadcast %while3A_243 : i32 to vector<1x128xi32>
      %eq3A_332 = arith.cmpi eq, %iota3A_15, %eq3A_331 : vector<1x128xi32>
      %get3A_333 = arith.constant 2 : index
      %get3A_334 = arith.constant 0 : index
      %get3A_335 = vector.load %arg4[%get3A_333, %get3A_334] : memref<8x128xi32, #tpu.memory_space<vmem>>, vector<1x128xi32>
      %broadcast_in_dim3A_336 = vector.broadcast %convert_element_type3A_317 : i32 to vector<1x128xi32>
      %select_n3A_337 = arith.select %eq3A_332, %broadcast_in_dim3A_336, %get3A_335 : vector<1x128xi1>, vector<1x128xi32>
      %swap3A_338 = arith.constant 2 : index
      %swap3A_339 = arith.constant 0 : index
      %swap3A_340 = vector.load %arg4[%swap3A_338, %swap3A_339] : memref<8x128xi32, #tpu.memory_space<vmem>>, vector<1x128xi32>
      tpu.vector_store %arg4[%swap3A_338, %swap3A_339], %select_n3A_337 {strides = array<i32>} : memref<8x128xi32, #tpu.memory_space<vmem>>, vector<1x128xi32>,
      %eq3A_341 = vector.broadcast %while3A_243 : i32 to vector<1x128xi32>
      %eq3A_342 = arith.cmpi eq, %iota3A_15, %eq3A_341 : vector<1x128xi32>
      %get3A_343 = arith.constant 2 : index
      %get3A_344 = arith.constant 0 : index
      %get3A_345 = vector.load %arg5[%get3A_343, %get3A_344] : memref<8x128xi32, #tpu.memory_space<vmem>>, vector<1x128xi32>
      %broadcast_in_dim3A_346 = vector.broadcast %add3A_320 : i32 to vector<1x128xi32>
      %select_n3A_347 = arith.select %eq3A_342, %broadcast_in_dim3A_346, %get3A_345 : vector<1x128xi1>, vector<1x128xi32>
      %swap3A_348 = arith.constant 2 : index
      %swap3A_349 = arith.constant 0 : index
      %swap3A_350 = vector.load %arg5[%swap3A_348, %swap3A_349] : memref<8x128xi32, #tpu.memory_space<vmem>>, vector<1x128xi32>
      tpu.vector_store %arg5[%swap3A_348, %swap3A_349], %select_n3A_347 {strides = array<i32>} : memref<8x128xi32, #tpu.memory_space<vmem>>, vector<1x128xi32>,
      %eq3A_351 = vector.broadcast %convert_element_type3A_301 : i32 to vector<1x128xi32>
      %eq3A_352 = arith.cmpi eq, %iota3A_15, %eq3A_351 : vector<1x128xi32>
      %jit3A_353 = arith.constant 0xFFF0000000000000 : f64
      %convert_element_type3A_354 = arith.truncf %jit3A_353 : f64 to f32
      %broadcast_in_dim3A_355 = vector.broadcast %convert_element_type3A_354 : f32 to vector<1x128xf32>
      %select_n3A_356 = arith.select %eq3A_352, %broadcast_in_dim3A_355, %get3A_289 : vector<1x128xi1>, vector<1x128xf32>
      %swap3A_357 = arith.index_cast %select_n3A_281 : i32 to index
      %swap3A_358 = arith.index_cast %sub3A_284 : i32 to index
      %swap3A_359 = arith.constant 0 : index
      %swap3A_360 = vector.load %arg6[%swap3A_357, %swap3A_358, %swap3A_359] : memref<157x128x128xf32, #tpu.memory_space<vmem>>, vector<1x1x128xf32>
      %swap3A_361 = vector.shape_cast %swap3A_360 : vector<1x1x128xf32> to vector<1x128xf32>
      %swap3A_362 = vector.shape_cast %select_n3A_356 : vector<1x128xf32> to vector<1x1x128xf32>
      tpu.vector_store %arg6[%swap3A_357, %swap3A_358, %swap3A_359], %swap3A_362 {strides = array<i32>} : memref<157x128x128xf32, #tpu.memory_space<vmem>>, vector<1x1x128xf32>,
      %reduce_max3A_363 = vector.shape_cast %select_n3A_356 : vector<1x128xf32> to vector<1x1x128xf32>
      %reduce_max3A_364 = arith.constant dense<0xFF800000> : vector<1xf32>
      %reduce_max3A_365 = vector.multi_reduction <maximumf>, %reduce_max3A_363, %reduce_max3A_364 [1, 2] : vector<1x1x128xf32> to vector<1xf32>
      %reduce_max3A_366 = vector.shape_cast %reduce_max3A_365 : vector<1xf32> to vector<1x1x1xf32>
      %reduce_max3A_367 = vector.extract %reduce_max3A_366[0, 0, 0] : f32 from vector<1x1x1xf32>
      %eq3A_368 = vector.broadcast %sub3A_284 : i32 to vector<1x128xi32>
      %eq3A_369 = arith.cmpi eq, %iota3A_15, %eq3A_368 : vector<1x128xi32>
      %get3A_370 = arith.index_cast %select_n3A_281 : i32 to index
      %get3A_371 = arith.constant 0 : index
      %get3A_372 = vector.load %arg8[%get3A_370, %get3A_371] : memref<157x128xf32, #tpu.memory_space<vmem>>, vector<1x128xf32>
      %broadcast_in_dim3A_373 = vector.broadcast %reduce_max3A_367 : f32 to vector<1x128xf32>
      %select_n3A_374 = arith.select %eq3A_369, %broadcast_in_dim3A_373, %get3A_372 : vector<1x128xi1>, vector<1x128xf32>
      %swap3A_375 = arith.index_cast %select_n3A_281 : i32 to index
      %swap3A_376 = arith.constant 0 : index
      %swap3A_377 = vector.load %arg8[%swap3A_375, %swap3A_376] : memref<157x128xf32, #tpu.memory_space<vmem>>, vector<1x128xf32>
      tpu.vector_store %arg8[%swap3A_375, %swap3A_376], %select_n3A_374 {strides = array<i32>} : memref<157x128xf32, #tpu.memory_space<vmem>>, vector<1x128xf32>,
      %while3A_378 = arith.constant 0 : i64
      scf.yield %while3A_378 : i64
    }
    %get3A_98 = arith.constant 0 : index
    %get3A_99 = arith.constant 0 : index
    %get3A_100 = vector.load %arg1[%get3A_98, %get3A_99] : memref<157x128xi32, #tpu.memory_space<vmem>>, vector<157x128xi32>
    %eq3A_101 = arith.constant 3 : i32
    %eq3A_102 = vector.broadcast %eq3A_101 : i32 to vector<157x128xi32>
    %eq3A_103 = arith.cmpi eq, %get3A_100, %eq3A_102 : vector<157x128xi32>
    %get3A_104 = arith.constant 0 : index
    %get3A_105 = arith.constant 0 : index
    %get3A_106 = vector.load %arg7[%get3A_104, %get3A_105] : memref<157x128xf32, #tpu.memory_space<vmem>>, vector<157x128xf32>
    %jit3A_107 = arith.constant 0xFFF0000000000000 : f64
    %convert_element_type3A_108 = arith.truncf %jit3A_107 : f64 to f32
    %broadcast_in_dim3A_109 = vector.broadcast %convert_element_type3A_108 : f32 to vector<157x128xf32>
    %select_n3A_110 = arith.select %eq3A_103, %get3A_106, %broadcast_in_dim3A_109 : vector<157x128xi1>, vector<157x128xf32>
    %swap3A_111 = arith.constant 0 : index
    %swap3A_112 = arith.constant 0 : index
    %swap3A_113 = vector.load %arg8[%swap3A_111, %swap3A_112] : memref<157x128xf32, #tpu.memory_space<vmem>>, vector<157x128xf32>
    tpu.vector_store %arg8[%swap3A_111, %swap3A_112], %select_n3A_110 {strides = array<i32>} : memref<157x128xf32, #tpu.memory_space<vmem>>, vector<157x128xf32>,
    %while3A_114 = arith.constant 0 : i32
    %while3A_115 = arith.constant 100 : i32
    %while3A_116 = arith.constant 0 : i64
    %while3A_117 = arith.subi %while3A_115, %while3A_114 : i32
    %while3A_118 = arith.addi %while3A_114, %while3A_117 : i32
    %while3A_119 = arith.constant 1 : i32
    %while3A_120 = arith.divsi %while3A_117, %while3A_119 : i32
    %while3A_121 = arith.muli %while3A_120, %while3A_119 : i32
    %while3A_122 = arith.addi %while3A_114, %while3A_121 : i32
    %while3A_123 = arith.constant 1 : i32
    %while3A_124 = scf.for %while3A_243 = %while3A_114 to %while3A_122 step %while3A_123 iter_args(%while3A_244 = %while3A_116) -> (i64)  : i32 {
      %get3A_245 = arith.constant 0 : index
      %get3A_246 = arith.constant 0 : index
      %get3A_247 = vector.load %arg8[%get3A_245, %get3A_246] : memref<157x128xf32, #tpu.memory_space<vmem>>, vector<157x128xf32>
      %reduce_max3A = vector.shape_cast %get3A_247 : vector<157x128xf32> to vector<1x157x128xf32>
      %reduce_max3A_248 = arith.constant dense<0xFF800000> : vector<1xf32>
      %reduce_max3A_249 = vector.multi_reduction <maximumf>, %reduce_max3A, %reduce_max3A_248 [1, 2] : vector<1x157x128xf32> to vector<1xf32>
      %reduce_max3A_250 = vector.shape_cast %reduce_max3A_249 : vector<1xf32> to vector<1x1x1xf32>
      %reduce_max3A_251 = vector.extract %reduce_max3A_250[0, 0, 0] : f32 from vector<1x1x1xf32>
      %eq3A_252 = vector.broadcast %reduce_max3A_251 : f32 to vector<157x128xf32>
      %eq3A_253 = arith.cmpf oeq, %get3A_247, %eq3A_252 : vector<157x128xf32>
      %jit3A_254 = arith.constant 1.000000e+09 : f64
      %convert_element_type3A_255 = arith.truncf %jit3A_254 : f64 to f32
      %broadcast_in_dim3A_256 = vector.broadcast %convert_element_type3A_255 : f32 to vector<157x128xf32>
      %select_n3A_257 = arith.select %eq3A_253, %convert_element_type3A, %broadcast_in_dim3A_256 : vector<157x128xi1>, vector<157x128xf32>
      %reduce_min3A = vector.shape_cast %select_n3A_257 : vector<157x128xf32> to vector<1x157x128xf32>
      %reduce_min3A_258 = arith.constant dense<0x7F800000> : vector<1xf32>
      %reduce_min3A_259 = vector.multi_reduction <minimumf>, %reduce_min3A, %reduce_min3A_258 [1, 2] : vector<1x157x128xf32> to vector<1xf32>
      %reduce_min3A_260 = vector.shape_cast %reduce_min3A_259 : vector<1xf32> to vector<1x1x1xf32>
      %reduce_min3A_261 = vector.extract %reduce_min3A_260[0, 0, 0] : f32 from vector<1x1x1xf32>
      %convert_element_type3A_262 = arith.fptosi %reduce_min3A_261 : f32 to i32
      %jit3A_263 = arith.constant 128 : i64
      %convert_element_type3A_264 = arith.trunci %jit3A_263 : i64 to i32
      %div3A = arith.divsi %convert_element_type3A_262, %convert_element_type3A_264 : i32
      %sign3A = arith.constant 0 : i32
      %sign3A_265 = arith.cmpi sgt, %convert_element_type3A_262, %sign3A : i32
      %sign3A_266 = arith.extui %sign3A_265 : i1 to i32
      %sign3A_267 = arith.constant 0 : i32
      %sign3A_268 = arith.cmpi slt, %convert_element_type3A_262, %sign3A_267 : i32
      %sign3A_269 = arith.extui %sign3A_268 : i1 to i32
      %sign3A_270 = arith.subi %sign3A_266, %sign3A_269 : i32
      %sign3A_271 = arith.constant 0 : i32
      %sign3A_272 = arith.cmpi sgt, %convert_element_type3A_264, %sign3A_271 : i32
      %sign3A_273 = arith.extui %sign3A_272 : i1 to i32
      %sign3A_274 = arith.constant 0 : i32
      %sign3A_275 = arith.cmpi slt, %convert_element_type3A_264, %sign3A_274 : i32
      %sign3A_276 = arith.extui %sign3A_275 : i1 to i32
      %sign3A_277 = arith.subi %sign3A_273, %sign3A_276 : i32
      %ne3A = arith.cmpi ne, %sign3A_270, %sign3A_277 : i32
      %rem3A = arith.remsi %convert_element_type3A_262, %convert_element_type3A_264 : i32
      %ne3A_278 = arith.constant 0 : i32
      %ne3A_279 = arith.cmpi ne, %rem3A, %ne3A_278 : i32
      %and3A = arith.andi %ne3A, %ne3A_279 : i1
      %sub3A = arith.constant 1 : i32
      %sub3A_280 = arith.subi %div3A, %sub3A : i32
      %select_n3A_281 = arith.select %and3A, %sub3A_280, %div3A : i32
      %mul3A_282 = arith.constant 128 : i32
      %mul3A_283 = arith.muli %select_n3A_281, %mul3A_282 : i32
      %sub3A_284 = arith.subi %convert_element_type3A_262, %mul3A_283 : i32
      %get3A_285 = arith.index_cast %select_n3A_281 : i32 to index
      %get3A_286 = arith.index_cast %sub3A_284 : i32 to index
      %get3A_287 = arith.constant 0 : index
      %get3A_288 = vector.load %arg6[%get3A_285, %get3A_286, %get3A_287] : memref<157x128x128xf32, #tpu.memory_space<vmem>>, vector<1x1x128xf32>
      %get3A_289 = vector.shape_cast %get3A_288 : vector<1x1x128xf32> to vector<1x128xf32>
      %eq3A_290 = vector.broadcast %reduce_max3A_251 : f32 to vector<1x128xf32>
      %eq3A_291 = arith.cmpf oeq, %get3A_289, %eq3A_290 : vector<1x128xf32>
      %jit3A_292 = arith.constant 1.000000e+09 : f64
      %convert_element_type3A_293 = arith.truncf %jit3A_292 : f64 to f32
      %broadcast_in_dim3A_294 = vector.broadcast %convert_element_type3A_293 : f32 to vector<1x128xf32>
      %select_n3A_295 = arith.select %eq3A_291, %convert_element_type3A_16, %broadcast_in_dim3A_294 : vector<1x128xi1>, vector<1x128xf32>
      %reduce_min3A_296 = vector.shape_cast %select_n3A_295 : vector<1x128xf32> to vector<1x1x128xf32>
      %reduce_min3A_297 = arith.constant dense<0x7F800000> : vector<1xf32>
      %reduce_min3A_298 = vector.multi_reduction <minimumf>, %reduce_min3A_296, %reduce_min3A_297 [1, 2] : vector<1x1x128xf32> to vector<1xf32>
      %reduce_min3A_299 = vector.shape_cast %reduce_min3A_298 : vector<1xf32> to vector<1x1x1xf32>
      %reduce_min3A_300 = vector.extract %reduce_min3A_299[0, 0, 0] : f32 from vector<1x1x1xf32>
      %convert_element_type3A_301 = arith.fptosi %reduce_min3A_300 : f32 to i32
      %get3A_302 = arith.index_cast %select_n3A_281 : i32 to index
      %get3A_303 = arith.constant 0 : index
      %get3A_304 = vector.load %arg2[%get3A_302, %get3A_303] : memref<157x128xi32, #tpu.memory_space<vmem>>, vector<1x128xi32>
      %convert_element_type3A_305 = arith.sitofp %get3A_304 : vector<1x128xi32> to vector<1x128xf32>
      %eq3A_306 = vector.broadcast %sub3A_284 : i32 to vector<1x128xi32>
      %eq3A_307 = arith.cmpi eq, %iota3A_15, %eq3A_306 : vector<1x128xi32>
      %jit3A_308 = arith.constant -1.000000e+00 : f64
      %convert_element_type3A_309 = arith.truncf %jit3A_308 : f64 to f32
      %broadcast_in_dim3A_310 = vector.broadcast %convert_element_type3A_309 : f32 to vector<1x128xf32>
      %select_n3A_311 = arith.select %eq3A_307, %convert_element_type3A_305, %broadcast_in_dim3A_310 : vector<1x128xi1>, vector<1x128xf32>
      %reduce_max3A_312 = vector.shape_cast %select_n3A_311 : vector<1x128xf32> to vector<1x1x128xf32>
      %reduce_max3A_313 = arith.constant dense<0xFF800000> : vector<1xf32>
      %reduce_max3A_314 = vector.multi_reduction <maximumf>, %reduce_max3A_312, %reduce_max3A_313 [1, 2] : vector<1x1x128xf32> to vector<1xf32>
      %reduce_max3A_315 = vector.shape_cast %reduce_max3A_314 : vector<1xf32> to vector<1x1x1xf32>
      %reduce_max3A_316 = vector.extract %reduce_max3A_315[0, 0, 0] : f32 from vector<1x1x1xf32>
      %convert_element_type3A_317 = arith.fptosi %reduce_max3A_316 : f32 to i32
      %mul3A_318 = arith.constant 100 : i32
      %mul3A_319 = arith.muli %convert_element_type3A_262, %mul3A_318 : i32
      %add3A_320 = arith.addi %mul3A_319, %convert_element_type3A_301 : i32
      %eq3A_321 = vector.broadcast %while3A_243 : i32 to vector<1x128xi32>
      %eq3A_322 = arith.cmpi eq, %iota3A_15, %eq3A_321 : vector<1x128xi32>
      %get3A_323 = arith.constant 3 : index
      %get3A_324 = arith.constant 0 : index
      %get3A_325 = vector.load %arg3[%get3A_323, %get3A_324] : memref<8x128xf32, #tpu.memory_space<vmem>>, vector<1x128xf32>
      %broadcast_in_dim3A_326 = vector.broadcast %reduce_max3A_251 : f32 to vector<1x128xf32>
      %select_n3A_327 = arith.select %eq3A_322, %broadcast_in_dim3A_326, %get3A_325 : vector<1x128xi1>, vector<1x128xf32>
      %swap3A_328 = arith.constant 3 : index
      %swap3A_329 = arith.constant 0 : index
      %swap3A_330 = vector.load %arg3[%swap3A_328, %swap3A_329] : memref<8x128xf32, #tpu.memory_space<vmem>>, vector<1x128xf32>
      tpu.vector_store %arg3[%swap3A_328, %swap3A_329], %select_n3A_327 {strides = array<i32>} : memref<8x128xf32, #tpu.memory_space<vmem>>, vector<1x128xf32>,
      %eq3A_331 = vector.broadcast %while3A_243 : i32 to vector<1x128xi32>
      %eq3A_332 = arith.cmpi eq, %iota3A_15, %eq3A_331 : vector<1x128xi32>
      %get3A_333 = arith.constant 3 : index
      %get3A_334 = arith.constant 0 : index
      %get3A_335 = vector.load %arg4[%get3A_333, %get3A_334] : memref<8x128xi32, #tpu.memory_space<vmem>>, vector<1x128xi32>
      %broadcast_in_dim3A_336 = vector.broadcast %convert_element_type3A_317 : i32 to vector<1x128xi32>
      %select_n3A_337 = arith.select %eq3A_332, %broadcast_in_dim3A_336, %get3A_335 : vector<1x128xi1>, vector<1x128xi32>
      %swap3A_338 = arith.constant 3 : index
      %swap3A_339 = arith.constant 0 : index
      %swap3A_340 = vector.load %arg4[%swap3A_338, %swap3A_339] : memref<8x128xi32, #tpu.memory_space<vmem>>, vector<1x128xi32>
      tpu.vector_store %arg4[%swap3A_338, %swap3A_339], %select_n3A_337 {strides = array<i32>} : memref<8x128xi32, #tpu.memory_space<vmem>>, vector<1x128xi32>,
      %eq3A_341 = vector.broadcast %while3A_243 : i32 to vector<1x128xi32>
      %eq3A_342 = arith.cmpi eq, %iota3A_15, %eq3A_341 : vector<1x128xi32>
      %get3A_343 = arith.constant 3 : index
      %get3A_344 = arith.constant 0 : index
      %get3A_345 = vector.load %arg5[%get3A_343, %get3A_344] : memref<8x128xi32, #tpu.memory_space<vmem>>, vector<1x128xi32>
      %broadcast_in_dim3A_346 = vector.broadcast %add3A_320 : i32 to vector<1x128xi32>
      %select_n3A_347 = arith.select %eq3A_342, %broadcast_in_dim3A_346, %get3A_345 : vector<1x128xi1>, vector<1x128xi32>
      %swap3A_348 = arith.constant 3 : index
      %swap3A_349 = arith.constant 0 : index
      %swap3A_350 = vector.load %arg5[%swap3A_348, %swap3A_349] : memref<8x128xi32, #tpu.memory_space<vmem>>, vector<1x128xi32>
      tpu.vector_store %arg5[%swap3A_348, %swap3A_349], %select_n3A_347 {strides = array<i32>} : memref<8x128xi32, #tpu.memory_space<vmem>>, vector<1x128xi32>,
      %eq3A_351 = vector.broadcast %convert_element_type3A_301 : i32 to vector<1x128xi32>
      %eq3A_352 = arith.cmpi eq, %iota3A_15, %eq3A_351 : vector<1x128xi32>
      %jit3A_353 = arith.constant 0xFFF0000000000000 : f64
      %convert_element_type3A_354 = arith.truncf %jit3A_353 : f64 to f32
      %broadcast_in_dim3A_355 = vector.broadcast %convert_element_type3A_354 : f32 to vector<1x128xf32>
      %select_n3A_356 = arith.select %eq3A_352, %broadcast_in_dim3A_355, %get3A_289 : vector<1x128xi1>, vector<1x128xf32>
      %swap3A_357 = arith.index_cast %select_n3A_281 : i32 to index
      %swap3A_358 = arith.index_cast %sub3A_284 : i32 to index
      %swap3A_359 = arith.constant 0 : index
      %swap3A_360 = vector.load %arg6[%swap3A_357, %swap3A_358, %swap3A_359] : memref<157x128x128xf32, #tpu.memory_space<vmem>>, vector<1x1x128xf32>
      %swap3A_361 = vector.shape_cast %swap3A_360 : vector<1x1x128xf32> to vector<1x128xf32>
      %swap3A_362 = vector.shape_cast %select_n3A_356 : vector<1x128xf32> to vector<1x1x128xf32>
      tpu.vector_store %arg6[%swap3A_357, %swap3A_358, %swap3A_359], %swap3A_362 {strides = array<i32>} : memref<157x128x128xf32, #tpu.memory_space<vmem>>, vector<1x1x128xf32>,
      %reduce_max3A_363 = vector.shape_cast %select_n3A_356 : vector<1x128xf32> to vector<1x1x128xf32>
      %reduce_max3A_364 = arith.constant dense<0xFF800000> : vector<1xf32>
      %reduce_max3A_365 = vector.multi_reduction <maximumf>, %reduce_max3A_363, %reduce_max3A_364 [1, 2] : vector<1x1x128xf32> to vector<1xf32>
      %reduce_max3A_366 = vector.shape_cast %reduce_max3A_365 : vector<1xf32> to vector<1x1x1xf32>
      %reduce_max3A_367 = vector.extract %reduce_max3A_366[0, 0, 0] : f32 from vector<1x1x1xf32>
      %eq3A_368 = vector.broadcast %sub3A_284 : i32 to vector<1x128xi32>
      %eq3A_369 = arith.cmpi eq, %iota3A_15, %eq3A_368 : vector<1x128xi32>
      %get3A_370 = arith.index_cast %select_n3A_281 : i32 to index
      %get3A_371 = arith.constant 0 : index
      %get3A_372 = vector.load %arg8[%get3A_370, %get3A_371] : memref<157x128xf32, #tpu.memory_space<vmem>>, vector<1x128xf32>
      %broadcast_in_dim3A_373 = vector.broadcast %reduce_max3A_367 : f32 to vector<1x128xf32>
      %select_n3A_374 = arith.select %eq3A_369, %broadcast_in_dim3A_373, %get3A_372 : vector<1x128xi1>, vector<1x128xf32>
      %swap3A_375 = arith.index_cast %select_n3A_281 : i32 to index
      %swap3A_376 = arith.constant 0 : index
      %swap3A_377 = vector.load %arg8[%swap3A_375, %swap3A_376] : memref<157x128xf32, #tpu.memory_space<vmem>>, vector<1x128xf32>
      tpu.vector_store %arg8[%swap3A_375, %swap3A_376], %select_n3A_374 {strides = array<i32>} : memref<157x128xf32, #tpu.memory_space<vmem>>, vector<1x128xf32>,
      %while3A_378 = arith.constant 0 : i64
      scf.yield %while3A_378 : i64
    }
    %while3A_125 = arith.constant 1 : i32
    %while3A_126 = scf.for %while3A_243 = %while3A_122 to %while3A_118 step %while3A_125 iter_args(%while3A_244 = %while3A_124) -> (i64)  : i32 {
      %get3A_245 = arith.constant 0 : index
      %get3A_246 = arith.constant 0 : index
      %get3A_247 = vector.load %arg8[%get3A_245, %get3A_246] : memref<157x128xf32, #tpu.memory_space<vmem>>, vector<157x128xf32>
      %reduce_max3A = vector.shape_cast %get3A_247 : vector<157x128xf32> to vector<1x157x128xf32>
      %reduce_max3A_248 = arith.constant dense<0xFF800000> : vector<1xf32>
      %reduce_max3A_249 = vector.multi_reduction <maximumf>, %reduce_max3A, %reduce_max3A_248 [1, 2] : vector<1x157x128xf32> to vector<1xf32>
      %reduce_max3A_250 = vector.shape_cast %reduce_max3A_249 : vector<1xf32> to vector<1x1x1xf32>
      %reduce_max3A_251 = vector.extract %reduce_max3A_250[0, 0, 0] : f32 from vector<1x1x1xf32>
      %eq3A_252 = vector.broadcast %reduce_max3A_251 : f32 to vector<157x128xf32>
      %eq3A_253 = arith.cmpf oeq, %get3A_247, %eq3A_252 : vector<157x128xf32>
      %jit3A_254 = arith.constant 1.000000e+09 : f64
      %convert_element_type3A_255 = arith.truncf %jit3A_254 : f64 to f32
      %broadcast_in_dim3A_256 = vector.broadcast %convert_element_type3A_255 : f32 to vector<157x128xf32>
      %select_n3A_257 = arith.select %eq3A_253, %convert_element_type3A, %broadcast_in_dim3A_256 : vector<157x128xi1>, vector<157x128xf32>
      %reduce_min3A = vector.shape_cast %select_n3A_257 : vector<157x128xf32> to vector<1x157x128xf32>
      %reduce_min3A_258 = arith.constant dense<0x7F800000> : vector<1xf32>
      %reduce_min3A_259 = vector.multi_reduction <minimumf>, %reduce_min3A, %reduce_min3A_258 [1, 2] : vector<1x157x128xf32> to vector<1xf32>
      %reduce_min3A_260 = vector.shape_cast %reduce_min3A_259 : vector<1xf32> to vector<1x1x1xf32>
      %reduce_min3A_261 = vector.extract %reduce_min3A_260[0, 0, 0] : f32 from vector<1x1x1xf32>
      %convert_element_type3A_262 = arith.fptosi %reduce_min3A_261 : f32 to i32
      %jit3A_263 = arith.constant 128 : i64
      %convert_element_type3A_264 = arith.trunci %jit3A_263 : i64 to i32
      %div3A = arith.divsi %convert_element_type3A_262, %convert_element_type3A_264 : i32
      %sign3A = arith.constant 0 : i32
      %sign3A_265 = arith.cmpi sgt, %convert_element_type3A_262, %sign3A : i32
      %sign3A_266 = arith.extui %sign3A_265 : i1 to i32
      %sign3A_267 = arith.constant 0 : i32
      %sign3A_268 = arith.cmpi slt, %convert_element_type3A_262, %sign3A_267 : i32
      %sign3A_269 = arith.extui %sign3A_268 : i1 to i32
      %sign3A_270 = arith.subi %sign3A_266, %sign3A_269 : i32
      %sign3A_271 = arith.constant 0 : i32
      %sign3A_272 = arith.cmpi sgt, %convert_element_type3A_264, %sign3A_271 : i32
      %sign3A_273 = arith.extui %sign3A_272 : i1 to i32
      %sign3A_274 = arith.constant 0 : i32
      %sign3A_275 = arith.cmpi slt, %convert_element_type3A_264, %sign3A_274 : i32
      %sign3A_276 = arith.extui %sign3A_275 : i1 to i32
      %sign3A_277 = arith.subi %sign3A_273, %sign3A_276 : i32
      %ne3A = arith.cmpi ne, %sign3A_270, %sign3A_277 : i32
      %rem3A = arith.remsi %convert_element_type3A_262, %convert_element_type3A_264 : i32
      %ne3A_278 = arith.constant 0 : i32
      %ne3A_279 = arith.cmpi ne, %rem3A, %ne3A_278 : i32
      %and3A = arith.andi %ne3A, %ne3A_279 : i1
      %sub3A = arith.constant 1 : i32
      %sub3A_280 = arith.subi %div3A, %sub3A : i32
      %select_n3A_281 = arith.select %and3A, %sub3A_280, %div3A : i32
      %mul3A_282 = arith.constant 128 : i32
      %mul3A_283 = arith.muli %select_n3A_281, %mul3A_282 : i32
      %sub3A_284 = arith.subi %convert_element_type3A_262, %mul3A_283 : i32
      %get3A_285 = arith.index_cast %select_n3A_281 : i32 to index
      %get3A_286 = arith.index_cast %sub3A_284 : i32 to index
      %get3A_287 = arith.constant 0 : index
      %get3A_288 = vector.load %arg6[%get3A_285, %get3A_286, %get3A_287] : memref<157x128x128xf32, #tpu.memory_space<vmem>>, vector<1x1x128xf32>
      %get3A_289 = vector.shape_cast %get3A_288 : vector<1x1x128xf32> to vector<1x128xf32>
      %eq3A_290 = vector.broadcast %reduce_max3A_251 : f32 to vector<1x128xf32>
      %eq3A_291 = arith.cmpf oeq, %get3A_289, %eq3A_290 : vector<1x128xf32>
      %jit3A_292 = arith.constant 1.000000e+09 : f64
      %convert_element_type3A_293 = arith.truncf %jit3A_292 : f64 to f32
      %broadcast_in_dim3A_294 = vector.broadcast %convert_element_type3A_293 : f32 to vector<1x128xf32>
      %select_n3A_295 = arith.select %eq3A_291, %convert_element_type3A_16, %broadcast_in_dim3A_294 : vector<1x128xi1>, vector<1x128xf32>
      %reduce_min3A_296 = vector.shape_cast %select_n3A_295 : vector<1x128xf32> to vector<1x1x128xf32>
      %reduce_min3A_297 = arith.constant dense<0x7F800000> : vector<1xf32>
      %reduce_min3A_298 = vector.multi_reduction <minimumf>, %reduce_min3A_296, %reduce_min3A_297 [1, 2] : vector<1x1x128xf32> to vector<1xf32>
      %reduce_min3A_299 = vector.shape_cast %reduce_min3A_298 : vector<1xf32> to vector<1x1x1xf32>
      %reduce_min3A_300 = vector.extract %reduce_min3A_299[0, 0, 0] : f32 from vector<1x1x1xf32>
      %convert_element_type3A_301 = arith.fptosi %reduce_min3A_300 : f32 to i32
      %get3A_302 = arith.index_cast %select_n3A_281 : i32 to index
      %get3A_303 = arith.constant 0 : index
      %get3A_304 = vector.load %arg2[%get3A_302, %get3A_303] : memref<157x128xi32, #tpu.memory_space<vmem>>, vector<1x128xi32>
      %convert_element_type3A_305 = arith.sitofp %get3A_304 : vector<1x128xi32> to vector<1x128xf32>
      %eq3A_306 = vector.broadcast %sub3A_284 : i32 to vector<1x128xi32>
      %eq3A_307 = arith.cmpi eq, %iota3A_15, %eq3A_306 : vector<1x128xi32>
      %jit3A_308 = arith.constant -1.000000e+00 : f64
      %convert_element_type3A_309 = arith.truncf %jit3A_308 : f64 to f32
      %broadcast_in_dim3A_310 = vector.broadcast %convert_element_type3A_309 : f32 to vector<1x128xf32>
      %select_n3A_311 = arith.select %eq3A_307, %convert_element_type3A_305, %broadcast_in_dim3A_310 : vector<1x128xi1>, vector<1x128xf32>
      %reduce_max3A_312 = vector.shape_cast %select_n3A_311 : vector<1x128xf32> to vector<1x1x128xf32>
      %reduce_max3A_313 = arith.constant dense<0xFF800000> : vector<1xf32>
      %reduce_max3A_314 = vector.multi_reduction <maximumf>, %reduce_max3A_312, %reduce_max3A_313 [1, 2] : vector<1x1x128xf32> to vector<1xf32>
      %reduce_max3A_315 = vector.shape_cast %reduce_max3A_314 : vector<1xf32> to vector<1x1x1xf32>
      %reduce_max3A_316 = vector.extract %reduce_max3A_315[0, 0, 0] : f32 from vector<1x1x1xf32>
      %convert_element_type3A_317 = arith.fptosi %reduce_max3A_316 : f32 to i32
      %mul3A_318 = arith.constant 100 : i32
      %mul3A_319 = arith.muli %convert_element_type3A_262, %mul3A_318 : i32
      %add3A_320 = arith.addi %mul3A_319, %convert_element_type3A_301 : i32
      %eq3A_321 = vector.broadcast %while3A_243 : i32 to vector<1x128xi32>
      %eq3A_322 = arith.cmpi eq, %iota3A_15, %eq3A_321 : vector<1x128xi32>
      %get3A_323 = arith.constant 3 : index
      %get3A_324 = arith.constant 0 : index
      %get3A_325 = vector.load %arg3[%get3A_323, %get3A_324] : memref<8x128xf32, #tpu.memory_space<vmem>>, vector<1x128xf32>
      %broadcast_in_dim3A_326 = vector.broadcast %reduce_max3A_251 : f32 to vector<1x128xf32>
      %select_n3A_327 = arith.select %eq3A_322, %broadcast_in_dim3A_326, %get3A_325 : vector<1x128xi1>, vector<1x128xf32>
      %swap3A_328 = arith.constant 3 : index
      %swap3A_329 = arith.constant 0 : index
      %swap3A_330 = vector.load %arg3[%swap3A_328, %swap3A_329] : memref<8x128xf32, #tpu.memory_space<vmem>>, vector<1x128xf32>
      tpu.vector_store %arg3[%swap3A_328, %swap3A_329], %select_n3A_327 {strides = array<i32>} : memref<8x128xf32, #tpu.memory_space<vmem>>, vector<1x128xf32>,
      %eq3A_331 = vector.broadcast %while3A_243 : i32 to vector<1x128xi32>
      %eq3A_332 = arith.cmpi eq, %iota3A_15, %eq3A_331 : vector<1x128xi32>
      %get3A_333 = arith.constant 3 : index
      %get3A_334 = arith.constant 0 : index
      %get3A_335 = vector.load %arg4[%get3A_333, %get3A_334] : memref<8x128xi32, #tpu.memory_space<vmem>>, vector<1x128xi32>
      %broadcast_in_dim3A_336 = vector.broadcast %convert_element_type3A_317 : i32 to vector<1x128xi32>
      %select_n3A_337 = arith.select %eq3A_332, %broadcast_in_dim3A_336, %get3A_335 : vector<1x128xi1>, vector<1x128xi32>
      %swap3A_338 = arith.constant 3 : index
      %swap3A_339 = arith.constant 0 : index
      %swap3A_340 = vector.load %arg4[%swap3A_338, %swap3A_339] : memref<8x128xi32, #tpu.memory_space<vmem>>, vector<1x128xi32>
      tpu.vector_store %arg4[%swap3A_338, %swap3A_339], %select_n3A_337 {strides = array<i32>} : memref<8x128xi32, #tpu.memory_space<vmem>>, vector<1x128xi32>,
      %eq3A_341 = vector.broadcast %while3A_243 : i32 to vector<1x128xi32>
      %eq3A_342 = arith.cmpi eq, %iota3A_15, %eq3A_341 : vector<1x128xi32>
      %get3A_343 = arith.constant 3 : index
      %get3A_344 = arith.constant 0 : index
      %get3A_345 = vector.load %arg5[%get3A_343, %get3A_344] : memref<8x128xi32, #tpu.memory_space<vmem>>, vector<1x128xi32>
      %broadcast_in_dim3A_346 = vector.broadcast %add3A_320 : i32 to vector<1x128xi32>
      %select_n3A_347 = arith.select %eq3A_342, %broadcast_in_dim3A_346, %get3A_345 : vector<1x128xi1>, vector<1x128xi32>
      %swap3A_348 = arith.constant 3 : index
      %swap3A_349 = arith.constant 0 : index
      %swap3A_350 = vector.load %arg5[%swap3A_348, %swap3A_349] : memref<8x128xi32, #tpu.memory_space<vmem>>, vector<1x128xi32>
      tpu.vector_store %arg5[%swap3A_348, %swap3A_349], %select_n3A_347 {strides = array<i32>} : memref<8x128xi32, #tpu.memory_space<vmem>>, vector<1x128xi32>,
      %eq3A_351 = vector.broadcast %convert_element_type3A_301 : i32 to vector<1x128xi32>
      %eq3A_352 = arith.cmpi eq, %iota3A_15, %eq3A_351 : vector<1x128xi32>
      %jit3A_353 = arith.constant 0xFFF0000000000000 : f64
      %convert_element_type3A_354 = arith.truncf %jit3A_353 : f64 to f32
      %broadcast_in_dim3A_355 = vector.broadcast %convert_element_type3A_354 : f32 to vector<1x128xf32>
      %select_n3A_356 = arith.select %eq3A_352, %broadcast_in_dim3A_355, %get3A_289 : vector<1x128xi1>, vector<1x128xf32>
      %swap3A_357 = arith.index_cast %select_n3A_281 : i32 to index
      %swap3A_358 = arith.index_cast %sub3A_284 : i32 to index
      %swap3A_359 = arith.constant 0 : index
      %swap3A_360 = vector.load %arg6[%swap3A_357, %swap3A_358, %swap3A_359] : memref<157x128x128xf32, #tpu.memory_space<vmem>>, vector<1x1x128xf32>
      %swap3A_361 = vector.shape_cast %swap3A_360 : vector<1x1x128xf32> to vector<1x128xf32>
      %swap3A_362 = vector.shape_cast %select_n3A_356 : vector<1x128xf32> to vector<1x1x128xf32>
      tpu.vector_store %arg6[%swap3A_357, %swap3A_358, %swap3A_359], %swap3A_362 {strides = array<i32>} : memref<157x128x128xf32, #tpu.memory_space<vmem>>, vector<1x1x128xf32>,
      %reduce_max3A_363 = vector.shape_cast %select_n3A_356 : vector<1x128xf32> to vector<1x1x128xf32>
      %reduce_max3A_364 = arith.constant dense<0xFF800000> : vector<1xf32>
      %reduce_max3A_365 = vector.multi_reduction <maximumf>, %reduce_max3A_363, %reduce_max3A_364 [1, 2] : vector<1x1x128xf32> to vector<1xf32>
      %reduce_max3A_366 = vector.shape_cast %reduce_max3A_365 : vector<1xf32> to vector<1x1x1xf32>
      %reduce_max3A_367 = vector.extract %reduce_max3A_366[0, 0, 0] : f32 from vector<1x1x1xf32>
      %eq3A_368 = vector.broadcast %sub3A_284 : i32 to vector<1x128xi32>
      %eq3A_369 = arith.cmpi eq, %iota3A_15, %eq3A_368 : vector<1x128xi32>
      %get3A_370 = arith.index_cast %select_n3A_281 : i32 to index
      %get3A_371 = arith.constant 0 : index
      %get3A_372 = vector.load %arg8[%get3A_370, %get3A_371] : memref<157x128xf32, #tpu.memory_space<vmem>>, vector<1x128xf32>
      %broadcast_in_dim3A_373 = vector.broadcast %reduce_max3A_367 : f32 to vector<1x128xf32>
      %select_n3A_374 = arith.select %eq3A_369, %broadcast_in_dim3A_373, %get3A_372 : vector<1x128xi1>, vector<1x128xf32>
      %swap3A_375 = arith.index_cast %select_n3A_281 : i32 to index
      %swap3A_376 = arith.constant 0 : index
      %swap3A_377 = vector.load %arg8[%swap3A_375, %swap3A_376] : memref<157x128xf32, #tpu.memory_space<vmem>>, vector<1x128xf32>
      tpu.vector_store %arg8[%swap3A_375, %swap3A_376], %select_n3A_374 {strides = array<i32>} : memref<157x128xf32, #tpu.memory_space<vmem>>, vector<1x128xf32>,
      %while3A_378 = arith.constant 0 : i64
      scf.yield %while3A_378 : i64
    }
    %get3A_127 = arith.constant 0 : index
    %get3A_128 = arith.constant 0 : index
    %get3A_129 = vector.load %arg1[%get3A_127, %get3A_128] : memref<157x128xi32, #tpu.memory_space<vmem>>, vector<157x128xi32>
    %eq3A_130 = arith.constant 4 : i32
    %eq3A_131 = vector.broadcast %eq3A_130 : i32 to vector<157x128xi32>
    %eq3A_132 = arith.cmpi eq, %get3A_129, %eq3A_131 : vector<157x128xi32>
    %get3A_133 = arith.constant 0 : index
    %get3A_134 = arith.constant 0 : index
    %get3A_135 = vector.load %arg7[%get3A_133, %get3A_134] : memref<157x128xf32, #tpu.memory_space<vmem>>, vector<157x128xf32>
    %jit3A_136 = arith.constant 0xFFF0000000000000 : f64
    %convert_element_type3A_137 = arith.truncf %jit3A_136 : f64 to f32
    %broadcast_in_dim3A_138 = vector.broadcast %convert_element_type3A_137 : f32 to vector<157x128xf32>
    %select_n3A_139 = arith.select %eq3A_132, %get3A_135, %broadcast_in_dim3A_138 : vector<157x128xi1>, vector<157x128xf32>
    %swap3A_140 = arith.constant 0 : index
    %swap3A_141 = arith.constant 0 : index
    %swap3A_142 = vector.load %arg8[%swap3A_140, %swap3A_141] : memref<157x128xf32, #tpu.memory_space<vmem>>, vector<157x128xf32>
    tpu.vector_store %arg8[%swap3A_140, %swap3A_141], %select_n3A_139 {strides = array<i32>} : memref<157x128xf32, #tpu.memory_space<vmem>>, vector<157x128xf32>,
    %while3A_143 = arith.constant 0 : i32
    %while3A_144 = arith.constant 100 : i32
    %while3A_145 = arith.constant 0 : i64
    %while3A_146 = arith.subi %while3A_144, %while3A_143 : i32
    %while3A_147 = arith.addi %while3A_143, %while3A_146 : i32
    %while3A_148 = arith.constant 1 : i32
    %while3A_149 = arith.divsi %while3A_146, %while3A_148 : i32
    %while3A_150 = arith.muli %while3A_149, %while3A_148 : i32
    %while3A_151 = arith.addi %while3A_143, %while3A_150 : i32
    %while3A_152 = arith.constant 1 : i32
    %while3A_153 = scf.for %while3A_243 = %while3A_143 to %while3A_151 step %while3A_152 iter_args(%while3A_244 = %while3A_145) -> (i64)  : i32 {
      %get3A_245 = arith.constant 0 : index
      %get3A_246 = arith.constant 0 : index
      %get3A_247 = vector.load %arg8[%get3A_245, %get3A_246] : memref<157x128xf32, #tpu.memory_space<vmem>>, vector<157x128xf32>
      %reduce_max3A = vector.shape_cast %get3A_247 : vector<157x128xf32> to vector<1x157x128xf32>
      %reduce_max3A_248 = arith.constant dense<0xFF800000> : vector<1xf32>
      %reduce_max3A_249 = vector.multi_reduction <maximumf>, %reduce_max3A, %reduce_max3A_248 [1, 2] : vector<1x157x128xf32> to vector<1xf32>
      %reduce_max3A_250 = vector.shape_cast %reduce_max3A_249 : vector<1xf32> to vector<1x1x1xf32>
      %reduce_max3A_251 = vector.extract %reduce_max3A_250[0, 0, 0] : f32 from vector<1x1x1xf32>
      %eq3A_252 = vector.broadcast %reduce_max3A_251 : f32 to vector<157x128xf32>
      %eq3A_253 = arith.cmpf oeq, %get3A_247, %eq3A_252 : vector<157x128xf32>
      %jit3A_254 = arith.constant 1.000000e+09 : f64
      %convert_element_type3A_255 = arith.truncf %jit3A_254 : f64 to f32
      %broadcast_in_dim3A_256 = vector.broadcast %convert_element_type3A_255 : f32 to vector<157x128xf32>
      %select_n3A_257 = arith.select %eq3A_253, %convert_element_type3A, %broadcast_in_dim3A_256 : vector<157x128xi1>, vector<157x128xf32>
      %reduce_min3A = vector.shape_cast %select_n3A_257 : vector<157x128xf32> to vector<1x157x128xf32>
      %reduce_min3A_258 = arith.constant dense<0x7F800000> : vector<1xf32>
      %reduce_min3A_259 = vector.multi_reduction <minimumf>, %reduce_min3A, %reduce_min3A_258 [1, 2] : vector<1x157x128xf32> to vector<1xf32>
      %reduce_min3A_260 = vector.shape_cast %reduce_min3A_259 : vector<1xf32> to vector<1x1x1xf32>
      %reduce_min3A_261 = vector.extract %reduce_min3A_260[0, 0, 0] : f32 from vector<1x1x1xf32>
      %convert_element_type3A_262 = arith.fptosi %reduce_min3A_261 : f32 to i32
      %jit3A_263 = arith.constant 128 : i64
      %convert_element_type3A_264 = arith.trunci %jit3A_263 : i64 to i32
      %div3A = arith.divsi %convert_element_type3A_262, %convert_element_type3A_264 : i32
      %sign3A = arith.constant 0 : i32
      %sign3A_265 = arith.cmpi sgt, %convert_element_type3A_262, %sign3A : i32
      %sign3A_266 = arith.extui %sign3A_265 : i1 to i32
      %sign3A_267 = arith.constant 0 : i32
      %sign3A_268 = arith.cmpi slt, %convert_element_type3A_262, %sign3A_267 : i32
      %sign3A_269 = arith.extui %sign3A_268 : i1 to i32
      %sign3A_270 = arith.subi %sign3A_266, %sign3A_269 : i32
      %sign3A_271 = arith.constant 0 : i32
      %sign3A_272 = arith.cmpi sgt, %convert_element_type3A_264, %sign3A_271 : i32
      %sign3A_273 = arith.extui %sign3A_272 : i1 to i32
      %sign3A_274 = arith.constant 0 : i32
      %sign3A_275 = arith.cmpi slt, %convert_element_type3A_264, %sign3A_274 : i32
      %sign3A_276 = arith.extui %sign3A_275 : i1 to i32
      %sign3A_277 = arith.subi %sign3A_273, %sign3A_276 : i32
      %ne3A = arith.cmpi ne, %sign3A_270, %sign3A_277 : i32
      %rem3A = arith.remsi %convert_element_type3A_262, %convert_element_type3A_264 : i32
      %ne3A_278 = arith.constant 0 : i32
      %ne3A_279 = arith.cmpi ne, %rem3A, %ne3A_278 : i32
      %and3A = arith.andi %ne3A, %ne3A_279 : i1
      %sub3A = arith.constant 1 : i32
      %sub3A_280 = arith.subi %div3A, %sub3A : i32
      %select_n3A_281 = arith.select %and3A, %sub3A_280, %div3A : i32
      %mul3A_282 = arith.constant 128 : i32
      %mul3A_283 = arith.muli %select_n3A_281, %mul3A_282 : i32
      %sub3A_284 = arith.subi %convert_element_type3A_262, %mul3A_283 : i32
      %get3A_285 = arith.index_cast %select_n3A_281 : i32 to index
      %get3A_286 = arith.index_cast %sub3A_284 : i32 to index
      %get3A_287 = arith.constant 0 : index
      %get3A_288 = vector.load %arg6[%get3A_285, %get3A_286, %get3A_287] : memref<157x128x128xf32, #tpu.memory_space<vmem>>, vector<1x1x128xf32>
      %get3A_289 = vector.shape_cast %get3A_288 : vector<1x1x128xf32> to vector<1x128xf32>
      %eq3A_290 = vector.broadcast %reduce_max3A_251 : f32 to vector<1x128xf32>
      %eq3A_291 = arith.cmpf oeq, %get3A_289, %eq3A_290 : vector<1x128xf32>
      %jit3A_292 = arith.constant 1.000000e+09 : f64
      %convert_element_type3A_293 = arith.truncf %jit3A_292 : f64 to f32
      %broadcast_in_dim3A_294 = vector.broadcast %convert_element_type3A_293 : f32 to vector<1x128xf32>
      %select_n3A_295 = arith.select %eq3A_291, %convert_element_type3A_16, %broadcast_in_dim3A_294 : vector<1x128xi1>, vector<1x128xf32>
      %reduce_min3A_296 = vector.shape_cast %select_n3A_295 : vector<1x128xf32> to vector<1x1x128xf32>
      %reduce_min3A_297 = arith.constant dense<0x7F800000> : vector<1xf32>
      %reduce_min3A_298 = vector.multi_reduction <minimumf>, %reduce_min3A_296, %reduce_min3A_297 [1, 2] : vector<1x1x128xf32> to vector<1xf32>
      %reduce_min3A_299 = vector.shape_cast %reduce_min3A_298 : vector<1xf32> to vector<1x1x1xf32>
      %reduce_min3A_300 = vector.extract %reduce_min3A_299[0, 0, 0] : f32 from vector<1x1x1xf32>
      %convert_element_type3A_301 = arith.fptosi %reduce_min3A_300 : f32 to i32
      %get3A_302 = arith.index_cast %select_n3A_281 : i32 to index
      %get3A_303 = arith.constant 0 : index
      %get3A_304 = vector.load %arg2[%get3A_302, %get3A_303] : memref<157x128xi32, #tpu.memory_space<vmem>>, vector<1x128xi32>
      %convert_element_type3A_305 = arith.sitofp %get3A_304 : vector<1x128xi32> to vector<1x128xf32>
      %eq3A_306 = vector.broadcast %sub3A_284 : i32 to vector<1x128xi32>
      %eq3A_307 = arith.cmpi eq, %iota3A_15, %eq3A_306 : vector<1x128xi32>
      %jit3A_308 = arith.constant -1.000000e+00 : f64
      %convert_element_type3A_309 = arith.truncf %jit3A_308 : f64 to f32
      %broadcast_in_dim3A_310 = vector.broadcast %convert_element_type3A_309 : f32 to vector<1x128xf32>
      %select_n3A_311 = arith.select %eq3A_307, %convert_element_type3A_305, %broadcast_in_dim3A_310 : vector<1x128xi1>, vector<1x128xf32>
      %reduce_max3A_312 = vector.shape_cast %select_n3A_311 : vector<1x128xf32> to vector<1x1x128xf32>
      %reduce_max3A_313 = arith.constant dense<0xFF800000> : vector<1xf32>
      %reduce_max3A_314 = vector.multi_reduction <maximumf>, %reduce_max3A_312, %reduce_max3A_313 [1, 2] : vector<1x1x128xf32> to vector<1xf32>
      %reduce_max3A_315 = vector.shape_cast %reduce_max3A_314 : vector<1xf32> to vector<1x1x1xf32>
      %reduce_max3A_316 = vector.extract %reduce_max3A_315[0, 0, 0] : f32 from vector<1x1x1xf32>
      %convert_element_type3A_317 = arith.fptosi %reduce_max3A_316 : f32 to i32
      %mul3A_318 = arith.constant 100 : i32
      %mul3A_319 = arith.muli %convert_element_type3A_262, %mul3A_318 : i32
      %add3A_320 = arith.addi %mul3A_319, %convert_element_type3A_301 : i32
      %eq3A_321 = vector.broadcast %while3A_243 : i32 to vector<1x128xi32>
      %eq3A_322 = arith.cmpi eq, %iota3A_15, %eq3A_321 : vector<1x128xi32>
      %get3A_323 = arith.constant 4 : index
      %get3A_324 = arith.constant 0 : index
      %get3A_325 = vector.load %arg3[%get3A_323, %get3A_324] : memref<8x128xf32, #tpu.memory_space<vmem>>, vector<1x128xf32>
      %broadcast_in_dim3A_326 = vector.broadcast %reduce_max3A_251 : f32 to vector<1x128xf32>
      %select_n3A_327 = arith.select %eq3A_322, %broadcast_in_dim3A_326, %get3A_325 : vector<1x128xi1>, vector<1x128xf32>
      %swap3A_328 = arith.constant 4 : index
      %swap3A_329 = arith.constant 0 : index
      %swap3A_330 = vector.load %arg3[%swap3A_328, %swap3A_329] : memref<8x128xf32, #tpu.memory_space<vmem>>, vector<1x128xf32>
      tpu.vector_store %arg3[%swap3A_328, %swap3A_329], %select_n3A_327 {strides = array<i32>} : memref<8x128xf32, #tpu.memory_space<vmem>>, vector<1x128xf32>,
      %eq3A_331 = vector.broadcast %while3A_243 : i32 to vector<1x128xi32>
      %eq3A_332 = arith.cmpi eq, %iota3A_15, %eq3A_331 : vector<1x128xi32>
      %get3A_333 = arith.constant 4 : index
      %get3A_334 = arith.constant 0 : index
      %get3A_335 = vector.load %arg4[%get3A_333, %get3A_334] : memref<8x128xi32, #tpu.memory_space<vmem>>, vector<1x128xi32>
      %broadcast_in_dim3A_336 = vector.broadcast %convert_element_type3A_317 : i32 to vector<1x128xi32>
      %select_n3A_337 = arith.select %eq3A_332, %broadcast_in_dim3A_336, %get3A_335 : vector<1x128xi1>, vector<1x128xi32>
      %swap3A_338 = arith.constant 4 : index
      %swap3A_339 = arith.constant 0 : index
      %swap3A_340 = vector.load %arg4[%swap3A_338, %swap3A_339] : memref<8x128xi32, #tpu.memory_space<vmem>>, vector<1x128xi32>
      tpu.vector_store %arg4[%swap3A_338, %swap3A_339], %select_n3A_337 {strides = array<i32>} : memref<8x128xi32, #tpu.memory_space<vmem>>, vector<1x128xi32>,
      %eq3A_341 = vector.broadcast %while3A_243 : i32 to vector<1x128xi32>
      %eq3A_342 = arith.cmpi eq, %iota3A_15, %eq3A_341 : vector<1x128xi32>
      %get3A_343 = arith.constant 4 : index
      %get3A_344 = arith.constant 0 : index
      %get3A_345 = vector.load %arg5[%get3A_343, %get3A_344] : memref<8x128xi32, #tpu.memory_space<vmem>>, vector<1x128xi32>
      %broadcast_in_dim3A_346 = vector.broadcast %add3A_320 : i32 to vector<1x128xi32>
      %select_n3A_347 = arith.select %eq3A_342, %broadcast_in_dim3A_346, %get3A_345 : vector<1x128xi1>, vector<1x128xi32>
      %swap3A_348 = arith.constant 4 : index
      %swap3A_349 = arith.constant 0 : index
      %swap3A_350 = vector.load %arg5[%swap3A_348, %swap3A_349] : memref<8x128xi32, #tpu.memory_space<vmem>>, vector<1x128xi32>
      tpu.vector_store %arg5[%swap3A_348, %swap3A_349], %select_n3A_347 {strides = array<i32>} : memref<8x128xi32, #tpu.memory_space<vmem>>, vector<1x128xi32>,
      %eq3A_351 = vector.broadcast %convert_element_type3A_301 : i32 to vector<1x128xi32>
      %eq3A_352 = arith.cmpi eq, %iota3A_15, %eq3A_351 : vector<1x128xi32>
      %jit3A_353 = arith.constant 0xFFF0000000000000 : f64
      %convert_element_type3A_354 = arith.truncf %jit3A_353 : f64 to f32
      %broadcast_in_dim3A_355 = vector.broadcast %convert_element_type3A_354 : f32 to vector<1x128xf32>
      %select_n3A_356 = arith.select %eq3A_352, %broadcast_in_dim3A_355, %get3A_289 : vector<1x128xi1>, vector<1x128xf32>
      %swap3A_357 = arith.index_cast %select_n3A_281 : i32 to index
      %swap3A_358 = arith.index_cast %sub3A_284 : i32 to index
      %swap3A_359 = arith.constant 0 : index
      %swap3A_360 = vector.load %arg6[%swap3A_357, %swap3A_358, %swap3A_359] : memref<157x128x128xf32, #tpu.memory_space<vmem>>, vector<1x1x128xf32>
      %swap3A_361 = vector.shape_cast %swap3A_360 : vector<1x1x128xf32> to vector<1x128xf32>
      %swap3A_362 = vector.shape_cast %select_n3A_356 : vector<1x128xf32> to vector<1x1x128xf32>
      tpu.vector_store %arg6[%swap3A_357, %swap3A_358, %swap3A_359], %swap3A_362 {strides = array<i32>} : memref<157x128x128xf32, #tpu.memory_space<vmem>>, vector<1x1x128xf32>,
      %reduce_max3A_363 = vector.shape_cast %select_n3A_356 : vector<1x128xf32> to vector<1x1x128xf32>
      %reduce_max3A_364 = arith.constant dense<0xFF800000> : vector<1xf32>
      %reduce_max3A_365 = vector.multi_reduction <maximumf>, %reduce_max3A_363, %reduce_max3A_364 [1, 2] : vector<1x1x128xf32> to vector<1xf32>
      %reduce_max3A_366 = vector.shape_cast %reduce_max3A_365 : vector<1xf32> to vector<1x1x1xf32>
      %reduce_max3A_367 = vector.extract %reduce_max3A_366[0, 0, 0] : f32 from vector<1x1x1xf32>
      %eq3A_368 = vector.broadcast %sub3A_284 : i32 to vector<1x128xi32>
      %eq3A_369 = arith.cmpi eq, %iota3A_15, %eq3A_368 : vector<1x128xi32>
      %get3A_370 = arith.index_cast %select_n3A_281 : i32 to index
      %get3A_371 = arith.constant 0 : index
      %get3A_372 = vector.load %arg8[%get3A_370, %get3A_371] : memref<157x128xf32, #tpu.memory_space<vmem>>, vector<1x128xf32>
      %broadcast_in_dim3A_373 = vector.broadcast %reduce_max3A_367 : f32 to vector<1x128xf32>
      %select_n3A_374 = arith.select %eq3A_369, %broadcast_in_dim3A_373, %get3A_372 : vector<1x128xi1>, vector<1x128xf32>
      %swap3A_375 = arith.index_cast %select_n3A_281 : i32 to index
      %swap3A_376 = arith.constant 0 : index
      %swap3A_377 = vector.load %arg8[%swap3A_375, %swap3A_376] : memref<157x128xf32, #tpu.memory_space<vmem>>, vector<1x128xf32>
      tpu.vector_store %arg8[%swap3A_375, %swap3A_376], %select_n3A_374 {strides = array<i32>} : memref<157x128xf32, #tpu.memory_space<vmem>>, vector<1x128xf32>,
      %while3A_378 = arith.constant 0 : i64
      scf.yield %while3A_378 : i64
    }
    %while3A_154 = arith.constant 1 : i32
    %while3A_155 = scf.for %while3A_243 = %while3A_151 to %while3A_147 step %while3A_154 iter_args(%while3A_244 = %while3A_153) -> (i64)  : i32 {
      %get3A_245 = arith.constant 0 : index
      %get3A_246 = arith.constant 0 : index
      %get3A_247 = vector.load %arg8[%get3A_245, %get3A_246] : memref<157x128xf32, #tpu.memory_space<vmem>>, vector<157x128xf32>
      %reduce_max3A = vector.shape_cast %get3A_247 : vector<157x128xf32> to vector<1x157x128xf32>
      %reduce_max3A_248 = arith.constant dense<0xFF800000> : vector<1xf32>
      %reduce_max3A_249 = vector.multi_reduction <maximumf>, %reduce_max3A, %reduce_max3A_248 [1, 2] : vector<1x157x128xf32> to vector<1xf32>
      %reduce_max3A_250 = vector.shape_cast %reduce_max3A_249 : vector<1xf32> to vector<1x1x1xf32>
      %reduce_max3A_251 = vector.extract %reduce_max3A_250[0, 0, 0] : f32 from vector<1x1x1xf32>
      %eq3A_252 = vector.broadcast %reduce_max3A_251 : f32 to vector<157x128xf32>
      %eq3A_253 = arith.cmpf oeq, %get3A_247, %eq3A_252 : vector<157x128xf32>
      %jit3A_254 = arith.constant 1.000000e+09 : f64
      %convert_element_type3A_255 = arith.truncf %jit3A_254 : f64 to f32
      %broadcast_in_dim3A_256 = vector.broadcast %convert_element_type3A_255 : f32 to vector<157x128xf32>
      %select_n3A_257 = arith.select %eq3A_253, %convert_element_type3A, %broadcast_in_dim3A_256 : vector<157x128xi1>, vector<157x128xf32>
      %reduce_min3A = vector.shape_cast %select_n3A_257 : vector<157x128xf32> to vector<1x157x128xf32>
      %reduce_min3A_258 = arith.constant dense<0x7F800000> : vector<1xf32>
      %reduce_min3A_259 = vector.multi_reduction <minimumf>, %reduce_min3A, %reduce_min3A_258 [1, 2] : vector<1x157x128xf32> to vector<1xf32>
      %reduce_min3A_260 = vector.shape_cast %reduce_min3A_259 : vector<1xf32> to vector<1x1x1xf32>
      %reduce_min3A_261 = vector.extract %reduce_min3A_260[0, 0, 0] : f32 from vector<1x1x1xf32>
      %convert_element_type3A_262 = arith.fptosi %reduce_min3A_261 : f32 to i32
      %jit3A_263 = arith.constant 128 : i64
      %convert_element_type3A_264 = arith.trunci %jit3A_263 : i64 to i32
      %div3A = arith.divsi %convert_element_type3A_262, %convert_element_type3A_264 : i32
      %sign3A = arith.constant 0 : i32
      %sign3A_265 = arith.cmpi sgt, %convert_element_type3A_262, %sign3A : i32
      %sign3A_266 = arith.extui %sign3A_265 : i1 to i32
      %sign3A_267 = arith.constant 0 : i32
      %sign3A_268 = arith.cmpi slt, %convert_element_type3A_262, %sign3A_267 : i32
      %sign3A_269 = arith.extui %sign3A_268 : i1 to i32
      %sign3A_270 = arith.subi %sign3A_266, %sign3A_269 : i32
      %sign3A_271 = arith.constant 0 : i32
      %sign3A_272 = arith.cmpi sgt, %convert_element_type3A_264, %sign3A_271 : i32
      %sign3A_273 = arith.extui %sign3A_272 : i1 to i32
      %sign3A_274 = arith.constant 0 : i32
      %sign3A_275 = arith.cmpi slt, %convert_element_type3A_264, %sign3A_274 : i32
      %sign3A_276 = arith.extui %sign3A_275 : i1 to i32
      %sign3A_277 = arith.subi %sign3A_273, %sign3A_276 : i32
      %ne3A = arith.cmpi ne, %sign3A_270, %sign3A_277 : i32
      %rem3A = arith.remsi %convert_element_type3A_262, %convert_element_type3A_264 : i32
      %ne3A_278 = arith.constant 0 : i32
      %ne3A_279 = arith.cmpi ne, %rem3A, %ne3A_278 : i32
      %and3A = arith.andi %ne3A, %ne3A_279 : i1
      %sub3A = arith.constant 1 : i32
      %sub3A_280 = arith.subi %div3A, %sub3A : i32
      %select_n3A_281 = arith.select %and3A, %sub3A_280, %div3A : i32
      %mul3A_282 = arith.constant 128 : i32
      %mul3A_283 = arith.muli %select_n3A_281, %mul3A_282 : i32
      %sub3A_284 = arith.subi %convert_element_type3A_262, %mul3A_283 : i32
      %get3A_285 = arith.index_cast %select_n3A_281 : i32 to index
      %get3A_286 = arith.index_cast %sub3A_284 : i32 to index
      %get3A_287 = arith.constant 0 : index
      %get3A_288 = vector.load %arg6[%get3A_285, %get3A_286, %get3A_287] : memref<157x128x128xf32, #tpu.memory_space<vmem>>, vector<1x1x128xf32>
      %get3A_289 = vector.shape_cast %get3A_288 : vector<1x1x128xf32> to vector<1x128xf32>
      %eq3A_290 = vector.broadcast %reduce_max3A_251 : f32 to vector<1x128xf32>
      %eq3A_291 = arith.cmpf oeq, %get3A_289, %eq3A_290 : vector<1x128xf32>
      %jit3A_292 = arith.constant 1.000000e+09 : f64
      %convert_element_type3A_293 = arith.truncf %jit3A_292 : f64 to f32
      %broadcast_in_dim3A_294 = vector.broadcast %convert_element_type3A_293 : f32 to vector<1x128xf32>
      %select_n3A_295 = arith.select %eq3A_291, %convert_element_type3A_16, %broadcast_in_dim3A_294 : vector<1x128xi1>, vector<1x128xf32>
      %reduce_min3A_296 = vector.shape_cast %select_n3A_295 : vector<1x128xf32> to vector<1x1x128xf32>
      %reduce_min3A_297 = arith.constant dense<0x7F800000> : vector<1xf32>
      %reduce_min3A_298 = vector.multi_reduction <minimumf>, %reduce_min3A_296, %reduce_min3A_297 [1, 2] : vector<1x1x128xf32> to vector<1xf32>
      %reduce_min3A_299 = vector.shape_cast %reduce_min3A_298 : vector<1xf32> to vector<1x1x1xf32>
      %reduce_min3A_300 = vector.extract %reduce_min3A_299[0, 0, 0] : f32 from vector<1x1x1xf32>
      %convert_element_type3A_301 = arith.fptosi %reduce_min3A_300 : f32 to i32
      %get3A_302 = arith.index_cast %select_n3A_281 : i32 to index
      %get3A_303 = arith.constant 0 : index
      %get3A_304 = vector.load %arg2[%get3A_302, %get3A_303] : memref<157x128xi32, #tpu.memory_space<vmem>>, vector<1x128xi32>
      %convert_element_type3A_305 = arith.sitofp %get3A_304 : vector<1x128xi32> to vector<1x128xf32>
      %eq3A_306 = vector.broadcast %sub3A_284 : i32 to vector<1x128xi32>
      %eq3A_307 = arith.cmpi eq, %iota3A_15, %eq3A_306 : vector<1x128xi32>
      %jit3A_308 = arith.constant -1.000000e+00 : f64
      %convert_element_type3A_309 = arith.truncf %jit3A_308 : f64 to f32
      %broadcast_in_dim3A_310 = vector.broadcast %convert_element_type3A_309 : f32 to vector<1x128xf32>
      %select_n3A_311 = arith.select %eq3A_307, %convert_element_type3A_305, %broadcast_in_dim3A_310 : vector<1x128xi1>, vector<1x128xf32>
      %reduce_max3A_312 = vector.shape_cast %select_n3A_311 : vector<1x128xf32> to vector<1x1x128xf32>
      %reduce_max3A_313 = arith.constant dense<0xFF800000> : vector<1xf32>
      %reduce_max3A_314 = vector.multi_reduction <maximumf>, %reduce_max3A_312, %reduce_max3A_313 [1, 2] : vector<1x1x128xf32> to vector<1xf32>
      %reduce_max3A_315 = vector.shape_cast %reduce_max3A_314 : vector<1xf32> to vector<1x1x1xf32>
      %reduce_max3A_316 = vector.extract %reduce_max3A_315[0, 0, 0] : f32 from vector<1x1x1xf32>
      %convert_element_type3A_317 = arith.fptosi %reduce_max3A_316 : f32 to i32
      %mul3A_318 = arith.constant 100 : i32
      %mul3A_319 = arith.muli %convert_element_type3A_262, %mul3A_318 : i32
      %add3A_320 = arith.addi %mul3A_319, %convert_element_type3A_301 : i32
      %eq3A_321 = vector.broadcast %while3A_243 : i32 to vector<1x128xi32>
      %eq3A_322 = arith.cmpi eq, %iota3A_15, %eq3A_321 : vector<1x128xi32>
      %get3A_323 = arith.constant 4 : index
      %get3A_324 = arith.constant 0 : index
      %get3A_325 = vector.load %arg3[%get3A_323, %get3A_324] : memref<8x128xf32, #tpu.memory_space<vmem>>, vector<1x128xf32>
      %broadcast_in_dim3A_326 = vector.broadcast %reduce_max3A_251 : f32 to vector<1x128xf32>
      %select_n3A_327 = arith.select %eq3A_322, %broadcast_in_dim3A_326, %get3A_325 : vector<1x128xi1>, vector<1x128xf32>
      %swap3A_328 = arith.constant 4 : index
      %swap3A_329 = arith.constant 0 : index
      %swap3A_330 = vector.load %arg3[%swap3A_328, %swap3A_329] : memref<8x128xf32, #tpu.memory_space<vmem>>, vector<1x128xf32>
      tpu.vector_store %arg3[%swap3A_328, %swap3A_329], %select_n3A_327 {strides = array<i32>} : memref<8x128xf32, #tpu.memory_space<vmem>>, vector<1x128xf32>,
      %eq3A_331 = vector.broadcast %while3A_243 : i32 to vector<1x128xi32>
      %eq3A_332 = arith.cmpi eq, %iota3A_15, %eq3A_331 : vector<1x128xi32>
      %get3A_333 = arith.constant 4 : index
      %get3A_334 = arith.constant 0 : index
      %get3A_335 = vector.load %arg4[%get3A_333, %get3A_334] : memref<8x128xi32, #tpu.memory_space<vmem>>, vector<1x128xi32>
      %broadcast_in_dim3A_336 = vector.broadcast %convert_element_type3A_317 : i32 to vector<1x128xi32>
      %select_n3A_337 = arith.select %eq3A_332, %broadcast_in_dim3A_336, %get3A_335 : vector<1x128xi1>, vector<1x128xi32>
      %swap3A_338 = arith.constant 4 : index
      %swap3A_339 = arith.constant 0 : index
      %swap3A_340 = vector.load %arg4[%swap3A_338, %swap3A_339] : memref<8x128xi32, #tpu.memory_space<vmem>>, vector<1x128xi32>
      tpu.vector_store %arg4[%swap3A_338, %swap3A_339], %select_n3A_337 {strides = array<i32>} : memref<8x128xi32, #tpu.memory_space<vmem>>, vector<1x128xi32>,
      %eq3A_341 = vector.broadcast %while3A_243 : i32 to vector<1x128xi32>
      %eq3A_342 = arith.cmpi eq, %iota3A_15, %eq3A_341 : vector<1x128xi32>
      %get3A_343 = arith.constant 4 : index
      %get3A_344 = arith.constant 0 : index
      %get3A_345 = vector.load %arg5[%get3A_343, %get3A_344] : memref<8x128xi32, #tpu.memory_space<vmem>>, vector<1x128xi32>
      %broadcast_in_dim3A_346 = vector.broadcast %add3A_320 : i32 to vector<1x128xi32>
      %select_n3A_347 = arith.select %eq3A_342, %broadcast_in_dim3A_346, %get3A_345 : vector<1x128xi1>, vector<1x128xi32>
      %swap3A_348 = arith.constant 4 : index
      %swap3A_349 = arith.constant 0 : index
      %swap3A_350 = vector.load %arg5[%swap3A_348, %swap3A_349] : memref<8x128xi32, #tpu.memory_space<vmem>>, vector<1x128xi32>
      tpu.vector_store %arg5[%swap3A_348, %swap3A_349], %select_n3A_347 {strides = array<i32>} : memref<8x128xi32, #tpu.memory_space<vmem>>, vector<1x128xi32>,
      %eq3A_351 = vector.broadcast %convert_element_type3A_301 : i32 to vector<1x128xi32>
      %eq3A_352 = arith.cmpi eq, %iota3A_15, %eq3A_351 : vector<1x128xi32>
      %jit3A_353 = arith.constant 0xFFF0000000000000 : f64
      %convert_element_type3A_354 = arith.truncf %jit3A_353 : f64 to f32
      %broadcast_in_dim3A_355 = vector.broadcast %convert_element_type3A_354 : f32 to vector<1x128xf32>
      %select_n3A_356 = arith.select %eq3A_352, %broadcast_in_dim3A_355, %get3A_289 : vector<1x128xi1>, vector<1x128xf32>
      %swap3A_357 = arith.index_cast %select_n3A_281 : i32 to index
      %swap3A_358 = arith.index_cast %sub3A_284 : i32 to index
      %swap3A_359 = arith.constant 0 : index
      %swap3A_360 = vector.load %arg6[%swap3A_357, %swap3A_358, %swap3A_359] : memref<157x128x128xf32, #tpu.memory_space<vmem>>, vector<1x1x128xf32>
      %swap3A_361 = vector.shape_cast %swap3A_360 : vector<1x1x128xf32> to vector<1x128xf32>
      %swap3A_362 = vector.shape_cast %select_n3A_356 : vector<1x128xf32> to vector<1x1x128xf32>
      tpu.vector_store %arg6[%swap3A_357, %swap3A_358, %swap3A_359], %swap3A_362 {strides = array<i32>} : memref<157x128x128xf32, #tpu.memory_space<vmem>>, vector<1x1x128xf32>,
      %reduce_max3A_363 = vector.shape_cast %select_n3A_356 : vector<1x128xf32> to vector<1x1x128xf32>
      %reduce_max3A_364 = arith.constant dense<0xFF800000> : vector<1xf32>
      %reduce_max3A_365 = vector.multi_reduction <maximumf>, %reduce_max3A_363, %reduce_max3A_364 [1, 2] : vector<1x1x128xf32> to vector<1xf32>
      %reduce_max3A_366 = vector.shape_cast %reduce_max3A_365 : vector<1xf32> to vector<1x1x1xf32>
      %reduce_max3A_367 = vector.extract %reduce_max3A_366[0, 0, 0] : f32 from vector<1x1x1xf32>
      %eq3A_368 = vector.broadcast %sub3A_284 : i32 to vector<1x128xi32>
      %eq3A_369 = arith.cmpi eq, %iota3A_15, %eq3A_368 : vector<1x128xi32>
      %get3A_370 = arith.index_cast %select_n3A_281 : i32 to index
      %get3A_371 = arith.constant 0 : index
      %get3A_372 = vector.load %arg8[%get3A_370, %get3A_371] : memref<157x128xf32, #tpu.memory_space<vmem>>, vector<1x128xf32>
      %broadcast_in_dim3A_373 = vector.broadcast %reduce_max3A_367 : f32 to vector<1x128xf32>
      %select_n3A_374 = arith.select %eq3A_369, %broadcast_in_dim3A_373, %get3A_372 : vector<1x128xi1>, vector<1x128xf32>
      %swap3A_375 = arith.index_cast %select_n3A_281 : i32 to index
      %swap3A_376 = arith.constant 0 : index
      %swap3A_377 = vector.load %arg8[%swap3A_375, %swap3A_376] : memref<157x128xf32, #tpu.memory_space<vmem>>, vector<1x128xf32>
      tpu.vector_store %arg8[%swap3A_375, %swap3A_376], %select_n3A_374 {strides = array<i32>} : memref<157x128xf32, #tpu.memory_space<vmem>>, vector<1x128xf32>,
      %while3A_378 = arith.constant 0 : i64
      scf.yield %while3A_378 : i64
    }
    %get3A_156 = arith.constant 0 : index
    %get3A_157 = arith.constant 0 : index
    %get3A_158 = vector.load %arg1[%get3A_156, %get3A_157] : memref<157x128xi32, #tpu.memory_space<vmem>>, vector<157x128xi32>
    %eq3A_159 = arith.constant 5 : i32
    %eq3A_160 = vector.broadcast %eq3A_159 : i32 to vector<157x128xi32>
    %eq3A_161 = arith.cmpi eq, %get3A_158, %eq3A_160 : vector<157x128xi32>
    %get3A_162 = arith.constant 0 : index
    %get3A_163 = arith.constant 0 : index
    %get3A_164 = vector.load %arg7[%get3A_162, %get3A_163] : memref<157x128xf32, #tpu.memory_space<vmem>>, vector<157x128xf32>
    %jit3A_165 = arith.constant 0xFFF0000000000000 : f64
    %convert_element_type3A_166 = arith.truncf %jit3A_165 : f64 to f32
    %broadcast_in_dim3A_167 = vector.broadcast %convert_element_type3A_166 : f32 to vector<157x128xf32>
    %select_n3A_168 = arith.select %eq3A_161, %get3A_164, %broadcast_in_dim3A_167 : vector<157x128xi1>, vector<157x128xf32>
    %swap3A_169 = arith.constant 0 : index
    %swap3A_170 = arith.constant 0 : index
    %swap3A_171 = vector.load %arg8[%swap3A_169, %swap3A_170] : memref<157x128xf32, #tpu.memory_space<vmem>>, vector<157x128xf32>
    tpu.vector_store %arg8[%swap3A_169, %swap3A_170], %select_n3A_168 {strides = array<i32>} : memref<157x128xf32, #tpu.memory_space<vmem>>, vector<157x128xf32>,
    %while3A_172 = arith.constant 0 : i32
    %while3A_173 = arith.constant 100 : i32
    %while3A_174 = arith.constant 0 : i64
    %while3A_175 = arith.subi %while3A_173, %while3A_172 : i32
    %while3A_176 = arith.addi %while3A_172, %while3A_175 : i32
    %while3A_177 = arith.constant 1 : i32
    %while3A_178 = arith.divsi %while3A_175, %while3A_177 : i32
    %while3A_179 = arith.muli %while3A_178, %while3A_177 : i32
    %while3A_180 = arith.addi %while3A_172, %while3A_179 : i32
    %while3A_181 = arith.constant 1 : i32
    %while3A_182 = scf.for %while3A_243 = %while3A_172 to %while3A_180 step %while3A_181 iter_args(%while3A_244 = %while3A_174) -> (i64)  : i32 {
      %get3A_245 = arith.constant 0 : index
      %get3A_246 = arith.constant 0 : index
      %get3A_247 = vector.load %arg8[%get3A_245, %get3A_246] : memref<157x128xf32, #tpu.memory_space<vmem>>, vector<157x128xf32>
      %reduce_max3A = vector.shape_cast %get3A_247 : vector<157x128xf32> to vector<1x157x128xf32>
      %reduce_max3A_248 = arith.constant dense<0xFF800000> : vector<1xf32>
      %reduce_max3A_249 = vector.multi_reduction <maximumf>, %reduce_max3A, %reduce_max3A_248 [1, 2] : vector<1x157x128xf32> to vector<1xf32>
      %reduce_max3A_250 = vector.shape_cast %reduce_max3A_249 : vector<1xf32> to vector<1x1x1xf32>
      %reduce_max3A_251 = vector.extract %reduce_max3A_250[0, 0, 0] : f32 from vector<1x1x1xf32>
      %eq3A_252 = vector.broadcast %reduce_max3A_251 : f32 to vector<157x128xf32>
      %eq3A_253 = arith.cmpf oeq, %get3A_247, %eq3A_252 : vector<157x128xf32>
      %jit3A_254 = arith.constant 1.000000e+09 : f64
      %convert_element_type3A_255 = arith.truncf %jit3A_254 : f64 to f32
      %broadcast_in_dim3A_256 = vector.broadcast %convert_element_type3A_255 : f32 to vector<157x128xf32>
      %select_n3A_257 = arith.select %eq3A_253, %convert_element_type3A, %broadcast_in_dim3A_256 : vector<157x128xi1>, vector<157x128xf32>
      %reduce_min3A = vector.shape_cast %select_n3A_257 : vector<157x128xf32> to vector<1x157x128xf32>
      %reduce_min3A_258 = arith.constant dense<0x7F800000> : vector<1xf32>
      %reduce_min3A_259 = vector.multi_reduction <minimumf>, %reduce_min3A, %reduce_min3A_258 [1, 2] : vector<1x157x128xf32> to vector<1xf32>
      %reduce_min3A_260 = vector.shape_cast %reduce_min3A_259 : vector<1xf32> to vector<1x1x1xf32>
      %reduce_min3A_261 = vector.extract %reduce_min3A_260[0, 0, 0] : f32 from vector<1x1x1xf32>
      %convert_element_type3A_262 = arith.fptosi %reduce_min3A_261 : f32 to i32
      %jit3A_263 = arith.constant 128 : i64
      %convert_element_type3A_264 = arith.trunci %jit3A_263 : i64 to i32
      %div3A = arith.divsi %convert_element_type3A_262, %convert_element_type3A_264 : i32
      %sign3A = arith.constant 0 : i32
      %sign3A_265 = arith.cmpi sgt, %convert_element_type3A_262, %sign3A : i32
      %sign3A_266 = arith.extui %sign3A_265 : i1 to i32
      %sign3A_267 = arith.constant 0 : i32
      %sign3A_268 = arith.cmpi slt, %convert_element_type3A_262, %sign3A_267 : i32
      %sign3A_269 = arith.extui %sign3A_268 : i1 to i32
      %sign3A_270 = arith.subi %sign3A_266, %sign3A_269 : i32
      %sign3A_271 = arith.constant 0 : i32
      %sign3A_272 = arith.cmpi sgt, %convert_element_type3A_264, %sign3A_271 : i32
      %sign3A_273 = arith.extui %sign3A_272 : i1 to i32
      %sign3A_274 = arith.constant 0 : i32
      %sign3A_275 = arith.cmpi slt, %convert_element_type3A_264, %sign3A_274 : i32
      %sign3A_276 = arith.extui %sign3A_275 : i1 to i32
      %sign3A_277 = arith.subi %sign3A_273, %sign3A_276 : i32
      %ne3A = arith.cmpi ne, %sign3A_270, %sign3A_277 : i32
      %rem3A = arith.remsi %convert_element_type3A_262, %convert_element_type3A_264 : i32
      %ne3A_278 = arith.constant 0 : i32
      %ne3A_279 = arith.cmpi ne, %rem3A, %ne3A_278 : i32
      %and3A = arith.andi %ne3A, %ne3A_279 : i1
      %sub3A = arith.constant 1 : i32
      %sub3A_280 = arith.subi %div3A, %sub3A : i32
      %select_n3A_281 = arith.select %and3A, %sub3A_280, %div3A : i32
      %mul3A_282 = arith.constant 128 : i32
      %mul3A_283 = arith.muli %select_n3A_281, %mul3A_282 : i32
      %sub3A_284 = arith.subi %convert_element_type3A_262, %mul3A_283 : i32
      %get3A_285 = arith.index_cast %select_n3A_281 : i32 to index
      %get3A_286 = arith.index_cast %sub3A_284 : i32 to index
      %get3A_287 = arith.constant 0 : index
      %get3A_288 = vector.load %arg6[%get3A_285, %get3A_286, %get3A_287] : memref<157x128x128xf32, #tpu.memory_space<vmem>>, vector<1x1x128xf32>
      %get3A_289 = vector.shape_cast %get3A_288 : vector<1x1x128xf32> to vector<1x128xf32>
      %eq3A_290 = vector.broadcast %reduce_max3A_251 : f32 to vector<1x128xf32>
      %eq3A_291 = arith.cmpf oeq, %get3A_289, %eq3A_290 : vector<1x128xf32>
      %jit3A_292 = arith.constant 1.000000e+09 : f64
      %convert_element_type3A_293 = arith.truncf %jit3A_292 : f64 to f32
      %broadcast_in_dim3A_294 = vector.broadcast %convert_element_type3A_293 : f32 to vector<1x128xf32>
      %select_n3A_295 = arith.select %eq3A_291, %convert_element_type3A_16, %broadcast_in_dim3A_294 : vector<1x128xi1>, vector<1x128xf32>
      %reduce_min3A_296 = vector.shape_cast %select_n3A_295 : vector<1x128xf32> to vector<1x1x128xf32>
      %reduce_min3A_297 = arith.constant dense<0x7F800000> : vector<1xf32>
      %reduce_min3A_298 = vector.multi_reduction <minimumf>, %reduce_min3A_296, %reduce_min3A_297 [1, 2] : vector<1x1x128xf32> to vector<1xf32>
      %reduce_min3A_299 = vector.shape_cast %reduce_min3A_298 : vector<1xf32> to vector<1x1x1xf32>
      %reduce_min3A_300 = vector.extract %reduce_min3A_299[0, 0, 0] : f32 from vector<1x1x1xf32>
      %convert_element_type3A_301 = arith.fptosi %reduce_min3A_300 : f32 to i32
      %get3A_302 = arith.index_cast %select_n3A_281 : i32 to index
      %get3A_303 = arith.constant 0 : index
      %get3A_304 = vector.load %arg2[%get3A_302, %get3A_303] : memref<157x128xi32, #tpu.memory_space<vmem>>, vector<1x128xi32>
      %convert_element_type3A_305 = arith.sitofp %get3A_304 : vector<1x128xi32> to vector<1x128xf32>
      %eq3A_306 = vector.broadcast %sub3A_284 : i32 to vector<1x128xi32>
      %eq3A_307 = arith.cmpi eq, %iota3A_15, %eq3A_306 : vector<1x128xi32>
      %jit3A_308 = arith.constant -1.000000e+00 : f64
      %convert_element_type3A_309 = arith.truncf %jit3A_308 : f64 to f32
      %broadcast_in_dim3A_310 = vector.broadcast %convert_element_type3A_309 : f32 to vector<1x128xf32>
      %select_n3A_311 = arith.select %eq3A_307, %convert_element_type3A_305, %broadcast_in_dim3A_310 : vector<1x128xi1>, vector<1x128xf32>
      %reduce_max3A_312 = vector.shape_cast %select_n3A_311 : vector<1x128xf32> to vector<1x1x128xf32>
      %reduce_max3A_313 = arith.constant dense<0xFF800000> : vector<1xf32>
      %reduce_max3A_314 = vector.multi_reduction <maximumf>, %reduce_max3A_312, %reduce_max3A_313 [1, 2] : vector<1x1x128xf32> to vector<1xf32>
      %reduce_max3A_315 = vector.shape_cast %reduce_max3A_314 : vector<1xf32> to vector<1x1x1xf32>
      %reduce_max3A_316 = vector.extract %reduce_max3A_315[0, 0, 0] : f32 from vector<1x1x1xf32>
      %convert_element_type3A_317 = arith.fptosi %reduce_max3A_316 : f32 to i32
      %mul3A_318 = arith.constant 100 : i32
      %mul3A_319 = arith.muli %convert_element_type3A_262, %mul3A_318 : i32
      %add3A_320 = arith.addi %mul3A_319, %convert_element_type3A_301 : i32
      %eq3A_321 = vector.broadcast %while3A_243 : i32 to vector<1x128xi32>
      %eq3A_322 = arith.cmpi eq, %iota3A_15, %eq3A_321 : vector<1x128xi32>
      %get3A_323 = arith.constant 5 : index
      %get3A_324 = arith.constant 0 : index
      %get3A_325 = vector.load %arg3[%get3A_323, %get3A_324] : memref<8x128xf32, #tpu.memory_space<vmem>>, vector<1x128xf32>
      %broadcast_in_dim3A_326 = vector.broadcast %reduce_max3A_251 : f32 to vector<1x128xf32>
      %select_n3A_327 = arith.select %eq3A_322, %broadcast_in_dim3A_326, %get3A_325 : vector<1x128xi1>, vector<1x128xf32>
      %swap3A_328 = arith.constant 5 : index
      %swap3A_329 = arith.constant 0 : index
      %swap3A_330 = vector.load %arg3[%swap3A_328, %swap3A_329] : memref<8x128xf32, #tpu.memory_space<vmem>>, vector<1x128xf32>
      tpu.vector_store %arg3[%swap3A_328, %swap3A_329], %select_n3A_327 {strides = array<i32>} : memref<8x128xf32, #tpu.memory_space<vmem>>, vector<1x128xf32>,
      %eq3A_331 = vector.broadcast %while3A_243 : i32 to vector<1x128xi32>
      %eq3A_332 = arith.cmpi eq, %iota3A_15, %eq3A_331 : vector<1x128xi32>
      %get3A_333 = arith.constant 5 : index
      %get3A_334 = arith.constant 0 : index
      %get3A_335 = vector.load %arg4[%get3A_333, %get3A_334] : memref<8x128xi32, #tpu.memory_space<vmem>>, vector<1x128xi32>
      %broadcast_in_dim3A_336 = vector.broadcast %convert_element_type3A_317 : i32 to vector<1x128xi32>
      %select_n3A_337 = arith.select %eq3A_332, %broadcast_in_dim3A_336, %get3A_335 : vector<1x128xi1>, vector<1x128xi32>
      %swap3A_338 = arith.constant 5 : index
      %swap3A_339 = arith.constant 0 : index
      %swap3A_340 = vector.load %arg4[%swap3A_338, %swap3A_339] : memref<8x128xi32, #tpu.memory_space<vmem>>, vector<1x128xi32>
      tpu.vector_store %arg4[%swap3A_338, %swap3A_339], %select_n3A_337 {strides = array<i32>} : memref<8x128xi32, #tpu.memory_space<vmem>>, vector<1x128xi32>,
      %eq3A_341 = vector.broadcast %while3A_243 : i32 to vector<1x128xi32>
      %eq3A_342 = arith.cmpi eq, %iota3A_15, %eq3A_341 : vector<1x128xi32>
      %get3A_343 = arith.constant 5 : index
      %get3A_344 = arith.constant 0 : index
      %get3A_345 = vector.load %arg5[%get3A_343, %get3A_344] : memref<8x128xi32, #tpu.memory_space<vmem>>, vector<1x128xi32>
      %broadcast_in_dim3A_346 = vector.broadcast %add3A_320 : i32 to vector<1x128xi32>
      %select_n3A_347 = arith.select %eq3A_342, %broadcast_in_dim3A_346, %get3A_345 : vector<1x128xi1>, vector<1x128xi32>
      %swap3A_348 = arith.constant 5 : index
      %swap3A_349 = arith.constant 0 : index
      %swap3A_350 = vector.load %arg5[%swap3A_348, %swap3A_349] : memref<8x128xi32, #tpu.memory_space<vmem>>, vector<1x128xi32>
      tpu.vector_store %arg5[%swap3A_348, %swap3A_349], %select_n3A_347 {strides = array<i32>} : memref<8x128xi32, #tpu.memory_space<vmem>>, vector<1x128xi32>,
      %eq3A_351 = vector.broadcast %convert_element_type3A_301 : i32 to vector<1x128xi32>
      %eq3A_352 = arith.cmpi eq, %iota3A_15, %eq3A_351 : vector<1x128xi32>
      %jit3A_353 = arith.constant 0xFFF0000000000000 : f64
      %convert_element_type3A_354 = arith.truncf %jit3A_353 : f64 to f32
      %broadcast_in_dim3A_355 = vector.broadcast %convert_element_type3A_354 : f32 to vector<1x128xf32>
      %select_n3A_356 = arith.select %eq3A_352, %broadcast_in_dim3A_355, %get3A_289 : vector<1x128xi1>, vector<1x128xf32>
      %swap3A_357 = arith.index_cast %select_n3A_281 : i32 to index
      %swap3A_358 = arith.index_cast %sub3A_284 : i32 to index
      %swap3A_359 = arith.constant 0 : index
      %swap3A_360 = vector.load %arg6[%swap3A_357, %swap3A_358, %swap3A_359] : memref<157x128x128xf32, #tpu.memory_space<vmem>>, vector<1x1x128xf32>
      %swap3A_361 = vector.shape_cast %swap3A_360 : vector<1x1x128xf32> to vector<1x128xf32>
      %swap3A_362 = vector.shape_cast %select_n3A_356 : vector<1x128xf32> to vector<1x1x128xf32>
      tpu.vector_store %arg6[%swap3A_357, %swap3A_358, %swap3A_359], %swap3A_362 {strides = array<i32>} : memref<157x128x128xf32, #tpu.memory_space<vmem>>, vector<1x1x128xf32>,
      %reduce_max3A_363 = vector.shape_cast %select_n3A_356 : vector<1x128xf32> to vector<1x1x128xf32>
      %reduce_max3A_364 = arith.constant dense<0xFF800000> : vector<1xf32>
      %reduce_max3A_365 = vector.multi_reduction <maximumf>, %reduce_max3A_363, %reduce_max3A_364 [1, 2] : vector<1x1x128xf32> to vector<1xf32>
      %reduce_max3A_366 = vector.shape_cast %reduce_max3A_365 : vector<1xf32> to vector<1x1x1xf32>
      %reduce_max3A_367 = vector.extract %reduce_max3A_366[0, 0, 0] : f32 from vector<1x1x1xf32>
      %eq3A_368 = vector.broadcast %sub3A_284 : i32 to vector<1x128xi32>
      %eq3A_369 = arith.cmpi eq, %iota3A_15, %eq3A_368 : vector<1x128xi32>
      %get3A_370 = arith.index_cast %select_n3A_281 : i32 to index
      %get3A_371 = arith.constant 0 : index
      %get3A_372 = vector.load %arg8[%get3A_370, %get3A_371] : memref<157x128xf32, #tpu.memory_space<vmem>>, vector<1x128xf32>
      %broadcast_in_dim3A_373 = vector.broadcast %reduce_max3A_367 : f32 to vector<1x128xf32>
      %select_n3A_374 = arith.select %eq3A_369, %broadcast_in_dim3A_373, %get3A_372 : vector<1x128xi1>, vector<1x128xf32>
      %swap3A_375 = arith.index_cast %select_n3A_281 : i32 to index
      %swap3A_376 = arith.constant 0 : index
      %swap3A_377 = vector.load %arg8[%swap3A_375, %swap3A_376] : memref<157x128xf32, #tpu.memory_space<vmem>>, vector<1x128xf32>
      tpu.vector_store %arg8[%swap3A_375, %swap3A_376], %select_n3A_374 {strides = array<i32>} : memref<157x128xf32, #tpu.memory_space<vmem>>, vector<1x128xf32>,
      %while3A_378 = arith.constant 0 : i64
      scf.yield %while3A_378 : i64
    }
    %while3A_183 = arith.constant 1 : i32
    %while3A_184 = scf.for %while3A_243 = %while3A_180 to %while3A_176 step %while3A_183 iter_args(%while3A_244 = %while3A_182) -> (i64)  : i32 {
      %get3A_245 = arith.constant 0 : index
      %get3A_246 = arith.constant 0 : index
      %get3A_247 = vector.load %arg8[%get3A_245, %get3A_246] : memref<157x128xf32, #tpu.memory_space<vmem>>, vector<157x128xf32>
      %reduce_max3A = vector.shape_cast %get3A_247 : vector<157x128xf32> to vector<1x157x128xf32>
      %reduce_max3A_248 = arith.constant dense<0xFF800000> : vector<1xf32>
      %reduce_max3A_249 = vector.multi_reduction <maximumf>, %reduce_max3A, %reduce_max3A_248 [1, 2] : vector<1x157x128xf32> to vector<1xf32>
      %reduce_max3A_250 = vector.shape_cast %reduce_max3A_249 : vector<1xf32> to vector<1x1x1xf32>
      %reduce_max3A_251 = vector.extract %reduce_max3A_250[0, 0, 0] : f32 from vector<1x1x1xf32>
      %eq3A_252 = vector.broadcast %reduce_max3A_251 : f32 to vector<157x128xf32>
      %eq3A_253 = arith.cmpf oeq, %get3A_247, %eq3A_252 : vector<157x128xf32>
      %jit3A_254 = arith.constant 1.000000e+09 : f64
      %convert_element_type3A_255 = arith.truncf %jit3A_254 : f64 to f32
      %broadcast_in_dim3A_256 = vector.broadcast %convert_element_type3A_255 : f32 to vector<157x128xf32>
      %select_n3A_257 = arith.select %eq3A_253, %convert_element_type3A, %broadcast_in_dim3A_256 : vector<157x128xi1>, vector<157x128xf32>
      %reduce_min3A = vector.shape_cast %select_n3A_257 : vector<157x128xf32> to vector<1x157x128xf32>
      %reduce_min3A_258 = arith.constant dense<0x7F800000> : vector<1xf32>
      %reduce_min3A_259 = vector.multi_reduction <minimumf>, %reduce_min3A, %reduce_min3A_258 [1, 2] : vector<1x157x128xf32> to vector<1xf32>
      %reduce_min3A_260 = vector.shape_cast %reduce_min3A_259 : vector<1xf32> to vector<1x1x1xf32>
      %reduce_min3A_261 = vector.extract %reduce_min3A_260[0, 0, 0] : f32 from vector<1x1x1xf32>
      %convert_element_type3A_262 = arith.fptosi %reduce_min3A_261 : f32 to i32
      %jit3A_263 = arith.constant 128 : i64
      %convert_element_type3A_264 = arith.trunci %jit3A_263 : i64 to i32
      %div3A = arith.divsi %convert_element_type3A_262, %convert_element_type3A_264 : i32
      %sign3A = arith.constant 0 : i32
      %sign3A_265 = arith.cmpi sgt, %convert_element_type3A_262, %sign3A : i32
      %sign3A_266 = arith.extui %sign3A_265 : i1 to i32
      %sign3A_267 = arith.constant 0 : i32
      %sign3A_268 = arith.cmpi slt, %convert_element_type3A_262, %sign3A_267 : i32
      %sign3A_269 = arith.extui %sign3A_268 : i1 to i32
      %sign3A_270 = arith.subi %sign3A_266, %sign3A_269 : i32
      %sign3A_271 = arith.constant 0 : i32
      %sign3A_272 = arith.cmpi sgt, %convert_element_type3A_264, %sign3A_271 : i32
      %sign3A_273 = arith.extui %sign3A_272 : i1 to i32
      %sign3A_274 = arith.constant 0 : i32
      %sign3A_275 = arith.cmpi slt, %convert_element_type3A_264, %sign3A_274 : i32
      %sign3A_276 = arith.extui %sign3A_275 : i1 to i32
      %sign3A_277 = arith.subi %sign3A_273, %sign3A_276 : i32
      %ne3A = arith.cmpi ne, %sign3A_270, %sign3A_277 : i32
      %rem3A = arith.remsi %convert_element_type3A_262, %convert_element_type3A_264 : i32
      %ne3A_278 = arith.constant 0 : i32
      %ne3A_279 = arith.cmpi ne, %rem3A, %ne3A_278 : i32
      %and3A = arith.andi %ne3A, %ne3A_279 : i1
      %sub3A = arith.constant 1 : i32
      %sub3A_280 = arith.subi %div3A, %sub3A : i32
      %select_n3A_281 = arith.select %and3A, %sub3A_280, %div3A : i32
      %mul3A_282 = arith.constant 128 : i32
      %mul3A_283 = arith.muli %select_n3A_281, %mul3A_282 : i32
      %sub3A_284 = arith.subi %convert_element_type3A_262, %mul3A_283 : i32
      %get3A_285 = arith.index_cast %select_n3A_281 : i32 to index
      %get3A_286 = arith.index_cast %sub3A_284 : i32 to index
      %get3A_287 = arith.constant 0 : index
      %get3A_288 = vector.load %arg6[%get3A_285, %get3A_286, %get3A_287] : memref<157x128x128xf32, #tpu.memory_space<vmem>>, vector<1x1x128xf32>
      %get3A_289 = vector.shape_cast %get3A_288 : vector<1x1x128xf32> to vector<1x128xf32>
      %eq3A_290 = vector.broadcast %reduce_max3A_251 : f32 to vector<1x128xf32>
      %eq3A_291 = arith.cmpf oeq, %get3A_289, %eq3A_290 : vector<1x128xf32>
      %jit3A_292 = arith.constant 1.000000e+09 : f64
      %convert_element_type3A_293 = arith.truncf %jit3A_292 : f64 to f32
      %broadcast_in_dim3A_294 = vector.broadcast %convert_element_type3A_293 : f32 to vector<1x128xf32>
      %select_n3A_295 = arith.select %eq3A_291, %convert_element_type3A_16, %broadcast_in_dim3A_294 : vector<1x128xi1>, vector<1x128xf32>
      %reduce_min3A_296 = vector.shape_cast %select_n3A_295 : vector<1x128xf32> to vector<1x1x128xf32>
      %reduce_min3A_297 = arith.constant dense<0x7F800000> : vector<1xf32>
      %reduce_min3A_298 = vector.multi_reduction <minimumf>, %reduce_min3A_296, %reduce_min3A_297 [1, 2] : vector<1x1x128xf32> to vector<1xf32>
      %reduce_min3A_299 = vector.shape_cast %reduce_min3A_298 : vector<1xf32> to vector<1x1x1xf32>
      %reduce_min3A_300 = vector.extract %reduce_min3A_299[0, 0, 0] : f32 from vector<1x1x1xf32>
      %convert_element_type3A_301 = arith.fptosi %reduce_min3A_300 : f32 to i32
      %get3A_302 = arith.index_cast %select_n3A_281 : i32 to index
      %get3A_303 = arith.constant 0 : index
      %get3A_304 = vector.load %arg2[%get3A_302, %get3A_303] : memref<157x128xi32, #tpu.memory_space<vmem>>, vector<1x128xi32>
      %convert_element_type3A_305 = arith.sitofp %get3A_304 : vector<1x128xi32> to vector<1x128xf32>
      %eq3A_306 = vector.broadcast %sub3A_284 : i32 to vector<1x128xi32>
      %eq3A_307 = arith.cmpi eq, %iota3A_15, %eq3A_306 : vector<1x128xi32>
      %jit3A_308 = arith.constant -1.000000e+00 : f64
      %convert_element_type3A_309 = arith.truncf %jit3A_308 : f64 to f32
      %broadcast_in_dim3A_310 = vector.broadcast %convert_element_type3A_309 : f32 to vector<1x128xf32>
      %select_n3A_311 = arith.select %eq3A_307, %convert_element_type3A_305, %broadcast_in_dim3A_310 : vector<1x128xi1>, vector<1x128xf32>
      %reduce_max3A_312 = vector.shape_cast %select_n3A_311 : vector<1x128xf32> to vector<1x1x128xf32>
      %reduce_max3A_313 = arith.constant dense<0xFF800000> : vector<1xf32>
      %reduce_max3A_314 = vector.multi_reduction <maximumf>, %reduce_max3A_312, %reduce_max3A_313 [1, 2] : vector<1x1x128xf32> to vector<1xf32>
      %reduce_max3A_315 = vector.shape_cast %reduce_max3A_314 : vector<1xf32> to vector<1x1x1xf32>
      %reduce_max3A_316 = vector.extract %reduce_max3A_315[0, 0, 0] : f32 from vector<1x1x1xf32>
      %convert_element_type3A_317 = arith.fptosi %reduce_max3A_316 : f32 to i32
      %mul3A_318 = arith.constant 100 : i32
      %mul3A_319 = arith.muli %convert_element_type3A_262, %mul3A_318 : i32
      %add3A_320 = arith.addi %mul3A_319, %convert_element_type3A_301 : i32
      %eq3A_321 = vector.broadcast %while3A_243 : i32 to vector<1x128xi32>
      %eq3A_322 = arith.cmpi eq, %iota3A_15, %eq3A_321 : vector<1x128xi32>
      %get3A_323 = arith.constant 5 : index
      %get3A_324 = arith.constant 0 : index
      %get3A_325 = vector.load %arg3[%get3A_323, %get3A_324] : memref<8x128xf32, #tpu.memory_space<vmem>>, vector<1x128xf32>
      %broadcast_in_dim3A_326 = vector.broadcast %reduce_max3A_251 : f32 to vector<1x128xf32>
      %select_n3A_327 = arith.select %eq3A_322, %broadcast_in_dim3A_326, %get3A_325 : vector<1x128xi1>, vector<1x128xf32>
      %swap3A_328 = arith.constant 5 : index
      %swap3A_329 = arith.constant 0 : index
      %swap3A_330 = vector.load %arg3[%swap3A_328, %swap3A_329] : memref<8x128xf32, #tpu.memory_space<vmem>>, vector<1x128xf32>
      tpu.vector_store %arg3[%swap3A_328, %swap3A_329], %select_n3A_327 {strides = array<i32>} : memref<8x128xf32, #tpu.memory_space<vmem>>, vector<1x128xf32>,
      %eq3A_331 = vector.broadcast %while3A_243 : i32 to vector<1x128xi32>
      %eq3A_332 = arith.cmpi eq, %iota3A_15, %eq3A_331 : vector<1x128xi32>
      %get3A_333 = arith.constant 5 : index
      %get3A_334 = arith.constant 0 : index
      %get3A_335 = vector.load %arg4[%get3A_333, %get3A_334] : memref<8x128xi32, #tpu.memory_space<vmem>>, vector<1x128xi32>
      %broadcast_in_dim3A_336 = vector.broadcast %convert_element_type3A_317 : i32 to vector<1x128xi32>
      %select_n3A_337 = arith.select %eq3A_332, %broadcast_in_dim3A_336, %get3A_335 : vector<1x128xi1>, vector<1x128xi32>
      %swap3A_338 = arith.constant 5 : index
      %swap3A_339 = arith.constant 0 : index
      %swap3A_340 = vector.load %arg4[%swap3A_338, %swap3A_339] : memref<8x128xi32, #tpu.memory_space<vmem>>, vector<1x128xi32>
      tpu.vector_store %arg4[%swap3A_338, %swap3A_339], %select_n3A_337 {strides = array<i32>} : memref<8x128xi32, #tpu.memory_space<vmem>>, vector<1x128xi32>,
      %eq3A_341 = vector.broadcast %while3A_243 : i32 to vector<1x128xi32>
      %eq3A_342 = arith.cmpi eq, %iota3A_15, %eq3A_341 : vector<1x128xi32>
      %get3A_343 = arith.constant 5 : index
      %get3A_344 = arith.constant 0 : index
      %get3A_345 = vector.load %arg5[%get3A_343, %get3A_344] : memref<8x128xi32, #tpu.memory_space<vmem>>, vector<1x128xi32>
      %broadcast_in_dim3A_346 = vector.broadcast %add3A_320 : i32 to vector<1x128xi32>
      %select_n3A_347 = arith.select %eq3A_342, %broadcast_in_dim3A_346, %get3A_345 : vector<1x128xi1>, vector<1x128xi32>
      %swap3A_348 = arith.constant 5 : index
      %swap3A_349 = arith.constant 0 : index
      %swap3A_350 = vector.load %arg5[%swap3A_348, %swap3A_349] : memref<8x128xi32, #tpu.memory_space<vmem>>, vector<1x128xi32>
      tpu.vector_store %arg5[%swap3A_348, %swap3A_349], %select_n3A_347 {strides = array<i32>} : memref<8x128xi32, #tpu.memory_space<vmem>>, vector<1x128xi32>,
      %eq3A_351 = vector.broadcast %convert_element_type3A_301 : i32 to vector<1x128xi32>
      %eq3A_352 = arith.cmpi eq, %iota3A_15, %eq3A_351 : vector<1x128xi32>
      %jit3A_353 = arith.constant 0xFFF0000000000000 : f64
      %convert_element_type3A_354 = arith.truncf %jit3A_353 : f64 to f32
      %broadcast_in_dim3A_355 = vector.broadcast %convert_element_type3A_354 : f32 to vector<1x128xf32>
      %select_n3A_356 = arith.select %eq3A_352, %broadcast_in_dim3A_355, %get3A_289 : vector<1x128xi1>, vector<1x128xf32>
      %swap3A_357 = arith.index_cast %select_n3A_281 : i32 to index
      %swap3A_358 = arith.index_cast %sub3A_284 : i32 to index
      %swap3A_359 = arith.constant 0 : index
      %swap3A_360 = vector.load %arg6[%swap3A_357, %swap3A_358, %swap3A_359] : memref<157x128x128xf32, #tpu.memory_space<vmem>>, vector<1x1x128xf32>
      %swap3A_361 = vector.shape_cast %swap3A_360 : vector<1x1x128xf32> to vector<1x128xf32>
      %swap3A_362 = vector.shape_cast %select_n3A_356 : vector<1x128xf32> to vector<1x1x128xf32>
      tpu.vector_store %arg6[%swap3A_357, %swap3A_358, %swap3A_359], %swap3A_362 {strides = array<i32>} : memref<157x128x128xf32, #tpu.memory_space<vmem>>, vector<1x1x128xf32>,
      %reduce_max3A_363 = vector.shape_cast %select_n3A_356 : vector<1x128xf32> to vector<1x1x128xf32>
      %reduce_max3A_364 = arith.constant dense<0xFF800000> : vector<1xf32>
      %reduce_max3A_365 = vector.multi_reduction <maximumf>, %reduce_max3A_363, %reduce_max3A_364 [1, 2] : vector<1x1x128xf32> to vector<1xf32>
      %reduce_max3A_366 = vector.shape_cast %reduce_max3A_365 : vector<1xf32> to vector<1x1x1xf32>
      %reduce_max3A_367 = vector.extract %reduce_max3A_366[0, 0, 0] : f32 from vector<1x1x1xf32>
      %eq3A_368 = vector.broadcast %sub3A_284 : i32 to vector<1x128xi32>
      %eq3A_369 = arith.cmpi eq, %iota3A_15, %eq3A_368 : vector<1x128xi32>
      %get3A_370 = arith.index_cast %select_n3A_281 : i32 to index
      %get3A_371 = arith.constant 0 : index
      %get3A_372 = vector.load %arg8[%get3A_370, %get3A_371] : memref<157x128xf32, #tpu.memory_space<vmem>>, vector<1x128xf32>
      %broadcast_in_dim3A_373 = vector.broadcast %reduce_max3A_367 : f32 to vector<1x128xf32>
      %select_n3A_374 = arith.select %eq3A_369, %broadcast_in_dim3A_373, %get3A_372 : vector<1x128xi1>, vector<1x128xf32>
      %swap3A_375 = arith.index_cast %select_n3A_281 : i32 to index
      %swap3A_376 = arith.constant 0 : index
      %swap3A_377 = vector.load %arg8[%swap3A_375, %swap3A_376] : memref<157x128xf32, #tpu.memory_space<vmem>>, vector<1x128xf32>
      tpu.vector_store %arg8[%swap3A_375, %swap3A_376], %select_n3A_374 {strides = array<i32>} : memref<157x128xf32, #tpu.memory_space<vmem>>, vector<1x128xf32>,
      %while3A_378 = arith.constant 0 : i64
      scf.yield %while3A_378 : i64
    }
    %get3A_185 = arith.constant 0 : index
    %get3A_186 = arith.constant 0 : index
    %get3A_187 = vector.load %arg1[%get3A_185, %get3A_186] : memref<157x128xi32, #tpu.memory_space<vmem>>, vector<157x128xi32>
    %eq3A_188 = arith.constant 6 : i32
    %eq3A_189 = vector.broadcast %eq3A_188 : i32 to vector<157x128xi32>
    %eq3A_190 = arith.cmpi eq, %get3A_187, %eq3A_189 : vector<157x128xi32>
    %get3A_191 = arith.constant 0 : index
    %get3A_192 = arith.constant 0 : index
    %get3A_193 = vector.load %arg7[%get3A_191, %get3A_192] : memref<157x128xf32, #tpu.memory_space<vmem>>, vector<157x128xf32>
    %jit3A_194 = arith.constant 0xFFF0000000000000 : f64
    %convert_element_type3A_195 = arith.truncf %jit3A_194 : f64 to f32
    %broadcast_in_dim3A_196 = vector.broadcast %convert_element_type3A_195 : f32 to vector<157x128xf32>
    %select_n3A_197 = arith.select %eq3A_190, %get3A_193, %broadcast_in_dim3A_196 : vector<157x128xi1>, vector<157x128xf32>
    %swap3A_198 = arith.constant 0 : index
    %swap3A_199 = arith.constant 0 : index
    %swap3A_200 = vector.load %arg8[%swap3A_198, %swap3A_199] : memref<157x128xf32, #tpu.memory_space<vmem>>, vector<157x128xf32>
    tpu.vector_store %arg8[%swap3A_198, %swap3A_199], %select_n3A_197 {strides = array<i32>} : memref<157x128xf32, #tpu.memory_space<vmem>>, vector<157x128xf32>,
    %while3A_201 = arith.constant 0 : i32
    %while3A_202 = arith.constant 100 : i32
    %while3A_203 = arith.constant 0 : i64
    %while3A_204 = arith.subi %while3A_202, %while3A_201 : i32
    %while3A_205 = arith.addi %while3A_201, %while3A_204 : i32
    %while3A_206 = arith.constant 1 : i32
    %while3A_207 = arith.divsi %while3A_204, %while3A_206 : i32
    %while3A_208 = arith.muli %while3A_207, %while3A_206 : i32
    %while3A_209 = arith.addi %while3A_201, %while3A_208 : i32
    %while3A_210 = arith.constant 1 : i32
    %while3A_211 = scf.for %while3A_243 = %while3A_201 to %while3A_209 step %while3A_210 iter_args(%while3A_244 = %while3A_203) -> (i64)  : i32 {
      %get3A_245 = arith.constant 0 : index
      %get3A_246 = arith.constant 0 : index
      %get3A_247 = vector.load %arg8[%get3A_245, %get3A_246] : memref<157x128xf32, #tpu.memory_space<vmem>>, vector<157x128xf32>
      %reduce_max3A = vector.shape_cast %get3A_247 : vector<157x128xf32> to vector<1x157x128xf32>
      %reduce_max3A_248 = arith.constant dense<0xFF800000> : vector<1xf32>
      %reduce_max3A_249 = vector.multi_reduction <maximumf>, %reduce_max3A, %reduce_max3A_248 [1, 2] : vector<1x157x128xf32> to vector<1xf32>
      %reduce_max3A_250 = vector.shape_cast %reduce_max3A_249 : vector<1xf32> to vector<1x1x1xf32>
      %reduce_max3A_251 = vector.extract %reduce_max3A_250[0, 0, 0] : f32 from vector<1x1x1xf32>
      %eq3A_252 = vector.broadcast %reduce_max3A_251 : f32 to vector<157x128xf32>
      %eq3A_253 = arith.cmpf oeq, %get3A_247, %eq3A_252 : vector<157x128xf32>
      %jit3A_254 = arith.constant 1.000000e+09 : f64
      %convert_element_type3A_255 = arith.truncf %jit3A_254 : f64 to f32
      %broadcast_in_dim3A_256 = vector.broadcast %convert_element_type3A_255 : f32 to vector<157x128xf32>
      %select_n3A_257 = arith.select %eq3A_253, %convert_element_type3A, %broadcast_in_dim3A_256 : vector<157x128xi1>, vector<157x128xf32>
      %reduce_min3A = vector.shape_cast %select_n3A_257 : vector<157x128xf32> to vector<1x157x128xf32>
      %reduce_min3A_258 = arith.constant dense<0x7F800000> : vector<1xf32>
      %reduce_min3A_259 = vector.multi_reduction <minimumf>, %reduce_min3A, %reduce_min3A_258 [1, 2] : vector<1x157x128xf32> to vector<1xf32>
      %reduce_min3A_260 = vector.shape_cast %reduce_min3A_259 : vector<1xf32> to vector<1x1x1xf32>
      %reduce_min3A_261 = vector.extract %reduce_min3A_260[0, 0, 0] : f32 from vector<1x1x1xf32>
      %convert_element_type3A_262 = arith.fptosi %reduce_min3A_261 : f32 to i32
      %jit3A_263 = arith.constant 128 : i64
      %convert_element_type3A_264 = arith.trunci %jit3A_263 : i64 to i32
      %div3A = arith.divsi %convert_element_type3A_262, %convert_element_type3A_264 : i32
      %sign3A = arith.constant 0 : i32
      %sign3A_265 = arith.cmpi sgt, %convert_element_type3A_262, %sign3A : i32
      %sign3A_266 = arith.extui %sign3A_265 : i1 to i32
      %sign3A_267 = arith.constant 0 : i32
      %sign3A_268 = arith.cmpi slt, %convert_element_type3A_262, %sign3A_267 : i32
      %sign3A_269 = arith.extui %sign3A_268 : i1 to i32
      %sign3A_270 = arith.subi %sign3A_266, %sign3A_269 : i32
      %sign3A_271 = arith.constant 0 : i32
      %sign3A_272 = arith.cmpi sgt, %convert_element_type3A_264, %sign3A_271 : i32
      %sign3A_273 = arith.extui %sign3A_272 : i1 to i32
      %sign3A_274 = arith.constant 0 : i32
      %sign3A_275 = arith.cmpi slt, %convert_element_type3A_264, %sign3A_274 : i32
      %sign3A_276 = arith.extui %sign3A_275 : i1 to i32
      %sign3A_277 = arith.subi %sign3A_273, %sign3A_276 : i32
      %ne3A = arith.cmpi ne, %sign3A_270, %sign3A_277 : i32
      %rem3A = arith.remsi %convert_element_type3A_262, %convert_element_type3A_264 : i32
      %ne3A_278 = arith.constant 0 : i32
      %ne3A_279 = arith.cmpi ne, %rem3A, %ne3A_278 : i32
      %and3A = arith.andi %ne3A, %ne3A_279 : i1
      %sub3A = arith.constant 1 : i32
      %sub3A_280 = arith.subi %div3A, %sub3A : i32
      %select_n3A_281 = arith.select %and3A, %sub3A_280, %div3A : i32
      %mul3A_282 = arith.constant 128 : i32
      %mul3A_283 = arith.muli %select_n3A_281, %mul3A_282 : i32
      %sub3A_284 = arith.subi %convert_element_type3A_262, %mul3A_283 : i32
      %get3A_285 = arith.index_cast %select_n3A_281 : i32 to index
      %get3A_286 = arith.index_cast %sub3A_284 : i32 to index
      %get3A_287 = arith.constant 0 : index
      %get3A_288 = vector.load %arg6[%get3A_285, %get3A_286, %get3A_287] : memref<157x128x128xf32, #tpu.memory_space<vmem>>, vector<1x1x128xf32>
      %get3A_289 = vector.shape_cast %get3A_288 : vector<1x1x128xf32> to vector<1x128xf32>
      %eq3A_290 = vector.broadcast %reduce_max3A_251 : f32 to vector<1x128xf32>
      %eq3A_291 = arith.cmpf oeq, %get3A_289, %eq3A_290 : vector<1x128xf32>
      %jit3A_292 = arith.constant 1.000000e+09 : f64
      %convert_element_type3A_293 = arith.truncf %jit3A_292 : f64 to f32
      %broadcast_in_dim3A_294 = vector.broadcast %convert_element_type3A_293 : f32 to vector<1x128xf32>
      %select_n3A_295 = arith.select %eq3A_291, %convert_element_type3A_16, %broadcast_in_dim3A_294 : vector<1x128xi1>, vector<1x128xf32>
      %reduce_min3A_296 = vector.shape_cast %select_n3A_295 : vector<1x128xf32> to vector<1x1x128xf32>
      %reduce_min3A_297 = arith.constant dense<0x7F800000> : vector<1xf32>
      %reduce_min3A_298 = vector.multi_reduction <minimumf>, %reduce_min3A_296, %reduce_min3A_297 [1, 2] : vector<1x1x128xf32> to vector<1xf32>
      %reduce_min3A_299 = vector.shape_cast %reduce_min3A_298 : vector<1xf32> to vector<1x1x1xf32>
      %reduce_min3A_300 = vector.extract %reduce_min3A_299[0, 0, 0] : f32 from vector<1x1x1xf32>
      %convert_element_type3A_301 = arith.fptosi %reduce_min3A_300 : f32 to i32
      %get3A_302 = arith.index_cast %select_n3A_281 : i32 to index
      %get3A_303 = arith.constant 0 : index
      %get3A_304 = vector.load %arg2[%get3A_302, %get3A_303] : memref<157x128xi32, #tpu.memory_space<vmem>>, vector<1x128xi32>
      %convert_element_type3A_305 = arith.sitofp %get3A_304 : vector<1x128xi32> to vector<1x128xf32>
      %eq3A_306 = vector.broadcast %sub3A_284 : i32 to vector<1x128xi32>
      %eq3A_307 = arith.cmpi eq, %iota3A_15, %eq3A_306 : vector<1x128xi32>
      %jit3A_308 = arith.constant -1.000000e+00 : f64
      %convert_element_type3A_309 = arith.truncf %jit3A_308 : f64 to f32
      %broadcast_in_dim3A_310 = vector.broadcast %convert_element_type3A_309 : f32 to vector<1x128xf32>
      %select_n3A_311 = arith.select %eq3A_307, %convert_element_type3A_305, %broadcast_in_dim3A_310 : vector<1x128xi1>, vector<1x128xf32>
      %reduce_max3A_312 = vector.shape_cast %select_n3A_311 : vector<1x128xf32> to vector<1x1x128xf32>
      %reduce_max3A_313 = arith.constant dense<0xFF800000> : vector<1xf32>
      %reduce_max3A_314 = vector.multi_reduction <maximumf>, %reduce_max3A_312, %reduce_max3A_313 [1, 2] : vector<1x1x128xf32> to vector<1xf32>
      %reduce_max3A_315 = vector.shape_cast %reduce_max3A_314 : vector<1xf32> to vector<1x1x1xf32>
      %reduce_max3A_316 = vector.extract %reduce_max3A_315[0, 0, 0] : f32 from vector<1x1x1xf32>
      %convert_element_type3A_317 = arith.fptosi %reduce_max3A_316 : f32 to i32
      %mul3A_318 = arith.constant 100 : i32
      %mul3A_319 = arith.muli %convert_element_type3A_262, %mul3A_318 : i32
      %add3A_320 = arith.addi %mul3A_319, %convert_element_type3A_301 : i32
      %eq3A_321 = vector.broadcast %while3A_243 : i32 to vector<1x128xi32>
      %eq3A_322 = arith.cmpi eq, %iota3A_15, %eq3A_321 : vector<1x128xi32>
      %get3A_323 = arith.constant 6 : index
      %get3A_324 = arith.constant 0 : index
      %get3A_325 = vector.load %arg3[%get3A_323, %get3A_324] : memref<8x128xf32, #tpu.memory_space<vmem>>, vector<1x128xf32>
      %broadcast_in_dim3A_326 = vector.broadcast %reduce_max3A_251 : f32 to vector<1x128xf32>
      %select_n3A_327 = arith.select %eq3A_322, %broadcast_in_dim3A_326, %get3A_325 : vector<1x128xi1>, vector<1x128xf32>
      %swap3A_328 = arith.constant 6 : index
      %swap3A_329 = arith.constant 0 : index
      %swap3A_330 = vector.load %arg3[%swap3A_328, %swap3A_329] : memref<8x128xf32, #tpu.memory_space<vmem>>, vector<1x128xf32>
      tpu.vector_store %arg3[%swap3A_328, %swap3A_329], %select_n3A_327 {strides = array<i32>} : memref<8x128xf32, #tpu.memory_space<vmem>>, vector<1x128xf32>,
      %eq3A_331 = vector.broadcast %while3A_243 : i32 to vector<1x128xi32>
      %eq3A_332 = arith.cmpi eq, %iota3A_15, %eq3A_331 : vector<1x128xi32>
      %get3A_333 = arith.constant 6 : index
      %get3A_334 = arith.constant 0 : index
      %get3A_335 = vector.load %arg4[%get3A_333, %get3A_334] : memref<8x128xi32, #tpu.memory_space<vmem>>, vector<1x128xi32>
      %broadcast_in_dim3A_336 = vector.broadcast %convert_element_type3A_317 : i32 to vector<1x128xi32>
      %select_n3A_337 = arith.select %eq3A_332, %broadcast_in_dim3A_336, %get3A_335 : vector<1x128xi1>, vector<1x128xi32>
      %swap3A_338 = arith.constant 6 : index
      %swap3A_339 = arith.constant 0 : index
      %swap3A_340 = vector.load %arg4[%swap3A_338, %swap3A_339] : memref<8x128xi32, #tpu.memory_space<vmem>>, vector<1x128xi32>
      tpu.vector_store %arg4[%swap3A_338, %swap3A_339], %select_n3A_337 {strides = array<i32>} : memref<8x128xi32, #tpu.memory_space<vmem>>, vector<1x128xi32>,
      %eq3A_341 = vector.broadcast %while3A_243 : i32 to vector<1x128xi32>
      %eq3A_342 = arith.cmpi eq, %iota3A_15, %eq3A_341 : vector<1x128xi32>
      %get3A_343 = arith.constant 6 : index
      %get3A_344 = arith.constant 0 : index
      %get3A_345 = vector.load %arg5[%get3A_343, %get3A_344] : memref<8x128xi32, #tpu.memory_space<vmem>>, vector<1x128xi32>
      %broadcast_in_dim3A_346 = vector.broadcast %add3A_320 : i32 to vector<1x128xi32>
      %select_n3A_347 = arith.select %eq3A_342, %broadcast_in_dim3A_346, %get3A_345 : vector<1x128xi1>, vector<1x128xi32>
      %swap3A_348 = arith.constant 6 : index
      %swap3A_349 = arith.constant 0 : index
      %swap3A_350 = vector.load %arg5[%swap3A_348, %swap3A_349] : memref<8x128xi32, #tpu.memory_space<vmem>>, vector<1x128xi32>
      tpu.vector_store %arg5[%swap3A_348, %swap3A_349], %select_n3A_347 {strides = array<i32>} : memref<8x128xi32, #tpu.memory_space<vmem>>, vector<1x128xi32>,
      %eq3A_351 = vector.broadcast %convert_element_type3A_301 : i32 to vector<1x128xi32>
      %eq3A_352 = arith.cmpi eq, %iota3A_15, %eq3A_351 : vector<1x128xi32>
      %jit3A_353 = arith.constant 0xFFF0000000000000 : f64
      %convert_element_type3A_354 = arith.truncf %jit3A_353 : f64 to f32
      %broadcast_in_dim3A_355 = vector.broadcast %convert_element_type3A_354 : f32 to vector<1x128xf32>
      %select_n3A_356 = arith.select %eq3A_352, %broadcast_in_dim3A_355, %get3A_289 : vector<1x128xi1>, vector<1x128xf32>
      %swap3A_357 = arith.index_cast %select_n3A_281 : i32 to index
      %swap3A_358 = arith.index_cast %sub3A_284 : i32 to index
      %swap3A_359 = arith.constant 0 : index
      %swap3A_360 = vector.load %arg6[%swap3A_357, %swap3A_358, %swap3A_359] : memref<157x128x128xf32, #tpu.memory_space<vmem>>, vector<1x1x128xf32>
      %swap3A_361 = vector.shape_cast %swap3A_360 : vector<1x1x128xf32> to vector<1x128xf32>
      %swap3A_362 = vector.shape_cast %select_n3A_356 : vector<1x128xf32> to vector<1x1x128xf32>
      tpu.vector_store %arg6[%swap3A_357, %swap3A_358, %swap3A_359], %swap3A_362 {strides = array<i32>} : memref<157x128x128xf32, #tpu.memory_space<vmem>>, vector<1x1x128xf32>,
      %reduce_max3A_363 = vector.shape_cast %select_n3A_356 : vector<1x128xf32> to vector<1x1x128xf32>
      %reduce_max3A_364 = arith.constant dense<0xFF800000> : vector<1xf32>
      %reduce_max3A_365 = vector.multi_reduction <maximumf>, %reduce_max3A_363, %reduce_max3A_364 [1, 2] : vector<1x1x128xf32> to vector<1xf32>
      %reduce_max3A_366 = vector.shape_cast %reduce_max3A_365 : vector<1xf32> to vector<1x1x1xf32>
      %reduce_max3A_367 = vector.extract %reduce_max3A_366[0, 0, 0] : f32 from vector<1x1x1xf32>
      %eq3A_368 = vector.broadcast %sub3A_284 : i32 to vector<1x128xi32>
      %eq3A_369 = arith.cmpi eq, %iota3A_15, %eq3A_368 : vector<1x128xi32>
      %get3A_370 = arith.index_cast %select_n3A_281 : i32 to index
      %get3A_371 = arith.constant 0 : index
      %get3A_372 = vector.load %arg8[%get3A_370, %get3A_371] : memref<157x128xf32, #tpu.memory_space<vmem>>, vector<1x128xf32>
      %broadcast_in_dim3A_373 = vector.broadcast %reduce_max3A_367 : f32 to vector<1x128xf32>
      %select_n3A_374 = arith.select %eq3A_369, %broadcast_in_dim3A_373, %get3A_372 : vector<1x128xi1>, vector<1x128xf32>
      %swap3A_375 = arith.index_cast %select_n3A_281 : i32 to index
      %swap3A_376 = arith.constant 0 : index
      %swap3A_377 = vector.load %arg8[%swap3A_375, %swap3A_376] : memref<157x128xf32, #tpu.memory_space<vmem>>, vector<1x128xf32>
      tpu.vector_store %arg8[%swap3A_375, %swap3A_376], %select_n3A_374 {strides = array<i32>} : memref<157x128xf32, #tpu.memory_space<vmem>>, vector<1x128xf32>,
      %while3A_378 = arith.constant 0 : i64
      scf.yield %while3A_378 : i64
    }
    %while3A_212 = arith.constant 1 : i32
    %while3A_213 = scf.for %while3A_243 = %while3A_209 to %while3A_205 step %while3A_212 iter_args(%while3A_244 = %while3A_211) -> (i64)  : i32 {
      %get3A_245 = arith.constant 0 : index
      %get3A_246 = arith.constant 0 : index
      %get3A_247 = vector.load %arg8[%get3A_245, %get3A_246] : memref<157x128xf32, #tpu.memory_space<vmem>>, vector<157x128xf32>
      %reduce_max3A = vector.shape_cast %get3A_247 : vector<157x128xf32> to vector<1x157x128xf32>
      %reduce_max3A_248 = arith.constant dense<0xFF800000> : vector<1xf32>
      %reduce_max3A_249 = vector.multi_reduction <maximumf>, %reduce_max3A, %reduce_max3A_248 [1, 2] : vector<1x157x128xf32> to vector<1xf32>
      %reduce_max3A_250 = vector.shape_cast %reduce_max3A_249 : vector<1xf32> to vector<1x1x1xf32>
      %reduce_max3A_251 = vector.extract %reduce_max3A_250[0, 0, 0] : f32 from vector<1x1x1xf32>
      %eq3A_252 = vector.broadcast %reduce_max3A_251 : f32 to vector<157x128xf32>
      %eq3A_253 = arith.cmpf oeq, %get3A_247, %eq3A_252 : vector<157x128xf32>
      %jit3A_254 = arith.constant 1.000000e+09 : f64
      %convert_element_type3A_255 = arith.truncf %jit3A_254 : f64 to f32
      %broadcast_in_dim3A_256 = vector.broadcast %convert_element_type3A_255 : f32 to vector<157x128xf32>
      %select_n3A_257 = arith.select %eq3A_253, %convert_element_type3A, %broadcast_in_dim3A_256 : vector<157x128xi1>, vector<157x128xf32>
      %reduce_min3A = vector.shape_cast %select_n3A_257 : vector<157x128xf32> to vector<1x157x128xf32>
      %reduce_min3A_258 = arith.constant dense<0x7F800000> : vector<1xf32>
      %reduce_min3A_259 = vector.multi_reduction <minimumf>, %reduce_min3A, %reduce_min3A_258 [1, 2] : vector<1x157x128xf32> to vector<1xf32>
      %reduce_min3A_260 = vector.shape_cast %reduce_min3A_259 : vector<1xf32> to vector<1x1x1xf32>
      %reduce_min3A_261 = vector.extract %reduce_min3A_260[0, 0, 0] : f32 from vector<1x1x1xf32>
      %convert_element_type3A_262 = arith.fptosi %reduce_min3A_261 : f32 to i32
      %jit3A_263 = arith.constant 128 : i64
      %convert_element_type3A_264 = arith.trunci %jit3A_263 : i64 to i32
      %div3A = arith.divsi %convert_element_type3A_262, %convert_element_type3A_264 : i32
      %sign3A = arith.constant 0 : i32
      %sign3A_265 = arith.cmpi sgt, %convert_element_type3A_262, %sign3A : i32
      %sign3A_266 = arith.extui %sign3A_265 : i1 to i32
      %sign3A_267 = arith.constant 0 : i32
      %sign3A_268 = arith.cmpi slt, %convert_element_type3A_262, %sign3A_267 : i32
      %sign3A_269 = arith.extui %sign3A_268 : i1 to i32
      %sign3A_270 = arith.subi %sign3A_266, %sign3A_269 : i32
      %sign3A_271 = arith.constant 0 : i32
      %sign3A_272 = arith.cmpi sgt, %convert_element_type3A_264, %sign3A_271 : i32
      %sign3A_273 = arith.extui %sign3A_272 : i1 to i32
      %sign3A_274 = arith.constant 0 : i32
      %sign3A_275 = arith.cmpi slt, %convert_element_type3A_264, %sign3A_274 : i32
      %sign3A_276 = arith.extui %sign3A_275 : i1 to i32
      %sign3A_277 = arith.subi %sign3A_273, %sign3A_276 : i32
      %ne3A = arith.cmpi ne, %sign3A_270, %sign3A_277 : i32
      %rem3A = arith.remsi %convert_element_type3A_262, %convert_element_type3A_264 : i32
      %ne3A_278 = arith.constant 0 : i32
      %ne3A_279 = arith.cmpi ne, %rem3A, %ne3A_278 : i32
      %and3A = arith.andi %ne3A, %ne3A_279 : i1
      %sub3A = arith.constant 1 : i32
      %sub3A_280 = arith.subi %div3A, %sub3A : i32
      %select_n3A_281 = arith.select %and3A, %sub3A_280, %div3A : i32
      %mul3A_282 = arith.constant 128 : i32
      %mul3A_283 = arith.muli %select_n3A_281, %mul3A_282 : i32
      %sub3A_284 = arith.subi %convert_element_type3A_262, %mul3A_283 : i32
      %get3A_285 = arith.index_cast %select_n3A_281 : i32 to index
      %get3A_286 = arith.index_cast %sub3A_284 : i32 to index
      %get3A_287 = arith.constant 0 : index
      %get3A_288 = vector.load %arg6[%get3A_285, %get3A_286, %get3A_287] : memref<157x128x128xf32, #tpu.memory_space<vmem>>, vector<1x1x128xf32>
      %get3A_289 = vector.shape_cast %get3A_288 : vector<1x1x128xf32> to vector<1x128xf32>
      %eq3A_290 = vector.broadcast %reduce_max3A_251 : f32 to vector<1x128xf32>
      %eq3A_291 = arith.cmpf oeq, %get3A_289, %eq3A_290 : vector<1x128xf32>
      %jit3A_292 = arith.constant 1.000000e+09 : f64
      %convert_element_type3A_293 = arith.truncf %jit3A_292 : f64 to f32
      %broadcast_in_dim3A_294 = vector.broadcast %convert_element_type3A_293 : f32 to vector<1x128xf32>
      %select_n3A_295 = arith.select %eq3A_291, %convert_element_type3A_16, %broadcast_in_dim3A_294 : vector<1x128xi1>, vector<1x128xf32>
      %reduce_min3A_296 = vector.shape_cast %select_n3A_295 : vector<1x128xf32> to vector<1x1x128xf32>
      %reduce_min3A_297 = arith.constant dense<0x7F800000> : vector<1xf32>
      %reduce_min3A_298 = vector.multi_reduction <minimumf>, %reduce_min3A_296, %reduce_min3A_297 [1, 2] : vector<1x1x128xf32> to vector<1xf32>
      %reduce_min3A_299 = vector.shape_cast %reduce_min3A_298 : vector<1xf32> to vector<1x1x1xf32>
      %reduce_min3A_300 = vector.extract %reduce_min3A_299[0, 0, 0] : f32 from vector<1x1x1xf32>
      %convert_element_type3A_301 = arith.fptosi %reduce_min3A_300 : f32 to i32
      %get3A_302 = arith.index_cast %select_n3A_281 : i32 to index
      %get3A_303 = arith.constant 0 : index
      %get3A_304 = vector.load %arg2[%get3A_302, %get3A_303] : memref<157x128xi32, #tpu.memory_space<vmem>>, vector<1x128xi32>
      %convert_element_type3A_305 = arith.sitofp %get3A_304 : vector<1x128xi32> to vector<1x128xf32>
      %eq3A_306 = vector.broadcast %sub3A_284 : i32 to vector<1x128xi32>
      %eq3A_307 = arith.cmpi eq, %iota3A_15, %eq3A_306 : vector<1x128xi32>
      %jit3A_308 = arith.constant -1.000000e+00 : f64
      %convert_element_type3A_309 = arith.truncf %jit3A_308 : f64 to f32
      %broadcast_in_dim3A_310 = vector.broadcast %convert_element_type3A_309 : f32 to vector<1x128xf32>
      %select_n3A_311 = arith.select %eq3A_307, %convert_element_type3A_305, %broadcast_in_dim3A_310 : vector<1x128xi1>, vector<1x128xf32>
      %reduce_max3A_312 = vector.shape_cast %select_n3A_311 : vector<1x128xf32> to vector<1x1x128xf32>
      %reduce_max3A_313 = arith.constant dense<0xFF800000> : vector<1xf32>
      %reduce_max3A_314 = vector.multi_reduction <maximumf>, %reduce_max3A_312, %reduce_max3A_313 [1, 2] : vector<1x1x128xf32> to vector<1xf32>
      %reduce_max3A_315 = vector.shape_cast %reduce_max3A_314 : vector<1xf32> to vector<1x1x1xf32>
      %reduce_max3A_316 = vector.extract %reduce_max3A_315[0, 0, 0] : f32 from vector<1x1x1xf32>
      %convert_element_type3A_317 = arith.fptosi %reduce_max3A_316 : f32 to i32
      %mul3A_318 = arith.constant 100 : i32
      %mul3A_319 = arith.muli %convert_element_type3A_262, %mul3A_318 : i32
      %add3A_320 = arith.addi %mul3A_319, %convert_element_type3A_301 : i32
      %eq3A_321 = vector.broadcast %while3A_243 : i32 to vector<1x128xi32>
      %eq3A_322 = arith.cmpi eq, %iota3A_15, %eq3A_321 : vector<1x128xi32>
      %get3A_323 = arith.constant 6 : index
      %get3A_324 = arith.constant 0 : index
      %get3A_325 = vector.load %arg3[%get3A_323, %get3A_324] : memref<8x128xf32, #tpu.memory_space<vmem>>, vector<1x128xf32>
      %broadcast_in_dim3A_326 = vector.broadcast %reduce_max3A_251 : f32 to vector<1x128xf32>
      %select_n3A_327 = arith.select %eq3A_322, %broadcast_in_dim3A_326, %get3A_325 : vector<1x128xi1>, vector<1x128xf32>
      %swap3A_328 = arith.constant 6 : index
      %swap3A_329 = arith.constant 0 : index
      %swap3A_330 = vector.load %arg3[%swap3A_328, %swap3A_329] : memref<8x128xf32, #tpu.memory_space<vmem>>, vector<1x128xf32>
      tpu.vector_store %arg3[%swap3A_328, %swap3A_329], %select_n3A_327 {strides = array<i32>} : memref<8x128xf32, #tpu.memory_space<vmem>>, vector<1x128xf32>,
      %eq3A_331 = vector.broadcast %while3A_243 : i32 to vector<1x128xi32>
      %eq3A_332 = arith.cmpi eq, %iota3A_15, %eq3A_331 : vector<1x128xi32>
      %get3A_333 = arith.constant 6 : index
      %get3A_334 = arith.constant 0 : index
      %get3A_335 = vector.load %arg4[%get3A_333, %get3A_334] : memref<8x128xi32, #tpu.memory_space<vmem>>, vector<1x128xi32>
      %broadcast_in_dim3A_336 = vector.broadcast %convert_element_type3A_317 : i32 to vector<1x128xi32>
      %select_n3A_337 = arith.select %eq3A_332, %broadcast_in_dim3A_336, %get3A_335 : vector<1x128xi1>, vector<1x128xi32>
      %swap3A_338 = arith.constant 6 : index
      %swap3A_339 = arith.constant 0 : index
      %swap3A_340 = vector.load %arg4[%swap3A_338, %swap3A_339] : memref<8x128xi32, #tpu.memory_space<vmem>>, vector<1x128xi32>
      tpu.vector_store %arg4[%swap3A_338, %swap3A_339], %select_n3A_337 {strides = array<i32>} : memref<8x128xi32, #tpu.memory_space<vmem>>, vector<1x128xi32>,
      %eq3A_341 = vector.broadcast %while3A_243 : i32 to vector<1x128xi32>
      %eq3A_342 = arith.cmpi eq, %iota3A_15, %eq3A_341 : vector<1x128xi32>
      %get3A_343 = arith.constant 6 : index
      %get3A_344 = arith.constant 0 : index
      %get3A_345 = vector.load %arg5[%get3A_343, %get3A_344] : memref<8x128xi32, #tpu.memory_space<vmem>>, vector<1x128xi32>
      %broadcast_in_dim3A_346 = vector.broadcast %add3A_320 : i32 to vector<1x128xi32>
      %select_n3A_347 = arith.select %eq3A_342, %broadcast_in_dim3A_346, %get3A_345 : vector<1x128xi1>, vector<1x128xi32>
      %swap3A_348 = arith.constant 6 : index
      %swap3A_349 = arith.constant 0 : index
      %swap3A_350 = vector.load %arg5[%swap3A_348, %swap3A_349] : memref<8x128xi32, #tpu.memory_space<vmem>>, vector<1x128xi32>
      tpu.vector_store %arg5[%swap3A_348, %swap3A_349], %select_n3A_347 {strides = array<i32>} : memref<8x128xi32, #tpu.memory_space<vmem>>, vector<1x128xi32>,
      %eq3A_351 = vector.broadcast %convert_element_type3A_301 : i32 to vector<1x128xi32>
      %eq3A_352 = arith.cmpi eq, %iota3A_15, %eq3A_351 : vector<1x128xi32>
      %jit3A_353 = arith.constant 0xFFF0000000000000 : f64
      %convert_element_type3A_354 = arith.truncf %jit3A_353 : f64 to f32
      %broadcast_in_dim3A_355 = vector.broadcast %convert_element_type3A_354 : f32 to vector<1x128xf32>
      %select_n3A_356 = arith.select %eq3A_352, %broadcast_in_dim3A_355, %get3A_289 : vector<1x128xi1>, vector<1x128xf32>
      %swap3A_357 = arith.index_cast %select_n3A_281 : i32 to index
      %swap3A_358 = arith.index_cast %sub3A_284 : i32 to index
      %swap3A_359 = arith.constant 0 : index
      %swap3A_360 = vector.load %arg6[%swap3A_357, %swap3A_358, %swap3A_359] : memref<157x128x128xf32, #tpu.memory_space<vmem>>, vector<1x1x128xf32>
      %swap3A_361 = vector.shape_cast %swap3A_360 : vector<1x1x128xf32> to vector<1x128xf32>
      %swap3A_362 = vector.shape_cast %select_n3A_356 : vector<1x128xf32> to vector<1x1x128xf32>
      tpu.vector_store %arg6[%swap3A_357, %swap3A_358, %swap3A_359], %swap3A_362 {strides = array<i32>} : memref<157x128x128xf32, #tpu.memory_space<vmem>>, vector<1x1x128xf32>,
      %reduce_max3A_363 = vector.shape_cast %select_n3A_356 : vector<1x128xf32> to vector<1x1x128xf32>
      %reduce_max3A_364 = arith.constant dense<0xFF800000> : vector<1xf32>
      %reduce_max3A_365 = vector.multi_reduction <maximumf>, %reduce_max3A_363, %reduce_max3A_364 [1, 2] : vector<1x1x128xf32> to vector<1xf32>
      %reduce_max3A_366 = vector.shape_cast %reduce_max3A_365 : vector<1xf32> to vector<1x1x1xf32>
      %reduce_max3A_367 = vector.extract %reduce_max3A_366[0, 0, 0] : f32 from vector<1x1x1xf32>
      %eq3A_368 = vector.broadcast %sub3A_284 : i32 to vector<1x128xi32>
      %eq3A_369 = arith.cmpi eq, %iota3A_15, %eq3A_368 : vector<1x128xi32>
      %get3A_370 = arith.index_cast %select_n3A_281 : i32 to index
      %get3A_371 = arith.constant 0 : index
      %get3A_372 = vector.load %arg8[%get3A_370, %get3A_371] : memref<157x128xf32, #tpu.memory_space<vmem>>, vector<1x128xf32>
      %broadcast_in_dim3A_373 = vector.broadcast %reduce_max3A_367 : f32 to vector<1x128xf32>
      %select_n3A_374 = arith.select %eq3A_369, %broadcast_in_dim3A_373, %get3A_372 : vector<1x128xi1>, vector<1x128xf32>
      %swap3A_375 = arith.index_cast %select_n3A_281 : i32 to index
      %swap3A_376 = arith.constant 0 : index
      %swap3A_377 = vector.load %arg8[%swap3A_375, %swap3A_376] : memref<157x128xf32, #tpu.memory_space<vmem>>, vector<1x128xf32>
      tpu.vector_store %arg8[%swap3A_375, %swap3A_376], %select_n3A_374 {strides = array<i32>} : memref<157x128xf32, #tpu.memory_space<vmem>>, vector<1x128xf32>,
      %while3A_378 = arith.constant 0 : i64
      scf.yield %while3A_378 : i64
    }
    %get3A_214 = arith.constant 0 : index
    %get3A_215 = arith.constant 0 : index
    %get3A_216 = vector.load %arg1[%get3A_214, %get3A_215] : memref<157x128xi32, #tpu.memory_space<vmem>>, vector<157x128xi32>
    %eq3A_217 = arith.constant 7 : i32
    %eq3A_218 = vector.broadcast %eq3A_217 : i32 to vector<157x128xi32>
    %eq3A_219 = arith.cmpi eq, %get3A_216, %eq3A_218 : vector<157x128xi32>
    %get3A_220 = arith.constant 0 : index
    %get3A_221 = arith.constant 0 : index
    %get3A_222 = vector.load %arg7[%get3A_220, %get3A_221] : memref<157x128xf32, #tpu.memory_space<vmem>>, vector<157x128xf32>
    %jit3A_223 = arith.constant 0xFFF0000000000000 : f64
    %convert_element_type3A_224 = arith.truncf %jit3A_223 : f64 to f32
    %broadcast_in_dim3A_225 = vector.broadcast %convert_element_type3A_224 : f32 to vector<157x128xf32>
    %select_n3A_226 = arith.select %eq3A_219, %get3A_222, %broadcast_in_dim3A_225 : vector<157x128xi1>, vector<157x128xf32>
    %swap3A_227 = arith.constant 0 : index
    %swap3A_228 = arith.constant 0 : index
    %swap3A_229 = vector.load %arg8[%swap3A_227, %swap3A_228] : memref<157x128xf32, #tpu.memory_space<vmem>>, vector<157x128xf32>
    tpu.vector_store %arg8[%swap3A_227, %swap3A_228], %select_n3A_226 {strides = array<i32>} : memref<157x128xf32, #tpu.memory_space<vmem>>, vector<157x128xf32>,
    %while3A_230 = arith.constant 0 : i32
    %while3A_231 = arith.constant 100 : i32
    %while3A_232 = arith.constant 0 : i64
    %while3A_233 = arith.subi %while3A_231, %while3A_230 : i32
    %while3A_234 = arith.addi %while3A_230, %while3A_233 : i32
    %while3A_235 = arith.constant 1 : i32
    %while3A_236 = arith.divsi %while3A_233, %while3A_235 : i32
    %while3A_237 = arith.muli %while3A_236, %while3A_235 : i32
    %while3A_238 = arith.addi %while3A_230, %while3A_237 : i32
    %while3A_239 = arith.constant 1 : i32
    %while3A_240 = scf.for %while3A_243 = %while3A_230 to %while3A_238 step %while3A_239 iter_args(%while3A_244 = %while3A_232) -> (i64)  : i32 {
      %get3A_245 = arith.constant 0 : index
      %get3A_246 = arith.constant 0 : index
      %get3A_247 = vector.load %arg8[%get3A_245, %get3A_246] : memref<157x128xf32, #tpu.memory_space<vmem>>, vector<157x128xf32>
      %reduce_max3A = vector.shape_cast %get3A_247 : vector<157x128xf32> to vector<1x157x128xf32>
      %reduce_max3A_248 = arith.constant dense<0xFF800000> : vector<1xf32>
      %reduce_max3A_249 = vector.multi_reduction <maximumf>, %reduce_max3A, %reduce_max3A_248 [1, 2] : vector<1x157x128xf32> to vector<1xf32>
      %reduce_max3A_250 = vector.shape_cast %reduce_max3A_249 : vector<1xf32> to vector<1x1x1xf32>
      %reduce_max3A_251 = vector.extract %reduce_max3A_250[0, 0, 0] : f32 from vector<1x1x1xf32>
      %eq3A_252 = vector.broadcast %reduce_max3A_251 : f32 to vector<157x128xf32>
      %eq3A_253 = arith.cmpf oeq, %get3A_247, %eq3A_252 : vector<157x128xf32>
      %jit3A_254 = arith.constant 1.000000e+09 : f64
      %convert_element_type3A_255 = arith.truncf %jit3A_254 : f64 to f32
      %broadcast_in_dim3A_256 = vector.broadcast %convert_element_type3A_255 : f32 to vector<157x128xf32>
      %select_n3A_257 = arith.select %eq3A_253, %convert_element_type3A, %broadcast_in_dim3A_256 : vector<157x128xi1>, vector<157x128xf32>
      %reduce_min3A = vector.shape_cast %select_n3A_257 : vector<157x128xf32> to vector<1x157x128xf32>
      %reduce_min3A_258 = arith.constant dense<0x7F800000> : vector<1xf32>
      %reduce_min3A_259 = vector.multi_reduction <minimumf>, %reduce_min3A, %reduce_min3A_258 [1, 2] : vector<1x157x128xf32> to vector<1xf32>
      %reduce_min3A_260 = vector.shape_cast %reduce_min3A_259 : vector<1xf32> to vector<1x1x1xf32>
      %reduce_min3A_261 = vector.extract %reduce_min3A_260[0, 0, 0] : f32 from vector<1x1x1xf32>
      %convert_element_type3A_262 = arith.fptosi %reduce_min3A_261 : f32 to i32
      %jit3A_263 = arith.constant 128 : i64
      %convert_element_type3A_264 = arith.trunci %jit3A_263 : i64 to i32
      %div3A = arith.divsi %convert_element_type3A_262, %convert_element_type3A_264 : i32
      %sign3A = arith.constant 0 : i32
      %sign3A_265 = arith.cmpi sgt, %convert_element_type3A_262, %sign3A : i32
      %sign3A_266 = arith.extui %sign3A_265 : i1 to i32
      %sign3A_267 = arith.constant 0 : i32
      %sign3A_268 = arith.cmpi slt, %convert_element_type3A_262, %sign3A_267 : i32
      %sign3A_269 = arith.extui %sign3A_268 : i1 to i32
      %sign3A_270 = arith.subi %sign3A_266, %sign3A_269 : i32
      %sign3A_271 = arith.constant 0 : i32
      %sign3A_272 = arith.cmpi sgt, %convert_element_type3A_264, %sign3A_271 : i32
      %sign3A_273 = arith.extui %sign3A_272 : i1 to i32
      %sign3A_274 = arith.constant 0 : i32
      %sign3A_275 = arith.cmpi slt, %convert_element_type3A_264, %sign3A_274 : i32
      %sign3A_276 = arith.extui %sign3A_275 : i1 to i32
      %sign3A_277 = arith.subi %sign3A_273, %sign3A_276 : i32
      %ne3A = arith.cmpi ne, %sign3A_270, %sign3A_277 : i32
      %rem3A = arith.remsi %convert_element_type3A_262, %convert_element_type3A_264 : i32
      %ne3A_278 = arith.constant 0 : i32
      %ne3A_279 = arith.cmpi ne, %rem3A, %ne3A_278 : i32
      %and3A = arith.andi %ne3A, %ne3A_279 : i1
      %sub3A = arith.constant 1 : i32
      %sub3A_280 = arith.subi %div3A, %sub3A : i32
      %select_n3A_281 = arith.select %and3A, %sub3A_280, %div3A : i32
      %mul3A_282 = arith.constant 128 : i32
      %mul3A_283 = arith.muli %select_n3A_281, %mul3A_282 : i32
      %sub3A_284 = arith.subi %convert_element_type3A_262, %mul3A_283 : i32
      %get3A_285 = arith.index_cast %select_n3A_281 : i32 to index
      %get3A_286 = arith.index_cast %sub3A_284 : i32 to index
      %get3A_287 = arith.constant 0 : index
      %get3A_288 = vector.load %arg6[%get3A_285, %get3A_286, %get3A_287] : memref<157x128x128xf32, #tpu.memory_space<vmem>>, vector<1x1x128xf32>
      %get3A_289 = vector.shape_cast %get3A_288 : vector<1x1x128xf32> to vector<1x128xf32>
      %eq3A_290 = vector.broadcast %reduce_max3A_251 : f32 to vector<1x128xf32>
      %eq3A_291 = arith.cmpf oeq, %get3A_289, %eq3A_290 : vector<1x128xf32>
      %jit3A_292 = arith.constant 1.000000e+09 : f64
      %convert_element_type3A_293 = arith.truncf %jit3A_292 : f64 to f32
      %broadcast_in_dim3A_294 = vector.broadcast %convert_element_type3A_293 : f32 to vector<1x128xf32>
      %select_n3A_295 = arith.select %eq3A_291, %convert_element_type3A_16, %broadcast_in_dim3A_294 : vector<1x128xi1>, vector<1x128xf32>
      %reduce_min3A_296 = vector.shape_cast %select_n3A_295 : vector<1x128xf32> to vector<1x1x128xf32>
      %reduce_min3A_297 = arith.constant dense<0x7F800000> : vector<1xf32>
      %reduce_min3A_298 = vector.multi_reduction <minimumf>, %reduce_min3A_296, %reduce_min3A_297 [1, 2] : vector<1x1x128xf32> to vector<1xf32>
      %reduce_min3A_299 = vector.shape_cast %reduce_min3A_298 : vector<1xf32> to vector<1x1x1xf32>
      %reduce_min3A_300 = vector.extract %reduce_min3A_299[0, 0, 0] : f32 from vector<1x1x1xf32>
      %convert_element_type3A_301 = arith.fptosi %reduce_min3A_300 : f32 to i32
      %get3A_302 = arith.index_cast %select_n3A_281 : i32 to index
      %get3A_303 = arith.constant 0 : index
      %get3A_304 = vector.load %arg2[%get3A_302, %get3A_303] : memref<157x128xi32, #tpu.memory_space<vmem>>, vector<1x128xi32>
      %convert_element_type3A_305 = arith.sitofp %get3A_304 : vector<1x128xi32> to vector<1x128xf32>
      %eq3A_306 = vector.broadcast %sub3A_284 : i32 to vector<1x128xi32>
      %eq3A_307 = arith.cmpi eq, %iota3A_15, %eq3A_306 : vector<1x128xi32>
      %jit3A_308 = arith.constant -1.000000e+00 : f64
      %convert_element_type3A_309 = arith.truncf %jit3A_308 : f64 to f32
      %broadcast_in_dim3A_310 = vector.broadcast %convert_element_type3A_309 : f32 to vector<1x128xf32>
      %select_n3A_311 = arith.select %eq3A_307, %convert_element_type3A_305, %broadcast_in_dim3A_310 : vector<1x128xi1>, vector<1x128xf32>
      %reduce_max3A_312 = vector.shape_cast %select_n3A_311 : vector<1x128xf32> to vector<1x1x128xf32>
      %reduce_max3A_313 = arith.constant dense<0xFF800000> : vector<1xf32>
      %reduce_max3A_314 = vector.multi_reduction <maximumf>, %reduce_max3A_312, %reduce_max3A_313 [1, 2] : vector<1x1x128xf32> to vector<1xf32>
      %reduce_max3A_315 = vector.shape_cast %reduce_max3A_314 : vector<1xf32> to vector<1x1x1xf32>
      %reduce_max3A_316 = vector.extract %reduce_max3A_315[0, 0, 0] : f32 from vector<1x1x1xf32>
      %convert_element_type3A_317 = arith.fptosi %reduce_max3A_316 : f32 to i32
      %mul3A_318 = arith.constant 100 : i32
      %mul3A_319 = arith.muli %convert_element_type3A_262, %mul3A_318 : i32
      %add3A_320 = arith.addi %mul3A_319, %convert_element_type3A_301 : i32
      %eq3A_321 = vector.broadcast %while3A_243 : i32 to vector<1x128xi32>
      %eq3A_322 = arith.cmpi eq, %iota3A_15, %eq3A_321 : vector<1x128xi32>
      %get3A_323 = arith.constant 7 : index
      %get3A_324 = arith.constant 0 : index
      %get3A_325 = vector.load %arg3[%get3A_323, %get3A_324] : memref<8x128xf32, #tpu.memory_space<vmem>>, vector<1x128xf32>
      %broadcast_in_dim3A_326 = vector.broadcast %reduce_max3A_251 : f32 to vector<1x128xf32>
      %select_n3A_327 = arith.select %eq3A_322, %broadcast_in_dim3A_326, %get3A_325 : vector<1x128xi1>, vector<1x128xf32>
      %swap3A_328 = arith.constant 7 : index
      %swap3A_329 = arith.constant 0 : index
      %swap3A_330 = vector.load %arg3[%swap3A_328, %swap3A_329] : memref<8x128xf32, #tpu.memory_space<vmem>>, vector<1x128xf32>
      tpu.vector_store %arg3[%swap3A_328, %swap3A_329], %select_n3A_327 {strides = array<i32>} : memref<8x128xf32, #tpu.memory_space<vmem>>, vector<1x128xf32>,
      %eq3A_331 = vector.broadcast %while3A_243 : i32 to vector<1x128xi32>
      %eq3A_332 = arith.cmpi eq, %iota3A_15, %eq3A_331 : vector<1x128xi32>
      %get3A_333 = arith.constant 7 : index
      %get3A_334 = arith.constant 0 : index
      %get3A_335 = vector.load %arg4[%get3A_333, %get3A_334] : memref<8x128xi32, #tpu.memory_space<vmem>>, vector<1x128xi32>
      %broadcast_in_dim3A_336 = vector.broadcast %convert_element_type3A_317 : i32 to vector<1x128xi32>
      %select_n3A_337 = arith.select %eq3A_332, %broadcast_in_dim3A_336, %get3A_335 : vector<1x128xi1>, vector<1x128xi32>
      %swap3A_338 = arith.constant 7 : index
      %swap3A_339 = arith.constant 0 : index
      %swap3A_340 = vector.load %arg4[%swap3A_338, %swap3A_339] : memref<8x128xi32, #tpu.memory_space<vmem>>, vector<1x128xi32>
      tpu.vector_store %arg4[%swap3A_338, %swap3A_339], %select_n3A_337 {strides = array<i32>} : memref<8x128xi32, #tpu.memory_space<vmem>>, vector<1x128xi32>,
      %eq3A_341 = vector.broadcast %while3A_243 : i32 to vector<1x128xi32>
      %eq3A_342 = arith.cmpi eq, %iota3A_15, %eq3A_341 : vector<1x128xi32>
      %get3A_343 = arith.constant 7 : index
      %get3A_344 = arith.constant 0 : index
      %get3A_345 = vector.load %arg5[%get3A_343, %get3A_344] : memref<8x128xi32, #tpu.memory_space<vmem>>, vector<1x128xi32>
      %broadcast_in_dim3A_346 = vector.broadcast %add3A_320 : i32 to vector<1x128xi32>
      %select_n3A_347 = arith.select %eq3A_342, %broadcast_in_dim3A_346, %get3A_345 : vector<1x128xi1>, vector<1x128xi32>
      %swap3A_348 = arith.constant 7 : index
      %swap3A_349 = arith.constant 0 : index
      %swap3A_350 = vector.load %arg5[%swap3A_348, %swap3A_349] : memref<8x128xi32, #tpu.memory_space<vmem>>, vector<1x128xi32>
      tpu.vector_store %arg5[%swap3A_348, %swap3A_349], %select_n3A_347 {strides = array<i32>} : memref<8x128xi32, #tpu.memory_space<vmem>>, vector<1x128xi32>,
      %eq3A_351 = vector.broadcast %convert_element_type3A_301 : i32 to vector<1x128xi32>
      %eq3A_352 = arith.cmpi eq, %iota3A_15, %eq3A_351 : vector<1x128xi32>
      %jit3A_353 = arith.constant 0xFFF0000000000000 : f64
      %convert_element_type3A_354 = arith.truncf %jit3A_353 : f64 to f32
      %broadcast_in_dim3A_355 = vector.broadcast %convert_element_type3A_354 : f32 to vector<1x128xf32>
      %select_n3A_356 = arith.select %eq3A_352, %broadcast_in_dim3A_355, %get3A_289 : vector<1x128xi1>, vector<1x128xf32>
      %swap3A_357 = arith.index_cast %select_n3A_281 : i32 to index
      %swap3A_358 = arith.index_cast %sub3A_284 : i32 to index
      %swap3A_359 = arith.constant 0 : index
      %swap3A_360 = vector.load %arg6[%swap3A_357, %swap3A_358, %swap3A_359] : memref<157x128x128xf32, #tpu.memory_space<vmem>>, vector<1x1x128xf32>
      %swap3A_361 = vector.shape_cast %swap3A_360 : vector<1x1x128xf32> to vector<1x128xf32>
      %swap3A_362 = vector.shape_cast %select_n3A_356 : vector<1x128xf32> to vector<1x1x128xf32>
      tpu.vector_store %arg6[%swap3A_357, %swap3A_358, %swap3A_359], %swap3A_362 {strides = array<i32>} : memref<157x128x128xf32, #tpu.memory_space<vmem>>, vector<1x1x128xf32>,
      %reduce_max3A_363 = vector.shape_cast %select_n3A_356 : vector<1x128xf32> to vector<1x1x128xf32>
      %reduce_max3A_364 = arith.constant dense<0xFF800000> : vector<1xf32>
      %reduce_max3A_365 = vector.multi_reduction <maximumf>, %reduce_max3A_363, %reduce_max3A_364 [1, 2] : vector<1x1x128xf32> to vector<1xf32>
      %reduce_max3A_366 = vector.shape_cast %reduce_max3A_365 : vector<1xf32> to vector<1x1x1xf32>
      %reduce_max3A_367 = vector.extract %reduce_max3A_366[0, 0, 0] : f32 from vector<1x1x1xf32>
      %eq3A_368 = vector.broadcast %sub3A_284 : i32 to vector<1x128xi32>
      %eq3A_369 = arith.cmpi eq, %iota3A_15, %eq3A_368 : vector<1x128xi32>
      %get3A_370 = arith.index_cast %select_n3A_281 : i32 to index
      %get3A_371 = arith.constant 0 : index
      %get3A_372 = vector.load %arg8[%get3A_370, %get3A_371] : memref<157x128xf32, #tpu.memory_space<vmem>>, vector<1x128xf32>
      %broadcast_in_dim3A_373 = vector.broadcast %reduce_max3A_367 : f32 to vector<1x128xf32>
      %select_n3A_374 = arith.select %eq3A_369, %broadcast_in_dim3A_373, %get3A_372 : vector<1x128xi1>, vector<1x128xf32>
      %swap3A_375 = arith.index_cast %select_n3A_281 : i32 to index
      %swap3A_376 = arith.constant 0 : index
      %swap3A_377 = vector.load %arg8[%swap3A_375, %swap3A_376] : memref<157x128xf32, #tpu.memory_space<vmem>>, vector<1x128xf32>
      tpu.vector_store %arg8[%swap3A_375, %swap3A_376], %select_n3A_374 {strides = array<i32>} : memref<157x128xf32, #tpu.memory_space<vmem>>, vector<1x128xf32>,
      %while3A_378 = arith.constant 0 : i64
      scf.yield %while3A_378 : i64
    }
    %while3A_241 = arith.constant 1 : i32
    %while3A_242 = scf.for %while3A_243 = %while3A_238 to %while3A_234 step %while3A_241 iter_args(%while3A_244 = %while3A_240) -> (i64)  : i32 {
      %get3A_245 = arith.constant 0 : index
      %get3A_246 = arith.constant 0 : index
      %get3A_247 = vector.load %arg8[%get3A_245, %get3A_246] : memref<157x128xf32, #tpu.memory_space<vmem>>, vector<157x128xf32>
      %reduce_max3A = vector.shape_cast %get3A_247 : vector<157x128xf32> to vector<1x157x128xf32>
      %reduce_max3A_248 = arith.constant dense<0xFF800000> : vector<1xf32>
      %reduce_max3A_249 = vector.multi_reduction <maximumf>, %reduce_max3A, %reduce_max3A_248 [1, 2] : vector<1x157x128xf32> to vector<1xf32>
      %reduce_max3A_250 = vector.shape_cast %reduce_max3A_249 : vector<1xf32> to vector<1x1x1xf32>
      %reduce_max3A_251 = vector.extract %reduce_max3A_250[0, 0, 0] : f32 from vector<1x1x1xf32>
      %eq3A_252 = vector.broadcast %reduce_max3A_251 : f32 to vector<157x128xf32>
      %eq3A_253 = arith.cmpf oeq, %get3A_247, %eq3A_252 : vector<157x128xf32>
      %jit3A_254 = arith.constant 1.000000e+09 : f64
      %convert_element_type3A_255 = arith.truncf %jit3A_254 : f64 to f32
      %broadcast_in_dim3A_256 = vector.broadcast %convert_element_type3A_255 : f32 to vector<157x128xf32>
      %select_n3A_257 = arith.select %eq3A_253, %convert_element_type3A, %broadcast_in_dim3A_256 : vector<157x128xi1>, vector<157x128xf32>
      %reduce_min3A = vector.shape_cast %select_n3A_257 : vector<157x128xf32> to vector<1x157x128xf32>
      %reduce_min3A_258 = arith.constant dense<0x7F800000> : vector<1xf32>
      %reduce_min3A_259 = vector.multi_reduction <minimumf>, %reduce_min3A, %reduce_min3A_258 [1, 2] : vector<1x157x128xf32> to vector<1xf32>
      %reduce_min3A_260 = vector.shape_cast %reduce_min3A_259 : vector<1xf32> to vector<1x1x1xf32>
      %reduce_min3A_261 = vector.extract %reduce_min3A_260[0, 0, 0] : f32 from vector<1x1x1xf32>
      %convert_element_type3A_262 = arith.fptosi %reduce_min3A_261 : f32 to i32
      %jit3A_263 = arith.constant 128 : i64
      %convert_element_type3A_264 = arith.trunci %jit3A_263 : i64 to i32
      %div3A = arith.divsi %convert_element_type3A_262, %convert_element_type3A_264 : i32
      %sign3A = arith.constant 0 : i32
      %sign3A_265 = arith.cmpi sgt, %convert_element_type3A_262, %sign3A : i32
      %sign3A_266 = arith.extui %sign3A_265 : i1 to i32
      %sign3A_267 = arith.constant 0 : i32
      %sign3A_268 = arith.cmpi slt, %convert_element_type3A_262, %sign3A_267 : i32
      %sign3A_269 = arith.extui %sign3A_268 : i1 to i32
      %sign3A_270 = arith.subi %sign3A_266, %sign3A_269 : i32
      %sign3A_271 = arith.constant 0 : i32
      %sign3A_272 = arith.cmpi sgt, %convert_element_type3A_264, %sign3A_271 : i32
      %sign3A_273 = arith.extui %sign3A_272 : i1 to i32
      %sign3A_274 = arith.constant 0 : i32
      %sign3A_275 = arith.cmpi slt, %convert_element_type3A_264, %sign3A_274 : i32
      %sign3A_276 = arith.extui %sign3A_275 : i1 to i32
      %sign3A_277 = arith.subi %sign3A_273, %sign3A_276 : i32
      %ne3A = arith.cmpi ne, %sign3A_270, %sign3A_277 : i32
      %rem3A = arith.remsi %convert_element_type3A_262, %convert_element_type3A_264 : i32
      %ne3A_278 = arith.constant 0 : i32
      %ne3A_279 = arith.cmpi ne, %rem3A, %ne3A_278 : i32
      %and3A = arith.andi %ne3A, %ne3A_279 : i1
      %sub3A = arith.constant 1 : i32
      %sub3A_280 = arith.subi %div3A, %sub3A : i32
      %select_n3A_281 = arith.select %and3A, %sub3A_280, %div3A : i32
      %mul3A_282 = arith.constant 128 : i32
      %mul3A_283 = arith.muli %select_n3A_281, %mul3A_282 : i32
      %sub3A_284 = arith.subi %convert_element_type3A_262, %mul3A_283 : i32
      %get3A_285 = arith.index_cast %select_n3A_281 : i32 to index
      %get3A_286 = arith.index_cast %sub3A_284 : i32 to index
      %get3A_287 = arith.constant 0 : index
      %get3A_288 = vector.load %arg6[%get3A_285, %get3A_286, %get3A_287] : memref<157x128x128xf32, #tpu.memory_space<vmem>>, vector<1x1x128xf32>
      %get3A_289 = vector.shape_cast %get3A_288 : vector<1x1x128xf32> to vector<1x128xf32>
      %eq3A_290 = vector.broadcast %reduce_max3A_251 : f32 to vector<1x128xf32>
      %eq3A_291 = arith.cmpf oeq, %get3A_289, %eq3A_290 : vector<1x128xf32>
      %jit3A_292 = arith.constant 1.000000e+09 : f64
      %convert_element_type3A_293 = arith.truncf %jit3A_292 : f64 to f32
      %broadcast_in_dim3A_294 = vector.broadcast %convert_element_type3A_293 : f32 to vector<1x128xf32>
      %select_n3A_295 = arith.select %eq3A_291, %convert_element_type3A_16, %broadcast_in_dim3A_294 : vector<1x128xi1>, vector<1x128xf32>
      %reduce_min3A_296 = vector.shape_cast %select_n3A_295 : vector<1x128xf32> to vector<1x1x128xf32>
      %reduce_min3A_297 = arith.constant dense<0x7F800000> : vector<1xf32>
      %reduce_min3A_298 = vector.multi_reduction <minimumf>, %reduce_min3A_296, %reduce_min3A_297 [1, 2] : vector<1x1x128xf32> to vector<1xf32>
      %reduce_min3A_299 = vector.shape_cast %reduce_min3A_298 : vector<1xf32> to vector<1x1x1xf32>
      %reduce_min3A_300 = vector.extract %reduce_min3A_299[0, 0, 0] : f32 from vector<1x1x1xf32>
      %convert_element_type3A_301 = arith.fptosi %reduce_min3A_300 : f32 to i32
      %get3A_302 = arith.index_cast %select_n3A_281 : i32 to index
      %get3A_303 = arith.constant 0 : index
      %get3A_304 = vector.load %arg2[%get3A_302, %get3A_303] : memref<157x128xi32, #tpu.memory_space<vmem>>, vector<1x128xi32>
      %convert_element_type3A_305 = arith.sitofp %get3A_304 : vector<1x128xi32> to vector<1x128xf32>
      %eq3A_306 = vector.broadcast %sub3A_284 : i32 to vector<1x128xi32>
      %eq3A_307 = arith.cmpi eq, %iota3A_15, %eq3A_306 : vector<1x128xi32>
      %jit3A_308 = arith.constant -1.000000e+00 : f64
      %convert_element_type3A_309 = arith.truncf %jit3A_308 : f64 to f32
      %broadcast_in_dim3A_310 = vector.broadcast %convert_element_type3A_309 : f32 to vector<1x128xf32>
      %select_n3A_311 = arith.select %eq3A_307, %convert_element_type3A_305, %broadcast_in_dim3A_310 : vector<1x128xi1>, vector<1x128xf32>
      %reduce_max3A_312 = vector.shape_cast %select_n3A_311 : vector<1x128xf32> to vector<1x1x128xf32>
      %reduce_max3A_313 = arith.constant dense<0xFF800000> : vector<1xf32>
      %reduce_max3A_314 = vector.multi_reduction <maximumf>, %reduce_max3A_312, %reduce_max3A_313 [1, 2] : vector<1x1x128xf32> to vector<1xf32>
      %reduce_max3A_315 = vector.shape_cast %reduce_max3A_314 : vector<1xf32> to vector<1x1x1xf32>
      %reduce_max3A_316 = vector.extract %reduce_max3A_315[0, 0, 0] : f32 from vector<1x1x1xf32>
      %convert_element_type3A_317 = arith.fptosi %reduce_max3A_316 : f32 to i32
      %mul3A_318 = arith.constant 100 : i32
      %mul3A_319 = arith.muli %convert_element_type3A_262, %mul3A_318 : i32
      %add3A_320 = arith.addi %mul3A_319, %convert_element_type3A_301 : i32
      %eq3A_321 = vector.broadcast %while3A_243 : i32 to vector<1x128xi32>
      %eq3A_322 = arith.cmpi eq, %iota3A_15, %eq3A_321 : vector<1x128xi32>
      %get3A_323 = arith.constant 7 : index
      %get3A_324 = arith.constant 0 : index
      %get3A_325 = vector.load %arg3[%get3A_323, %get3A_324] : memref<8x128xf32, #tpu.memory_space<vmem>>, vector<1x128xf32>
      %broadcast_in_dim3A_326 = vector.broadcast %reduce_max3A_251 : f32 to vector<1x128xf32>
      %select_n3A_327 = arith.select %eq3A_322, %broadcast_in_dim3A_326, %get3A_325 : vector<1x128xi1>, vector<1x128xf32>
      %swap3A_328 = arith.constant 7 : index
      %swap3A_329 = arith.constant 0 : index
      %swap3A_330 = vector.load %arg3[%swap3A_328, %swap3A_329] : memref<8x128xf32, #tpu.memory_space<vmem>>, vector<1x128xf32>
      tpu.vector_store %arg3[%swap3A_328, %swap3A_329], %select_n3A_327 {strides = array<i32>} : memref<8x128xf32, #tpu.memory_space<vmem>>, vector<1x128xf32>,
      %eq3A_331 = vector.broadcast %while3A_243 : i32 to vector<1x128xi32>
      %eq3A_332 = arith.cmpi eq, %iota3A_15, %eq3A_331 : vector<1x128xi32>
      %get3A_333 = arith.constant 7 : index
      %get3A_334 = arith.constant 0 : index
      %get3A_335 = vector.load %arg4[%get3A_333, %get3A_334] : memref<8x128xi32, #tpu.memory_space<vmem>>, vector<1x128xi32>
      %broadcast_in_dim3A_336 = vector.broadcast %convert_element_type3A_317 : i32 to vector<1x128xi32>
      %select_n3A_337 = arith.select %eq3A_332, %broadcast_in_dim3A_336, %get3A_335 : vector<1x128xi1>, vector<1x128xi32>
      %swap3A_338 = arith.constant 7 : index
      %swap3A_339 = arith.constant 0 : index
      %swap3A_340 = vector.load %arg4[%swap3A_338, %swap3A_339] : memref<8x128xi32, #tpu.memory_space<vmem>>, vector<1x128xi32>
      tpu.vector_store %arg4[%swap3A_338, %swap3A_339], %select_n3A_337 {strides = array<i32>} : memref<8x128xi32, #tpu.memory_space<vmem>>, vector<1x128xi32>,
      %eq3A_341 = vector.broadcast %while3A_243 : i32 to vector<1x128xi32>
      %eq3A_342 = arith.cmpi eq, %iota3A_15, %eq3A_341 : vector<1x128xi32>
      %get3A_343 = arith.constant 7 : index
      %get3A_344 = arith.constant 0 : index
      %get3A_345 = vector.load %arg5[%get3A_343, %get3A_344] : memref<8x128xi32, #tpu.memory_space<vmem>>, vector<1x128xi32>
      %broadcast_in_dim3A_346 = vector.broadcast %add3A_320 : i32 to vector<1x128xi32>
      %select_n3A_347 = arith.select %eq3A_342, %broadcast_in_dim3A_346, %get3A_345 : vector<1x128xi1>, vector<1x128xi32>
      %swap3A_348 = arith.constant 7 : index
      %swap3A_349 = arith.constant 0 : index
      %swap3A_350 = vector.load %arg5[%swap3A_348, %swap3A_349] : memref<8x128xi32, #tpu.memory_space<vmem>>, vector<1x128xi32>
      tpu.vector_store %arg5[%swap3A_348, %swap3A_349], %select_n3A_347 {strides = array<i32>} : memref<8x128xi32, #tpu.memory_space<vmem>>, vector<1x128xi32>,
      %eq3A_351 = vector.broadcast %convert_element_type3A_301 : i32 to vector<1x128xi32>
      %eq3A_352 = arith.cmpi eq, %iota3A_15, %eq3A_351 : vector<1x128xi32>
      %jit3A_353 = arith.constant 0xFFF0000000000000 : f64
      %convert_element_type3A_354 = arith.truncf %jit3A_353 : f64 to f32
      %broadcast_in_dim3A_355 = vector.broadcast %convert_element_type3A_354 : f32 to vector<1x128xf32>
      %select_n3A_356 = arith.select %eq3A_352, %broadcast_in_dim3A_355, %get3A_289 : vector<1x128xi1>, vector<1x128xf32>
      %swap3A_357 = arith.index_cast %select_n3A_281 : i32 to index
      %swap3A_358 = arith.index_cast %sub3A_284 : i32 to index
      %swap3A_359 = arith.constant 0 : index
      %swap3A_360 = vector.load %arg6[%swap3A_357, %swap3A_358, %swap3A_359] : memref<157x128x128xf32, #tpu.memory_space<vmem>>, vector<1x1x128xf32>
      %swap3A_361 = vector.shape_cast %swap3A_360 : vector<1x1x128xf32> to vector<1x128xf32>
      %swap3A_362 = vector.shape_cast %select_n3A_356 : vector<1x128xf32> to vector<1x1x128xf32>
      tpu.vector_store %arg6[%swap3A_357, %swap3A_358, %swap3A_359], %swap3A_362 {strides = array<i32>} : memref<157x128x128xf32, #tpu.memory_space<vmem>>, vector<1x1x128xf32>,
      %reduce_max3A_363 = vector.shape_cast %select_n3A_356 : vector<1x128xf32> to vector<1x1x128xf32>
      %reduce_max3A_364 = arith.constant dense<0xFF800000> : vector<1xf32>
      %reduce_max3A_365 = vector.multi_reduction <maximumf>, %reduce_max3A_363, %reduce_max3A_364 [1, 2] : vector<1x1x128xf32> to vector<1xf32>
      %reduce_max3A_366 = vector.shape_cast %reduce_max3A_365 : vector<1xf32> to vector<1x1x1xf32>
      %reduce_max3A_367 = vector.extract %reduce_max3A_366[0, 0, 0] : f32 from vector<1x1x1xf32>
      %eq3A_368 = vector.broadcast %sub3A_284 : i32 to vector<1x128xi32>
      %eq3A_369 = arith.cmpi eq, %iota3A_15, %eq3A_368 : vector<1x128xi32>
      %get3A_370 = arith.index_cast %select_n3A_281 : i32 to index
      %get3A_371 = arith.constant 0 : index
      %get3A_372 = vector.load %arg8[%get3A_370, %get3A_371] : memref<157x128xf32, #tpu.memory_space<vmem>>, vector<1x128xf32>
      %broadcast_in_dim3A_373 = vector.broadcast %reduce_max3A_367 : f32 to vector<1x128xf32>
      %select_n3A_374 = arith.select %eq3A_369, %broadcast_in_dim3A_373, %get3A_372 : vector<1x128xi1>, vector<1x128xf32>
      %swap3A_375 = arith.index_cast %select_n3A_281 : i32 to index
      %swap3A_376 = arith.constant 0 : index
      %swap3A_377 = vector.load %arg8[%swap3A_375, %swap3A_376] : memref<157x128xf32, #tpu.memory_space<vmem>>, vector<1x128xf32>
      tpu.vector_store %arg8[%swap3A_375, %swap3A_376], %select_n3A_374 {strides = array<i32>} : memref<157x128xf32, #tpu.memory_space<vmem>>, vector<1x128xf32>,
      %while3A_378 = arith.constant 0 : i64
      scf.yield %while3A_378 : i64
    }
    return
  }
}

</mosaic_0001>

<sc_bundles>
// kernel: kernel.4.cloned.1.call-start
scs
__scs_entry_jumppad:
0x0: {  	(pc) =	sbr.rel $0x88, $3  }
0x1: {  	(tag) =	ssettag $0x0;
	lr =	simm.s32 $0x1  }
0x2: {  	[smem:$0x3F9C] =	sst lr;
	_ =	strace $0xD0000000  }
0x3: {  	_ = 	snop  }
0x4: {  	_ = 	snop  }
0x5: {  	_ = 	snop  }
0x6: {  	_ = 	snop  }
0x7: {  	_ = 	snop  }
__scs_overlays_trampoline_lowered:
0x8: {  	[smem:$0x3FAB] =	sst s0  }
0x9: {  	[smem:$0x3FAC] =	sst s1  }
0xa: {  	[smem:$0x3FAD] =	sst s2  }
0xb: {  	[smem:$0x3FAE] =	sst s3  }
0xc: {  	[smem:$0x3FAF] =	sst s4  }
0xd: {  	[smem:$0x3FB0] =	sst s5  }
0xe: {  	[smem:$0x3FB1] =	sst s6  }
0xf: {  	[smem:$0x3FB2] =	sst s7  }
0x10: {  	[smem:$0x3FB3] =	sst s8  }
0x11: {  	[smem:$0x3FB4] =	sst s9;
	s0 =	simm.s32 @!p0 $0x0  }
0x12: {  	s1 =	sld [smem:$0x3F9A];
	s0 =	simm.s32 @p0 $0x1  }
0x13: {  	[smem:$0x3FB5] =	sst s0;
	s0 =	simm.s32 @!p1 $0x0  }
0x14: {  	s2 =	sld [smem:$0x3F99];
	s0 =	simm.s32 @p1 $0x1  }
0x15: {  	[smem:$0x3FB6] =	sst s0;
	s0 =	simm.s32 @!p2 $0x0  }
0x16: {  	s3 =	sld [smem:$0x3FDB];
	s0 =	simm.s32 @p2 $0x1  }
0x17: {  	s4 =	simm.s32 $0x1BF5;
	[smem:$0x3FB8] =	sst s0  }
0x18: {  	s0 =	sld [smem:$0x3F9B];
	_ =	swait.ge [sflag:s4], $0x0  }
0x19: {  	s7 =	sld [smem:$0x3F9C]  }
0x1a: {  	s8 =	sadd.s32 $0xFFFFE003, lr  }
0x1b: {  	s9 =	sadd.s32 $0xFFFFFEF7, lr;
	s5 =	simm.s32 $0xFFFFFFFF;
	p2 =	slt.u32 s8, $0xFFFFF086  }
0x1c: {  	p1 =	slt.u32 s9, $0xF7A;
	s5 =	simm.s32 @!p2 $0x0  }
0x1d: {  	s5 =	simm.s32 @p1 $0x1;
	p0 =	seq.s32 s7, s2  }
0x1e: {  	s7 =	smul.u32 @!p0 $0xF7A, s2;
	p2 =	seq.s32 @!p0 s5, $0x0  }
0x1f: {  	s9 =	smul.u32 $0xF7A, s1;
	s8 =	simm.s32 @!p0 $0x1BF5;
	p2 =	por !p2, p0  }
0x20: {  	[sflag:s8] =	ssyncset.s32 @!p0 $0xFFFFF086;
	s6 =	sadd.s32 @!p0 s3, s7;
	s7 =	simm.s32 @!p0 $0x108  }
0x21: {  	s3 =	sadd.s32 s3, s9;
	s6 =	sadd.s32 @!p0 $0x88, s6;
	s7 =	simm.s32 @p2 $0x1082  }
0x22: {  	[simem:s7], [sflag:s8] =	dma.local @!p0 [hbm:s6], $0xF7A  }
0x23: {  	s9 =	sor.u32 $0xD0000000, s2;
	s6 =	simm.s32 $0x108;
	_ =	swait.ge @!p0 [sflag:s8], $0x0  }
0x24: {  	s3 =	sadd.s32 $0x88, s3;
	s6 =	simm.s32 @!p1 $0x1082;
	[sflag:s4] =	ssyncset.s32 $0xFFFFF086  }
0x25: {  	[simem:s6], [sflag:s4] =	dma.local [hbm:s3], $0xF7A  }
0x26: {  	[smem:$0x3F9C] =	sst s1;
	(tag) =	ssettag s2;
	_ =	strace s9  }
0x27: {  	s1 =	sld [smem:$0x3FAC]  }
0x28: {  	s2 =	sld [smem:$0x3FAD]  }
0x29: {  	s4 =	sld [smem:$0x3FAF]  }
0x2a: {  	p0 =	seq.s32 s5, $0x0;
	s5 =	sld [smem:$0x3FB0]  }
0x2b: {  	s6 =	sld [smem:$0x3FB1]  }
0x2c: {  	s7 =	sld [smem:$0x3FB2]  }
0x2d: {  	s3 =	simm.s32 $0x108;
	s8 =	sld [smem:$0x3FB3]  }
0x2e: {  	s3 =	simm.s32 @!p0 $0x1082;
	s9 =	sld [smem:$0x3FB4]  }
0x2f: {  	lr =	sadd.s32 s0, s3;
	s0 =	sld [smem:$0x3FAB]  }
0x30: {  	s3 =	sld [smem:$0x3FAE]  }
0x31: {  	[smem:$0x3FB7] =	sst s10  }
0x32: {  	s10 =	sld [smem:$0x3FB5];
	_ =	sdelay $0x3  }
0x33: {  	p0 =	seq.s32 s10, $0x1;
	s10 =	sld [smem:$0x3FB7];
	_ =	sdelay $0x3  }
0x34: {  	[smem:$0x3FB7] =	sst s10  }
0x35: {  	s10 =	sld [smem:$0x3FB6];
	_ =	sdelay $0x3  }
0x36: {  	p1 =	seq.s32 s10, $0x1;
	s10 =	sld [smem:$0x3FB7];
	_ =	sdelay $0x3  }
0x37: {  	[smem:$0x3FB7] =	sst s10  }
0x38: {  	s10 =	sld [smem:$0x3FB8]  }
0x39: {  	_ = 	snop;
	(pc) =	sbr.ind lr, $3  }
0x3a: {  	_ = 	snop  }
0x3b: {  	_ = 	snop  }
0x3c: {  	p2 =	seq.s32 s10, $0x1;
	s10 =	sld [smem:$0x3FB7]  }
0x3d: {  	_ =	shalt  }
0x3e: {  	_ =	shalt  }
0x3f: {  	_ =	shalt  }
0x40: {  	_ =	shalt  }
0x41: {  	_ =	shalt  }
0x42: {  	_ =	shalt  }
0x43: {  	_ =	shalt  }
0x44: {  	_ =	shalt  }
0x45: {  	_ =	shalt  }
0x46: {  	_ =	shalt  }
0x47: {  	_ =	shalt  }
0x48: {  	_ =	shalt  }
0x49: {  	_ =	shalt  }
0x4a: {  	_ =	shalt  }
0x4b: {  	_ =	shalt  }
0x4c: {  	_ =	shalt  }
0x4d: {  	_ =	shalt  }
0x4e: {  	_ =	shalt  }
0x4f: {  	_ =	shalt  }
0x50: {  	_ =	shalt  }
0x51: {  	_ =	shalt  }
0x52: {  	_ =	shalt  }
0x53: {  	_ =	shalt  }
0x54: {  	_ =	shalt  }
0x55: {  	_ =	shalt  }
0x56: {  	_ =	shalt  }
0x57: {  	_ =	shalt  }
0x58: {  	_ =	shalt  }
0x59: {  	_ =	shalt  }
0x5a: {  	_ =	shalt  }
0x5b: {  	_ =	shalt  }
0x5c: {  	_ =	shalt  }
0x5d: {  	_ =	shalt  }
0x5e: {  	_ =	shalt  }
0x5f: {  	_ =	shalt  }
0x60: {  	_ =	shalt  }
0x61: {  	_ =	shalt  }
0x62: {  	_ =	shalt  }
0x63: {  	_ =	shalt  }
0x64: {  	_ =	shalt  }
0x65: {  	_ =	shalt  }
0x66: {  	_ =	shalt  }
0x67: {  	_ =	shalt  }
0x68: {  	_ =	shalt  }
0x69: {  	_ =	shalt  }
0x6a: {  	_ =	shalt  }
0x6b: {  	_ =	shalt  }
0x6c: {  	_ =	shalt  }
0x6d: {  	_ =	shalt  }
0x6e: {  	_ =	shalt  }
0x6f: {  	_ =	shalt  }
0x70: {  	_ =	shalt  }
0x71: {  	_ =	shalt  }
0x72: {  	_ =	shalt  }
0x73: {  	_ =	shalt  }
0x74: {  	_ =	shalt  }
0x75: {  	_ =	shalt  }
0x76: {  	_ =	shalt  }
0x77: {  	_ =	shalt  }
0x78: {  	_ =	shalt  }
0x79: {  	_ =	shalt  }
0x7a: {  	_ =	shalt  }
0x7b: {  	_ =	shalt  }
0x7c: {  	_ =	shalt  }
0x7d: {  	_ =	shalt  }
0x7e: {  	_ =	shalt  }
0x7f: {  	_ =	shalt  }
0x80: {  	_ =	shalt  }
0x81: {  	_ =	shalt  }
0x82: {  	_ =	shalt  }
0x83: {  	_ =	shalt  }
0x84: {  	_ =	shalt  }
0x85: {  	_ =	shalt  }
0x86: {  	_ =	shalt  }
0x87: {  	_ =	shalt  }
.Lfunc_end0:
.L_simem_size_0:
called_computation_lowered:
.L_overlay_start_0:
0x88: {  	s2 =	sld [smem:$0x3FD9]  }
0x89: {  	s3 =	sld [smem:$0x3FFE];
	_ =	sdelay $0x1  }
0x8a: {  	s1 =	srdreg.scid  }
0x8b: {  	s0 =	sand.u32 $0x1, s1  }
0x8c: {  	s14 =	sshll.u32 s0, $0xA;
	s2 =	sadd.s32 s3, s2  }
0x8d: {  	s2 =	sadd.s32 s2, s14  }
0x8e: {  	[smem:$0x3FC3] =	sst s2  }
0x8f: {  	_ = 	snop  }
0x90: {  	s2 =	sld [smem:$0x3FD0];
	_ =	sdelay $0x2  }
0x91: {  	s15 =	simm.s32 $0xA;
	s4 =	simm.s32 $0x10  }
0x92: {  	[smem:s4], [sflag:s15] =	dma.local [hbm:s2], $0x1  }
0x93: {  	_ =	swait.eq [sflag:s15], $0x1  }
0x94: {  	[sflag:s15] =	ssyncset.done $0x0  }
0x95: {  	[sflag:s15] =	ssyncadd.s32 $0xFFFFFFFF  }
0x96: {  	s16 =	sld [smem:$0x12];
	(tm) =	ssettm $0x1  }
0x97: {  	s17 =	sld [smem:$0x3FFB];
	_ =	sdelay $0x3  }
0x98: {  	_ =	strace s17  }
0x99: {  	s3 =	sld [smem:$0x3FFC];
	_ =	sdelay $0x3  }
0x9a: {  	_ =	strace s3  }
0x9b: {  	s3 =	sld [smem:$0x3FFD];
	_ =	sdelay $0x3  }
0x9c: {  	_ =	strace s3  }
0x9d: {  	_ =	strace $0x8FFFFFFF  }
0x9e: {  	s18 =	sld [smem:$0x3FDB];
	_ =	sdelay $0x1  }
0x9f: {  	s19 =	simm.s32 $_scs_section_size  }
0xa0: {  	s5 =	simm.s32 $_size__tile_overlayer_lowered;
	s6 =	simm.s32 $_tile_overlayer_lowered  }
0xa1: {  	s22 =	simm.s32 $0x1BFF;
	s21 =	sshll.u32 s6, $0x1;
	s3 =	sadd.s32 s19, s18  }
0xa2: {  	s7 =	simm.s32 $0x0;
	s20 =	sshll.u32 s5, $0x1;
	s5 =	sadd.s32 s21, s3  }
0xa3: {  	[timem:s7], [sflag:s22] =	dma.local [hbm:s5], s20  }
0xa4: {  	_ =	swait.ge [sflag:s22], s20  }
0xa5: {  	s4 =	ssub.s32 $0x0, s20;
	[sflag:s22] =	ssyncset.done $0x0  }
0xa6: {  	[sflag:s22] =	ssyncadd.s32 s4;
	_ =	sdelay $0x1  }
0xa7: {  	s23 =	simm.s32 $0x1B8B  }
0xa8: {  	_ =	swait.ge [sflag:s23], $0x1  }
0xa9: {  	[sflag:s23] =	ssyncset.done $0x0  }
0xaa: {  	s25 =	simm.s32 $0x1B8E;
	s24 =	sld [smem:$0x3FFE];
	[sflag:s23] =	ssyncadd.s32 $0xFFFFFFFF  }
0xab: {  	s26 =	simm.s32 $execute0_lowered;
	[smem:$0x3FD2] =	sst s25  }
0xac: {  	s5 =	sshll.u32 s26, $0x1;
	_ =	strace $0x80000046;
	[dreg:$0x1] =	wrdreg $0xFFFFFFFF  }
0xad: {  	s28 =	simm.s32 $_size_execute0_lowered;
	s3 =	sadd.s32 s3, s5;
	[dreg:$0x0] =	wrdreg $0x0  }
0xae: {  	s5 =	sshll.u32 s28, $0x1;
	[dreg:$0x2] =	wrdreg s3  }
0xaf: {  	[dreg:$0x3] =	wrdreg s5  }
0xb0: {  	[dreg:$0x4] =	wrdreg $0xC0  }
0xb1: {  	_ =	task [dreg:s7], $0x5FFFF  }
0xb2: {  	[dreg:$0x1] =	wrdreg $0xFFFFFFFF  }
0xb3: {  	[dreg:$0x0] =	wrdreg $0x60  }
0xb4: {  	[dreg:$0x2] =	wrdreg s24  }
0xb5: {  	[dreg:$0x3] =	wrdreg s16  }
0xb6: {  	[dreg:$0x4] =	wrdreg $0x9  }
0xb7: {  	_ =	task.clear_ibuf [dreg:s7], $0x5FFFF;
	_ =	strace $0x90000046  }
0xb8: {  	s29 =	simm.s32 $0x9;
	_ =	strace $0x80000048  }
0xb9: {  	_ =	swait.ge [sflag:s29], $0x1  }
0xba: {  	[sflag:s29] =	ssyncadd.s32 $0xFFFFFFFF  }
0xbb: {  	_ =	strace $0x90000048  }
0xbc: {  	_ =	sfence  }
0xbd: {  	s30 =	sld [smem:$0x0];
	_ =	sdelay $0x2  }
0xbe: {  	s31 =	sshll.u32 s1, $0xD;
	s1 =	sshrl.u32 s1, $0x2  }
0xbf: {  	s3 =	sand.u32 $0x4000, s31;
	s1 =	sadd.s32 s1, s30  }
0xc0: {  	s0 =	sor.u32 s3, s0;
	s1 =	sshll.u32 s1, $0x11  }
0xc1: {  	s0 =	sor.u32 s1, s0  }
0xc2: {  	s0 =	sadd.s32 $0x8F2B, s0  }
0xc3: {  	[sflag:s0] =	ssyncadd.remote.s32 $0x1  }
0xc4: {  	_ =	sfence.sel $0xFFFF  }
0xc5: {  	[dreg:$0x0] =	wrdreg $0xFFFFFFFF;
	(pc) =	sbr.abs _section_cstart, $3  }
0xc6: {  	[dreg:$0x1] =	wrdreg $0xFFFFFFFF  }
0xc7: {  	_ =	task.clear_ibuf [dreg:s7], $0x2FFFF;
	_ =	strace $0x9FFFFFFF  }
0xc8: {  	(tm) =	ssettm $0x7FFFFFFF  }
0xc9: {  	_ =	shalt  }
tec
execute0_lowered:
.L_overlay_start_1:
0x0: {  	(tag) =	ssettag $0x1  }
0x1: {  	s5 =	rddreg [dreg:$0x0]  }
0x2: {  	s6 =	rddreg [dreg:$0x1]  }
0x3: {  	s0 =	rddreg [dreg:$0x2]  }
0x4: {  	s2 =	simm.s32 $0x0;
	s3 =	srdreg.scid;
	s1 =	stileid.u32  }
0x5: {  	s12 =	simm.s32 $0x20;
	s13 =	simm.s32 $0x80;
	s14 =	simm.s32 $0x100  }
0x6: {  	s15 =	simm.s32 $0x1;
	s16 =	simm.s32 $0x1100;
	[smem:$0x7FF] =	sst s2  }
0x7: {  	s7 =	sand.u32 $0x1, s3;
	s3 =	sadd.s32 $0x200DE00, s5;
	s8 =	sshll.u32 s1, $0x6  }
0x8: {  	v0 =	vlaneseq.u32;
	s4 =	sadd.s32 $0x1800, s5;
	s9 =	sshll.u32 s7, $0x5;
	s7 =	ssub.s32 $0x2, s7  }
0x9: {  	v0 =	vmul.u32 $0x80, v0;
	_ =	strace $0x80000047;
	s8 =	sor.u32 s9, s8;
	s10 =	sshrl.u32 s7, $0x1  }
0xa: {  	s9 =	sshrl.u32 s8, $0x3;
	s8 =	sshll.u32 s8, $0x4;
	s10 =	ssub.s32 s7, s10  }
0xb: {  	v1 =	vor.u32 $0x1, v0;
	s11 =	sadd.s32 s9, s5;
	s8 =	sadd.s32 s8, s5;
	s5 =	sadd.s32 s6, s9  }
0xc: {  	v2 =	vor.u32 $0x2, v0;
	v3 =	vor.u32 $0x3, v0;
	v4 =	vor.u32 $0x800, v0;
	s9 =	simm.s32 $0x2100;
	s6 =	sadd.s32 $0x1600, s11;
	s7 =	sadd.s32 $0x1A00, s8  }
0xd: {  	v5 =	vor.u32 $0x801, v0;
	v6 =	vor.u32 $0x802, v0;
	v7 =	vor.u32 $0x803, v0;
	s8 =	smax.u32 s10, $0x1;
	s10 =	simm.s32 $0x2;
	s11 =	simm.s32 $0x2180  }
.LBB2_1:
0xe: {  	[tilespmem:s9], [sflag:$0x2] =	stream.linear.gather [hbm4b:s4+s2], $0x80, $0x38;
	[tilespmem:$0x2200] =	vst v63  }
0xf: {  	_ =	swait.ge [sflag:s10], $0x80  }
0x10: {  	[sflag:s10] =	ssyncset.done $0x0  }
0x11: {  	[sflag:s10] =	ssyncadd.s32 $0xFFFFFF80  }
0x12: {  	[tilespmem:s2], [sflag:$0x2] =	stream.linear.gather [hbm4b:s5+s2], $0x20, $0x38;
	[tilespmem:$0x2200] =	vst v63  }
0x13: {  	_ =	swait.ge [sflag:s10], $0x20  }
0x14: {  	[sflag:s10] =	ssyncset.done $0x0  }
0x15: {  	[sflag:s10] =	ssyncadd.s32 $0xFFFFFFE0  }
0x16: {  	[tilespmem:s11], [sflag:$0x2] =	stream.linear.gather [hbm4b:s6+s2], $0x20, $0x38;
	[tilespmem:$0x2200] =	vst v63  }
0x17: {  	_ =	swait.ge [sflag:s10], $0x20  }
0x18: {  	[sflag:s10] =	ssyncset.done $0x0  }
0x19: {  	[sflag:s10] =	ssyncadd.s32 $0xFFFFFFE0  }
0x1a: {  	v8 =	vld [tilespmem:$0x0]  }
0x1b: {  	v9 =	vld [tilespmem:$0x10];
	_ =	sdelay $0x3  }
0x1c: {  	v8 =	vshrl.u32 v8, $0x5  }
0x1d: {  	[tilespmem:$0x80] =	vst v8;
	v8 =	vshrl.u32 v9, $0x5  }
0x1e: {  	[tilespmem:$0x90] =	vst v8  }
0x1f: {  	[tilespmem:s14], [sflag:$0x1] =	stream.indirect.gather [hbm4b:s3+s12], $0x80, s13, s12, $0xb8;
	[tilespmem:$0x2200] =	vst v63  }
0x20: {  	_ =	swait.ge [sflag:s15], $0x1000  }
0x21: {  	[sflag:s15] =	ssyncset.done $0x0  }
0x22: {  	[sflag:s15] =	ssyncadd.s32 $0xFFFFF000  }
0x23: {  	v8 =	vld [tilespmem:$0x0];
	_ =	sdelay $0x4  }
0x24: {  	v8 =	vshll.u32 v8, $0x2  }
0x25: {  	v54 =	vld [tilespmem:$0x2180];
	v8 =	vand.u32 $0x7C, v8  }
0x26: {  	v10 =	vor.u32 v2, v8  }
0x27: {  	v11 =	vor.u32 v3, v8  }
0x28: {  	v12 =	vor.u32 v0, v8  }
0x29: {  	v8 =	vor.u32 v1, v8  }
0x2a: {  	v9 =	vshll.u32 v54, $0x2  }
0x2b: {  	v13 =	vor.u32 $0x1, v9;
	v10 =	vld.idx.msk [tilespmem:v10+s14+$0x0], $0xffff  }
0x2c: {  	v11 =	vld.idx.msk [tilespmem:v11+s14+$0x0], $0xffff  }
0x2d: {  	v12 =	vld.idx.msk [tilespmem:v12+s14+$0x0], $0xffff  }
0x2e: {  	v8 =	vld.idx.msk [tilespmem:v8+s14+$0x0], $0xffff  }
0x2f: {  	v9 =	vld.idx.msk [tilespmem:v9+s9+$0x0], $0xffff  }
0x30: {  	v13 =	vld.idx.msk [tilespmem:v13+s9+$0x0], $0xffff;
	v10 =	vmul.f32 $5.000000000e-01, v10  }
0x31: {  	v11 =	vmul.f32 $5.000000000e-01, v11  }
0x32: {  	v14 =	vsub.f32 v12, v10  }
0x33: {  	v15 =	vsub.f32 v8, v11  }
0x34: {  	v10 =	vadd.f32 v10, v12;
	v14 =	vmul.f32 v14, v9  }
0x35: {  	v8 =	vadd.f32 v11, v8;
	v55 =	vmul.f32 v15, v13  }
0x36: {  	v9 =	vmul.f32 v10, v9;
	[tilespmem:v0+s16+$0x0] =	vst.idx.msk $0xffff, v14  }
0x37: {  	v8 =	vmul.f32 v8, v13;
	[tilespmem:v1+s16+$0x0] =	vst.idx.msk $0xffff, v55  }
0x38: {  	[tilespmem:v2+s16+$0x0] =	vst.idx.msk $0xffff, v9  }
0x39: {  	[tilespmem:v3+s16+$0x0] =	vst.idx.msk $0xffff, v8  }
0x3a: {  	v8 =	vld [tilespmem:$0x10];
	_ =	sdelay $0x4  }
0x3b: {  	v8 =	vshll.u32 v8, $0x2  }
0x3c: {  	v9 =	vld [tilespmem:$0x2190];
	v8 =	vand.u32 $0x7C, v8  }
0x3d: {  	v56 =	vor.u32 v6, v8  }
0x3e: {  	v57 =	vor.u32 v7, v8  }
0x3f: {  	v58 =	vor.u32 v4, v8  }
0x40: {  	v8 =	vor.u32 v5, v8  }
0x41: {  	v9 =	vshll.u32 v9, $0x2  }
0x42: {  	v59 =	vor.u32 $0x1, v9;
	v10 =	vld.idx.msk [tilespmem:v56+s14+$0x0], $0xffff  }
0x43: {  	v11 =	vld.idx.msk [tilespmem:v57+s14+$0x0], $0xffff  }
0x44: {  	v12 =	vld.idx.msk [tilespmem:v58+s14+$0x0], $0xffff  }
0x45: {  	v8 =	vld.idx.msk [tilespmem:v8+s14+$0x0], $0xffff  }
0x46: {  	v9 =	vld.idx.msk [tilespmem:v9+s9+$0x0], $0xffff  }
0x47: {  	v13 =	vld.idx.msk [tilespmem:v59+s9+$0x0], $0xffff;
	v10 =	vmul.f32 $5.000000000e-01, v10  }
0x48: {  	v11 =	vmul.f32 $5.000000000e-01, v11  }
0x49: {  	v60 =	vsub.f32 v12, v10  }
0x4a: {  	v61 =	vsub.f32 v8, v11  }
0x4b: {  	v10 =	vadd.f32 v10, v12;
	v62 =	vmul.f32 v60, v9  }
0x4c: {  	v8 =	vadd.f32 v11, v8;
	v63 =	vmul.f32 v61, v13  }
0x4d: {  	v9 =	vmul.f32 v10, v9;
	[tilespmem:v4+s16+$0x0] =	vst.idx.msk $0xffff, v62  }
0x4e: {  	v8 =	vmul.f32 v8, v13;
	[tilespmem:v5+s16+$0x0] =	vst.idx.msk $0xffff, v63  }
0x4f: {  	p0 =	sne.s32 s8, $0x1;
	[tilespmem:v6+s16+$0x0] =	vst.idx.msk $0xffff, v9  }
.Ltmp0:
0x50: {  	[tilespmem:v7+s16+$0x0] =	vst.idx.msk $0xffff, v8;
	(pc) =	sbr.rel @p0 .LBB2_1-.Ltmp0, $4  }
0x51: {  	[hbm4b:s7+s2] =	stream.linear.scatter [tilespmem:s16], [sflag:$0x2], $0x1000, $0x38;
	[tilespmem:$0x2200] =	vst v63  }
0x52: {  	_ =	swait.ge [sflag:s10], $0x1000  }
0x53: {  	[sflag:s10] =	ssyncset.done $0x0  }
0x54: {  	s8 =	sadd.s32 $0xFFFFFFFF, s8;
	[sflag:s10] =	ssyncadd.s32 $0xFFFFF000  }
0x55: {  	_ =	sfence.sel $0x180000  }
0x56: {  	[bflag:$0x0] =	sbarrier.arrive $0xFFFF  }
0x57: {  	p0 =	sne.s32 s1, $0x0;
	_ =	strace $0x90000047  }
0x58: {  	s0 =	sadd.s32 @!p0 $0x100000, s0;
	[bflag:$0x2] =	sbarrier.arrive $0xFFFF  }
0x59: {  	[sflag:s0] =	ssyncadd.tile.s32 @!p0 $0x1;
	_ =	shalt  }
.Lfunc_end2:
_tile_overlayer_lowered:
.L_overlay_start_2:
0x5a: {  	(tag) =	ssettag $0x2  }
0x5b: {  	s0 =	rddreg [dreg:$0x0];
	s2 =	stileid.u32  }
0x5c: {  	s1 =	rddreg [dreg:$0x1];
	p0 =	sne.s32 s2, $0x0  }
0x5d: {  	s3 =	rddreg [dreg:$0x2];
	[bflag:$0x3] =	sbarrier.arrive $0xFFFF;
	s2 =	simm.s32 @!p0 $0x1C02  }
0x5e: {  	[timem:s3], [sflag:s2] =	dma.local @!p0 [hbm:s0], s1  }
0x5f: {  	s0 =	simm.s32 @!p0 $0x2  }
0x60: {  	_ =	swait.ge @!p0 [sflag:s0], s1  }
0x61: {  	s1 =	ssub.s32 @!p0 $0x0, s1;
	[sflag:s0] =	ssyncset.done @!p0 $0x0  }
0x62: {  	[sflag:s0] =	ssyncadd.s32 @!p0 s1  }
0x63: {  	[bflag:$0x3] =	sbarrier.arrive $0xFFFF  }
0x64: {  	_ =	shalt  }

</sc_bundles>
